<compile_context>
chip_gen: v7x
topology: tpu7x:2x2x1
jax: 0.10.2.dev20260603
libtpu: 0.0.44.dev20260713+nightly
codegen_flags: <defaults>
</compile_context>

<pallas_src>
import functools

import jax
import jax.numpy as jnp
import numpy as np
from jax import lax
from jax.experimental import pallas as pl
from jax.experimental.pallas import tpu as pltpu
from jax.experimental.pallas import tpu_sc as plsc

_N = 4096
_D = 128
_CUTOFF = 5.0
_NFREQ = 20
_RB = 128
_CW = 256
_NRB = _N // _RB
_NP = _N + _CW
_KW = (_NFREQ + 1) * _CW


def _make_emb_gather():
    info = plsc.get_sparse_core_info()
    nw = info.num_cores * info.num_subcores
    b_per_w = _N // nw
    mesh = plsc.VectorSubcoreMesh(core_axis_name="c", subcore_axis_name="s")

    @functools.partial(
        pl.kernel, mesh=mesh,
        out_type=jax.ShapeDtypeStruct((_N, _D), jnp.float32),
        scratch_types=[
            pltpu.VMEM((b_per_w,), jnp.int32),
            pltpu.VMEM((b_per_w, _D), jnp.float32),
            pltpu.SemaphoreType.DMA,
        ],
    )
    def gather_kernel(table_hbm, idx_hbm, out_hbm, idx_v, rows_v, sem):
        wid = lax.axis_index("s") * info.num_cores + lax.axis_index("c")
        base = wid * b_per_w
        pltpu.sync_copy(idx_hbm.at[pl.ds(base, b_per_w)], idx_v)
        pltpu.async_copy(table_hbm.at[idx_v], rows_v, sem).wait()
        pltpu.sync_copy(rows_v, out_hbm.at[pl.ds(base, b_per_w)])

    return gather_kernel


def _phi_kernel(s_ref, w1_ref, b1_ref, w2_ref, b2_ref, phi_ref):
    s = s_ref[...]
    h = jnp.dot(s, w1_ref[...], preferred_element_type=jnp.float32) + b1_ref[...]
    h = h * jax.nn.sigmoid(h)
    phi_ref[...] = (jnp.dot(h, w2_ref[...], preferred_element_type=jnp.float32)
                    + b2_ref[...]).astype(jnp.bfloat16)


def _pair_kernel(meta_ref, pos_row_ref, batch_row_ref, posc_ref, batchc_ref,
                 phi1_ref, phi3_ref, w1_ref, w3_ref, b1_ref, b3_ref,
                 ds_ref, dv_ref, ls_a, lv_a, rs_a, rv_a):
    r = pl.program_id(0)
    start_col = meta_ref[0, r]
    num_chunks = meta_ref[1, r]

    pos_row = pos_row_ref[...]
    batch_row = batch_row_ref[...]
    sq_i = jnp.sum(pos_row * pos_row, axis=1, keepdims=True)
    row_ids = r * _RB + jax.lax.broadcasted_iota(jnp.int32, (_RB, _CW), 0)

    b1 = b1_ref[...]
    b3 = b3_ref[...]
    bf = jnp.bfloat16

    def build(w, ls_ref, lv_ref, rs_ref, rv_ref):
        w = pl.multiple_of(w, 8)
        posc = posc_ref[pl.ds(w, _CW), :].T
        batchc = batchc_ref[pl.ds(w, _CW), :].reshape(1, _CW)
        phi1 = phi1_ref[pl.ds(w, _CW), :]
        phi3 = phi3_ref[pl.ds(w, _CW), :]

        sq_j = jnp.sum(posc * posc, axis=0, keepdims=True)
        cross = jnp.dot(pos_row, posc, preferred_element_type=jnp.float32)
        d2m = jnp.maximum(sq_i + sq_j - 2.0 * cross, 0.0)
        dm = jnp.sqrt(d2m)

        col_ids = w + jax.lax.broadcasted_iota(jnp.int32, (_RB, _CW), 1)
        m = ((dm <= _CUTOFF)
             & (batch_row == batchc)
             & (row_ids != col_ids))
        mf = m.astype(jnp.float32)

        rel0 = pos_row[:, 0:1] - posc[0:1, :]
        rel1 = pos_row[:, 1:2] - posc[1:2, :]
        rel2 = pos_row[:, 2:3] - posc[2:3, :]
        d2g = rel0 * rel0 + rel1 * rel1 + rel2 * rel2
        dg = jnp.sqrt(d2g)

        d_safe = jnp.where(m, dg, 1.0)
        invd_b = (mf / d_safe).astype(bf)
        relm0_b = (rel0 * mf).astype(bf)
        relm1_b = (rel1 * mf).astype(bf)
        relm2_b = (rel2 * mf).astype(bf)
        dg_b = dg.astype(bf)

        x = dg * (np.pi / _CUTOFF)
        s_cur = jnp.sin(x)
        cos2 = 2.0 * jnp.cos(x)
        s_prev = jnp.zeros_like(s_cur)

        for k in range(_NFREQ):
            ks = slice(k * _CW, (k + 1) * _CW)
            s_b = s_cur.astype(bf)
            ls_ref[:, ks] = s_b * invd_b
            lv_ref[0 * _RB:1 * _RB, ks] = s_b * relm0_b
            lv_ref[1 * _RB:2 * _RB, ks] = s_b * relm1_b
            lv_ref[2 * _RB:3 * _RB, ks] = s_b * relm2_b
            rs_ref[ks, :] = phi1 * w1_ref[k:k + 1, :]
            rv_ref[ks, :] = phi3 * w3_ref[k:k + 1, :]
            s_prev, s_cur = s_cur, cos2 * s_cur - s_prev
        kb = slice(_NFREQ * _CW, (_NFREQ + 1) * _CW)
        ls_ref[:, kb] = mf.astype(bf)
        lv_ref[0 * _RB:1 * _RB, kb] = dg_b * relm0_b
        lv_ref[1 * _RB:2 * _RB, kb] = dg_b * relm1_b
        lv_ref[2 * _RB:3 * _RB, kb] = dg_b * relm2_b
        rs_ref[kb, :] = phi1 * b1
        rv_ref[kb, :] = phi3 * b3

    def chunk_body(t, carry):
        acc_s, acc_v = carry
        build(start_col + t * _CW, ls_a, lv_a, rs_a, rv_a)
        acc_s = acc_s + jnp.dot(ls_a[...], rs_a[...],
                                preferred_element_type=jnp.float32)
        acc_v = acc_v + jnp.dot(lv_a[...], rv_a[...],
                                preferred_element_type=jnp.float32)
        return acc_s, acc_v

    acc_s, acc_v = jax.lax.fori_loop(
        0, num_chunks, chunk_body,
        (jnp.zeros((_RB, _D), jnp.float32),
         jnp.zeros((3 * _RB, _D), jnp.float32)))

    ds_ref[...] = acc_s
    dv_ref[0] = acc_v[0 * _RB:1 * _RB, :]
    dv_ref[1] = acc_v[1 * _RB:2 * _RB, :]
    dv_ref[2] = acc_v[2 * _RB:3 * _RB, :]


@functools.partial(jax.jit, static_argnums=())
def kernel(z, pos, batch, emb_table, W_phi1, b_phi1, W_phi2, b_phi2, W_rbf, b_rbf):
    z = z.astype(jnp.int32)
    batch = batch.astype(jnp.int32)

    s = _make_emb_gather()(emb_table, z)
    w2r = jnp.concatenate([W_phi2[:, :_D], W_phi2[:, 2 * _D:]], axis=1)
    b2r = jnp.concatenate([b_phi2[:_D], b_phi2[2 * _D:]]).reshape(1, 2 * _D)
    phi = pl.pallas_call(
        _phi_kernel,
        grid=(_N // 256,),
        in_specs=[
            pl.BlockSpec((256, _D), lambda i: (i, 0)),
            pl.BlockSpec((_D, _D), lambda i: (0, 0)),
            pl.BlockSpec((1, _D), lambda i: (0, 0)),
            pl.BlockSpec((_D, 2 * _D), lambda i: (0, 0)),
            pl.BlockSpec((1, 2 * _D), lambda i: (0, 0)),
        ],
        out_specs=pl.BlockSpec((256, 2 * _D), lambda i: (i, 0)),
        out_shape=jax.ShapeDtypeStruct((_N, 2 * _D), jnp.bfloat16),
    )(s, W_phi1, b_phi1.reshape(1, _D), w2r, b2r)

    phi1 = jnp.zeros((_NP, _D), jnp.bfloat16).at[:_N].set(phi[:, :_D])
    phi3 = jnp.zeros((_NP, _D), jnp.bfloat16).at[:_N].set(phi[:, _D:])
    posc = jnp.zeros((_NP, 3), jnp.float32).at[:_N].set(pos)
    batchc = jnp.full((_NP, 1), -1, jnp.int32).at[:_N, 0].set(batch)

    b_first = batch[::_RB]
    b_last = batch[_RB - 1::_RB]
    c_lo = jnp.searchsorted(batch, b_first, side="left").astype(jnp.int32)
    c_hi = jnp.searchsorted(batch, b_last, side="right").astype(jnp.int32)
    start_col = (c_lo // 8) * 8
    num_chunks = (c_hi - start_col + _CW - 1) // _CW
    meta = jnp.stack([start_col, num_chunks]).astype(jnp.int32)

    w1 = W_rbf[:, :_D].astype(jnp.bfloat16)
    w3 = W_rbf[:, 2 * _D:].astype(jnp.bfloat16)
    b1 = b_rbf[:_D].reshape(1, _D).astype(jnp.bfloat16)
    b3 = b_rbf[2 * _D:].reshape(1, _D).astype(jnp.bfloat16)

    grid_spec = pltpu.PrefetchScalarGridSpec(
        num_scalar_prefetch=1,
        grid=(_NRB,),
        in_specs=[
            pl.BlockSpec((_RB, 3), lambda r, *_: (r, 0)),
            pl.BlockSpec((_RB, 1), lambda r, *_: (r, 0)),
            pl.BlockSpec((_NP, 3), lambda r, *_: (0, 0)),
            pl.BlockSpec((_NP, 1), lambda r, *_: (0, 0)),
            pl.BlockSpec((_NP, _D), lambda r, *_: (0, 0)),
            pl.BlockSpec((_NP, _D), lambda r, *_: (0, 0)),
            pl.BlockSpec((_NFREQ, _D), lambda r, *_: (0, 0)),
            pl.BlockSpec((_NFREQ, _D), lambda r, *_: (0, 0)),
            pl.BlockSpec((1, _D), lambda r, *_: (0, 0)),
            pl.BlockSpec((1, _D), lambda r, *_: (0, 0)),
        ],
        out_specs=[
            pl.BlockSpec((_RB, _D), lambda r, *_: (r, 0)),
            pl.BlockSpec((3, _RB, _D), lambda r, *_: (0, r, 0)),
        ],
        scratch_shapes=[
            pltpu.VMEM((_RB, _KW), jnp.bfloat16),
            pltpu.VMEM((3 * _RB, _KW), jnp.bfloat16),
            pltpu.VMEM((_KW, _D), jnp.bfloat16),
            pltpu.VMEM((_KW, _D), jnp.bfloat16),
        ],
    )
    delta_s, delta_v = pl.pallas_call(
        _pair_kernel,
        grid_spec=grid_spec,
        out_shape=[
            jax.ShapeDtypeStruct((_N, _D), jnp.float32),
            jax.ShapeDtypeStruct((3, _N, _D), jnp.float32),
        ],
    )(meta, pos, batch.reshape(_N, 1), posc, batchc, phi1, phi3, w1, w3, b1, b3)

    return delta_s, delta_v

# --- scband reference (transcript-rebuilt; emitter-appended) ---
"""Pipeline reference for scband-pai-nn-88029649699104 (READ-ONLY COPY).

The authoritative reference and input builder live on the scoring server;
editing this copy changes nothing except your own understanding.
"""

import jax, jax.numpy as jnp
import numpy as np

N = 4096
NUM_ATOMS = 100
NUM_EMB = 128
NUM_GRAPHS = 128
CUTOFF = 5.0


def setup_inputs(seed: int = 0) -> dict:
    key = jax.random.key(seed)
    ks = jax.random.split(key, 9)
    z = jax.random.randint(ks[0], (N,), 0, NUM_ATOMS)
    pos = jax.random.normal(ks[1], (N, 3), dtype=jnp.float32)
    batch = jnp.sort(jax.random.randint(ks[2], (N,), 0, NUM_GRAPHS))
    emb_table = jax.random.normal(ks[3], (NUM_ATOMS, NUM_EMB), dtype=jnp.float32)
    W_phi1 = jax.random.normal(ks[4], (NUM_EMB, NUM_EMB), dtype=jnp.float32) / np.sqrt(NUM_EMB)
    b_phi1 = jnp.zeros((NUM_EMB,), jnp.float32)
    W_phi2 = jax.random.normal(ks[5], (NUM_EMB, 3 * NUM_EMB), dtype=jnp.float32) / np.sqrt(NUM_EMB)
    b_phi2 = jnp.zeros((3 * NUM_EMB,), jnp.float32)
    W_rbf = jax.random.normal(ks[6], (20, 3 * NUM_EMB), dtype=jnp.float32) / np.sqrt(20.0)
    b_rbf = jnp.zeros((3 * NUM_EMB,), jnp.float32)
    return {"z": z, "pos": pos, "batch": batch, "emb_table": emb_table,
            "W_phi1": W_phi1, "b_phi1": b_phi1, "W_phi2": W_phi2, "b_phi2": b_phi2,
            "W_rbf": W_rbf, "b_rbf": b_rbf}


def _build_edges(pos, batch, cutoff):
    # dense cdist (faithful to torch.cdist + block_diag batch mask - self loops)
    sq = jnp.sum(pos * pos, axis=1)
    d2 = jnp.maximum(sq[:, None] + sq[None, :] - 2.0 * (pos @ pos.T), 0.0)
    d = jnp.sqrt(d2)
    mask = (d <= cutoff) & (batch[:, None] == batch[None, :])
    mask = mask & (~jnp.eye(pos.shape[0], dtype=bool))
    # torch code swaps rows: neighbours[0]=col (source j), neighbours[1]=row (target i)
    return mask


def _forward(z, pos, batch, mask, emb_table, W_phi1, b_phi1, W_phi2, b_phi2, W_rbf, b_rbf):
    n = pos.shape[0]
    s = jnp.take(emb_table, z, axis=0)               # embedding lookup [N, D]
    v = jnp.zeros((3, n, NUM_EMB), jnp.float32)       # equivariant repr initialized to zeros
    phi = jax.nn.silu(s @ W_phi1 + b_phi1)
    phi = phi @ W_phi2 + b_phi2                       # [N, 3D] per source node
    v_jp = jnp.transpose(v, (1, 2, 0))                # [N, D, 3]
    nfreq = jnp.arange(1, 21, dtype=jnp.float32)
    B = 16
    nb = n // B
    pos_blk = pos.reshape(nb, B, 3)
    mask_blk = mask.reshape(nb, B, n)

    def body(carry, xs):
        r_i, m = xs                                   # [B, 3], [B, N]
        rel_pos = r_i[:, None, :] - pos[None, :, :]   # [B, N, 3]
        distance = jnp.linalg.norm(rel_pos, axis=2)   # [B, N]
        dist_safe = jnp.where(m, distance, 1.0)
        rbf = jnp.sin(nfreq[None, None, :] * jnp.pi * dist_safe[:, :, None] / CUTOFF) / dist_safe[:, :, None]
        W = rbf @ W_rbf + b_rbf                       # [B, N, 3D]
        split = phi[None, :, :] * W
        mf = m.astype(jnp.float32)
        s1 = split[:, :, :NUM_EMB] * mf[:, :, None]
        s2 = split[:, :, NUM_EMB:2 * NUM_EMB] * mf[:, :, None]
        s3 = split[:, :, 2 * NUM_EMB:] * mf[:, :, None] * distance[:, :, None]
        ds = jnp.sum(s1, axis=1)                      # [B, D]
        dv = (jnp.einsum('jdc,ijd->idc', v_jp, s2)
              + jnp.einsum('ijd,ijc->idc', s3, rel_pos))  # [B, D, 3]
        return carry, (ds, dv)

    _, (delta_s, delta_v) = jax.lax.scan(body, None, (pos_blk, mask_blk))
    delta_s = delta_s.reshape(n, NUM_EMB)
    delta_v = delta_v.reshape(n, NUM_EMB, 3)
    delta_v = jnp.transpose(delta_v, (2, 0, 1))       # [3, N, D]
    return delta_s, delta_v


def reference(z, pos, batch, emb_table, W_phi1, b_phi1, W_phi2, b_phi2, W_rbf, b_rbf):
    mask = _build_edges(pos, batch, CUTOFF)
    return _forward(z, pos, batch, mask, emb_table, W_phi1, b_phi1, W_phi2, b_phi2, W_rbf, b_rbf)

if __name__ == "__main__":
    import jax
    _d = setup_inputs()
    print(jax.jit(kernel)(*tuple(_d.values())))

</pallas_src>

<mosaic_0001>
#map = affine_map<(d0, d1) -> (0, 0)>
#map1 = affine_map<(d0, d1) -> (0)>
module attributes {stable_mosaic.version = 14 : i64} {
  func.func @gather_kernel(%arg0: i32, %arg1: i32, %arg2: memref<100x128xf32, #tpu.memory_space<hbm>>, %arg3: memref<4096xi32, #tpu.memory_space<hbm>>, %arg4: memref<4096x128xf32, #tpu.memory_space<hbm>>, %arg5: memref<128xi32, #tpu.memory_space<vmem>>, %arg6: memref<128x128xf32, #tpu.memory_space<vmem>>, %arg7: memref<!tpu.dma_semaphore, #tpu.memory_space<semaphore_mem>>) attributes {dimension_semantics = [#tpu.dimension_semantics<core_parallel>, #tpu.dimension_semantics<subcore_parallel>], iteration_bounds = array<i64: 2, 16>, scalar_prefetch = 0 : i64, scratch_operands = 3 : i64, tpu.core_type = #tpu.core_type<sc_vector_subcore>, window_params = [{transform_indices = #map}, {transform_indices = #map1}, {transform_indices = #map}]} {
    %mul3A = arith.constant 2 : i32
    %mul3A_0 = arith.muli %arg1, %mul3A : i32
    %add3A = arith.addi %mul3A_0, %arg0 : i32
    %mul3A_1 = arith.constant 128 : i32
    %mul3A_2 = arith.muli %add3A, %mul3A_1 : i32
    "tpu.region"() ({
      %run_scoped3A = tpu.sem_alloc : memref<!tpu.dma_semaphore, #tpu.memory_space<semaphore_mem>>
      %dma_start3A_7 = tpu.memref_slice %arg3[%mul3A_2] : memref<4096xi32, #tpu.memory_space<hbm>> -> memref<128xi32, #tpu.memory_space<hbm>>
      %dma_start3A_8 = tpu.memref_slice %arg3[%mul3A_2] : memref<4096xi32, #tpu.memory_space<hbm>> -> memref<128xi32, #tpu.memory_space<hbm>>
      tpu.enqueue_dma source(%dma_start3A_8 : memref<128xi32, #tpu.memory_space<hbm>>) target(%arg5 : memref<128xi32, #tpu.memory_space<vmem>>) target_semaphore(%run_scoped3A : memref<!tpu.dma_semaphore, #tpu.memory_space<semaphore_mem>>)
      %dma_wait3A_9 = tpu.memref_slice %arg3[%mul3A_2] : memref<4096xi32, #tpu.memory_space<hbm>> -> memref<128xi32, #tpu.memory_space<hbm>>
      %dma_wait3A_10 = tpu.memref_slice %arg3[%mul3A_2] : memref<4096xi32, #tpu.memory_space<hbm>> -> memref<128xi32, #tpu.memory_space<hbm>>
      tpu.wait_dma2 semaphore(%run_scoped3A : memref<!tpu.dma_semaphore, #tpu.memory_space<semaphore_mem>>) src(%dma_wait3A_10 : memref<128xi32, #tpu.memory_space<hbm>>) dst(%arg5 : memref<128xi32, #tpu.memory_space<vmem>>)
      tpu.yield
    }) : () -> ()
    %dma_start3A = arith.constant 0 : i32
    %dma_start3A_3 = arith.constant 0 : i32
    %dma_start3A_4 = tpu.memref_slice %arg2[%dma_start3A, %dma_start3A_3] : memref<100x128xf32, #tpu.memory_space<hbm>> -> memref<100x128xf32, #tpu.memory_space<hbm>>
    tpu.enqueue_indirect_dma source(%dma_start3A_4 : memref<100x128xf32, #tpu.memory_space<hbm>>) target(%arg6 : memref<128x128xf32, #tpu.memory_space<vmem>>) offsets(%arg5 : memref<128xi32, #tpu.memory_space<vmem>>) semaphore(%arg7 : memref<!tpu.dma_semaphore, #tpu.memory_space<semaphore_mem>>)
    %dma_wait3A = arith.constant 0 : i32
    %dma_wait3A_5 = arith.constant 0 : i32
    %dma_wait3A_6 = tpu.memref_slice %arg2[%dma_wait3A, %dma_wait3A_5] : memref<100x128xf32, #tpu.memory_space<hbm>> -> memref<100x128xf32, #tpu.memory_space<hbm>>
    tpu.wait_indirect_dma semaphore(%arg7 : memref<!tpu.dma_semaphore, #tpu.memory_space<semaphore_mem>>) src(%dma_wait3A_6 : memref<100x128xf32, #tpu.memory_space<hbm>>) dst(%arg6 : memref<128x128xf32, #tpu.memory_space<vmem>>)
    "tpu.region"() ({
      %run_scoped3A = tpu.sem_alloc : memref<!tpu.dma_semaphore, #tpu.memory_space<semaphore_mem>>
      %dma_start3A_7 = arith.constant 0 : i32
      %dma_start3A_8 = tpu.memref_slice %arg4[%mul3A_2, %dma_start3A_7] : memref<4096x128xf32, #tpu.memory_space<hbm>> -> memref<128x128xf32, #tpu.memory_space<hbm>>
      %dma_start3A_9 = arith.constant 0 : i32
      %dma_start3A_10 = tpu.memref_slice %arg4[%mul3A_2, %dma_start3A_9] : memref<4096x128xf32, #tpu.memory_space<hbm>> -> memref<128x128xf32, #tpu.memory_space<hbm>>
      tpu.enqueue_dma source(%arg6 : memref<128x128xf32, #tpu.memory_space<vmem>>) target(%dma_start3A_10 : memref<128x128xf32, #tpu.memory_space<hbm>>) target_semaphore(%run_scoped3A : memref<!tpu.dma_semaphore, #tpu.memory_space<semaphore_mem>>)
      %dma_wait3A_11 = arith.constant 0 : i32
      %dma_wait3A_12 = tpu.memref_slice %arg4[%mul3A_2, %dma_wait3A_11] : memref<4096x128xf32, #tpu.memory_space<hbm>> -> memref<128x128xf32, #tpu.memory_space<hbm>>
      %dma_wait3A_13 = arith.constant 0 : i32
      %dma_wait3A_14 = tpu.memref_slice %arg4[%mul3A_2, %dma_wait3A_13] : memref<4096x128xf32, #tpu.memory_space<hbm>> -> memref<128x128xf32, #tpu.memory_space<hbm>>
      tpu.wait_dma2 semaphore(%run_scoped3A : memref<!tpu.dma_semaphore, #tpu.memory_space<semaphore_mem>>) src(%arg6 : memref<128x128xf32, #tpu.memory_space<vmem>>) dst(%dma_wait3A_14 : memref<128x128xf32, #tpu.memory_space<hbm>>)
      tpu.yield
    }) : () -> ()
    return
  }
}

module attributes {stable_mosaic.version = 14 : i64} {
  func.func @_phi_kernel(%arg0: i32, %arg1: memref<256x128xf32, #tpu.memory_space<vmem>>, %arg2: memref<128x128xf32, #tpu.memory_space<vmem>>, %arg3: memref<1x128xf32, #tpu.memory_space<vmem>>, %arg4: memref<128x256xf32, #tpu.memory_space<vmem>>, %arg5: memref<1x256xf32, #tpu.memory_space<vmem>>, %arg6: memref<256x256xbf16, #tpu.memory_space<vmem>>) attributes {dimension_semantics = [#tpu.dimension_semantics<arbitrary>], iteration_bounds = array<i64: 16>, scalar_prefetch = 0 : i64, scratch_operands = 0 : i64, tpu.core_type = #tpu.core_type<tc>, window_params = [{transform_indices = @transform_0, window_bounds = array<i64: 256, 128>}, {pipeline_mode = #tpu.pipeline_mode<synchronous>, transform_indices = @transform_1, window_bounds = array<i64: 128, 128>}, {pipeline_mode = #tpu.pipeline_mode<synchronous>, transform_indices = @transform_2, window_bounds = array<i64: 1, 128>}, {pipeline_mode = #tpu.pipeline_mode<synchronous>, transform_indices = @transform_3, window_bounds = array<i64: 128, 256>}, {pipeline_mode = #tpu.pipeline_mode<synchronous>, transform_indices = @transform_4, window_bounds = array<i64: 1, 256>}, {transform_indices = @transform_5, window_bounds = array<i64: 256, 256>}]} {
    %get3A = arith.constant 0 : index
    %get3A_0 = arith.constant 0 : index
    %get3A_1 = vector.load %arg1[%get3A, %get3A_0] : memref<256x128xf32, #tpu.memory_space<vmem>>, vector<256x128xf32>
    %get3A_2 = arith.constant 0 : index
    %get3A_3 = arith.constant 0 : index
    %get3A_4 = vector.load %arg2[%get3A_2, %get3A_3] : memref<128x128xf32, #tpu.memory_space<vmem>>, vector<128x128xf32>
    %dot_general3A = arith.constant dense<0.000000e+00> : vector<256x128xf32>
    %dot_general3A_5 = tpu.matmul %get3A_1, %get3A_4, %dot_general3A {dimension_numbers = #tpu.dot_dimension_numbers<[1], [0], [0], [1], [0, 0, 1, 1], [], []>, transpose_lhs_hint = false} : vector<256x128xf32>, vector<128x128xf32>, vector<256x128xf32> -> vector<256x128xf32>
    %get3A_6 = arith.constant 0 : index
    %get3A_7 = arith.constant 0 : index
    %get3A_8 = vector.load %arg3[%get3A_6, %get3A_7] : memref<1x128xf32, #tpu.memory_space<vmem>>, vector<1x128xf32>
    %add3A = vector.broadcast %get3A_8 : vector<1x128xf32> to vector<256x128xf32>
    %add3A_9 = arith.addf %dot_general3A_5, %add3A : vector<256x128xf32>
    %logistic3A = arith.negf %add3A_9 : vector<256x128xf32>
    %logistic3A_10 = math.exp %logistic3A : vector<256x128xf32>
    %logistic3A_11 = arith.constant 1.000000e+00 : f32
    %logistic3A_12 = vector.broadcast %logistic3A_11 : f32 to vector<256x128xf32>
    %logistic3A_13 = arith.addf %logistic3A_12, %logistic3A_10 : vector<256x128xf32>
    %logistic3A_14 = arith.divf %logistic3A_12, %logistic3A_13 : vector<256x128xf32>
    %mul3A = arith.mulf %add3A_9, %logistic3A_14 : vector<256x128xf32>
    %get3A_15 = arith.constant 0 : index
    %get3A_16 = arith.constant 0 : index
    %get3A_17 = vector.load %arg4[%get3A_15, %get3A_16] : memref<128x256xf32, #tpu.memory_space<vmem>>, vector<128x256xf32>
    %dot_general3A_18 = arith.constant dense<0.000000e+00> : vector<256x256xf32>
    %dot_general3A_19 = tpu.matmul %mul3A, %get3A_17, %dot_general3A_18 {dimension_numbers = #tpu.dot_dimension_numbers<[1], [0], [0], [1], [0, 0, 1, 1], [], []>, transpose_lhs_hint = false} : vector<256x128xf32>, vector<128x256xf32>, vector<256x256xf32> -> vector<256x256xf32>
    %get3A_20 = arith.constant 0 : index
    %get3A_21 = arith.constant 0 : index
    %get3A_22 = vector.load %arg5[%get3A_20, %get3A_21] : memref<1x256xf32, #tpu.memory_space<vmem>>, vector<1x256xf32>
    %add3A_23 = vector.broadcast %get3A_22 : vector<1x256xf32> to vector<256x256xf32>
    %add3A_24 = arith.addf %dot_general3A_19, %add3A_23 : vector<256x256xf32>
    %convert_element_type3A = arith.truncf %add3A_24 : vector<256x256xf32> to vector<256x256xbf16>
    %swap3A = arith.constant 0 : index
    %swap3A_25 = arith.constant 0 : index
    %swap3A_26 = vector.load %arg6[%swap3A, %swap3A_25] : memref<256x256xbf16, #tpu.memory_space<vmem>>, vector<256x256xbf16>
    tpu.vector_store %arg6[%swap3A, %swap3A_25], %convert_element_type3A {strides = array<i32>} : memref<256x256xbf16, #tpu.memory_space<vmem>>, vector<256x256xbf16>,
    return
  }
  func.func @transform_0(%arg0: i32) -> (i32, i32) {
    %c0_i32 = arith.constant 0 : i32
    %c0_i32_0 = arith.constant 0 : i32
    return %arg0, %c0_i32 : i32, i32
  }
  func.func @transform_1(%arg0: i32) -> (i32, i32) {
    %c0_i32 = arith.constant 0 : i32
    %c0_i32_0 = arith.constant 0 : i32
    %c0_i32_1 = arith.constant 0 : i32
    return %c0_i32, %c0_i32_0 : i32, i32
  }
  func.func @transform_2(%arg0: i32) -> (i32, i32) {
    %c0_i32 = arith.constant 0 : i32
    %c0_i32_0 = arith.constant 0 : i32
    %c0_i32_1 = arith.constant 0 : i32
    return %c0_i32, %c0_i32_0 : i32, i32
  }
  func.func @transform_3(%arg0: i32) -> (i32, i32) {
    %c0_i32 = arith.constant 0 : i32
    %c0_i32_0 = arith.constant 0 : i32
    %c0_i32_1 = arith.constant 0 : i32
    return %c0_i32, %c0_i32_0 : i32, i32
  }
  func.func @transform_4(%arg0: i32) -> (i32, i32) {
    %c0_i32 = arith.constant 0 : i32
    %c0_i32_0 = arith.constant 0 : i32
    %c0_i32_1 = arith.constant 0 : i32
    return %c0_i32, %c0_i32_0 : i32, i32
  }
  func.func @transform_5(%arg0: i32) -> (i32, i32) {
    %c0_i32 = arith.constant 0 : i32
    %c0_i32_0 = arith.constant 0 : i32
    return %arg0, %c0_i32 : i32, i32
  }
}

module attributes {stable_mosaic.version = 14 : i64} {
  func.func @_pair_kernel(%arg0: i32, %arg1: memref<2x32xi32, #tpu.memory_space<smem>>, %arg2: memref<128x3xf32, #tpu.memory_space<vmem>>, %arg3: memref<128x1xi32, #tpu.memory_space<vmem>>, %arg4: memref<4352x3xf32, #tpu.memory_space<vmem>>, %arg5: memref<4352x1xi32, #tpu.memory_space<vmem>>, %arg6: memref<4352x128xbf16, #tpu.memory_space<vmem>>, %arg7: memref<4352x128xbf16, #tpu.memory_space<vmem>>, %arg8: memref<20x128xbf16, #tpu.memory_space<vmem>>, %arg9: memref<20x128xbf16, #tpu.memory_space<vmem>>, %arg10: memref<1x128xbf16, #tpu.memory_space<vmem>>, %arg11: memref<1x128xbf16, #tpu.memory_space<vmem>>, %arg12: memref<128x128xf32, #tpu.memory_space<vmem>>, %arg13: memref<3x128x128xf32, #tpu.memory_space<vmem>>, %arg14: memref<128x5376xbf16, #tpu.memory_space<vmem>>, %arg15: memref<384x5376xbf16, #tpu.memory_space<vmem>>, %arg16: memref<5376x128xbf16, #tpu.memory_space<vmem>>, %arg17: memref<5376x128xbf16, #tpu.memory_space<vmem>>) attributes {dimension_semantics = [#tpu.dimension_semantics<arbitrary>], iteration_bounds = array<i64: 32>, scalar_prefetch = 1 : i64, scratch_operands = 4 : i64, tpu.core_type = #tpu.core_type<tc>, window_params = [{transform_indices = @transform_0, window_bounds = array<i64: 128, 3>}, {transform_indices = @transform_1, window_bounds = array<i64: 128, 1>}, {pipeline_mode = #tpu.pipeline_mode<synchronous>, transform_indices = @transform_2, window_bounds = array<i64: 4352, 3>}, {pipeline_mode = #tpu.pipeline_mode<synchronous>, transform_indices = @transform_3, window_bounds = array<i64: 4352, 1>}, {pipeline_mode = #tpu.pipeline_mode<synchronous>, transform_indices = @transform_4, window_bounds = array<i64: 4352, 128>}, {pipeline_mode = #tpu.pipeline_mode<synchronous>, transform_indices = @transform_5, window_bounds = array<i64: 4352, 128>}, {pipeline_mode = #tpu.pipeline_mode<synchronous>, transform_indices = @transform_6, window_bounds = array<i64: 20, 128>}, {pipeline_mode = #tpu.pipeline_mode<synchronous>, transform_indices = @transform_7, window_bounds = array<i64: 20, 128>}, {pipeline_mode = #tpu.pipeline_mode<synchronous>, transform_indices = @transform_8, window_bounds = array<i64: 1, 128>}, {pipeline_mode = #tpu.pipeline_mode<synchronous>, transform_indices = @transform_9, window_bounds = array<i64: 1, 128>}, {transform_indices = @transform_10, window_bounds = array<i64: 128, 128>}, {transform_indices = @transform_11, window_bounds = array<i64: 3, 128, 128>}]} {
    %get3A = arith.constant 0 : index
    %get3A_0 = arith.index_cast %arg0 : i32 to index
    %get3A_1 = memref.load %arg1[%get3A, %get3A_0] : memref<2x32xi32, #tpu.memory_space<smem>>
    %get3A_2 = arith.constant 1 : index
    %get3A_3 = arith.index_cast %arg0 : i32 to index
    %get3A_4 = memref.load %arg1[%get3A_2, %get3A_3] : memref<2x32xi32, #tpu.memory_space<smem>>
    %get3A_5 = arith.constant 0 : index
    %get3A_6 = arith.constant 0 : index
    %get3A_7 = vector.load %arg2[%get3A_5, %get3A_6] : memref<128x3xf32, #tpu.memory_space<vmem>>, vector<128x3xf32>
    %get3A_8 = arith.constant 0 : index
    %get3A_9 = arith.constant 0 : index
    %get3A_10 = vector.load %arg3[%get3A_8, %get3A_9] : memref<128x1xi32, #tpu.memory_space<vmem>>, vector<128x1xi32>
    %mul3A = arith.mulf %get3A_7, %get3A_7 : vector<128x3xf32>
    %reduce_sum3A = arith.constant dense<0.000000e+00> : vector<128xf32>
    %reduce_sum3A_11 = vector.multi_reduction <add>, %mul3A, %reduce_sum3A [1] : vector<128x3xf32> to vector<128xf32>
    %broadcast_in_dim3A = vector.shape_cast %reduce_sum3A_11 : vector<128xf32> to vector<128x1xf32>
    %mul3A_12 = arith.constant 128 : i32
    %mul3A_13 = arith.muli %arg0, %mul3A_12 : i32
    %iota3A = tpu.iota {dimensions = array<i32: 0>} : vector<128x256xi32>
    %add3A = vector.broadcast %mul3A_13 : i32 to vector<128x256xi32>
    %add3A_14 = arith.addi %add3A, %iota3A : vector<128x256xi32>
    %get3A_15 = arith.constant 0 : index
    %get3A_16 = arith.constant 0 : index
    %get3A_17 = vector.load %arg10[%get3A_15, %get3A_16] : memref<1x128xbf16, #tpu.memory_space<vmem>>, vector<1x128xbf16>
    %get3A_18 = arith.constant 0 : index
    %get3A_19 = arith.constant 0 : index
    %get3A_20 = vector.load %arg11[%get3A_18, %get3A_19] : memref<1x128xbf16, #tpu.memory_space<vmem>>, vector<1x128xbf16>
    %broadcast_in_dim3A_21 = arith.constant 0.000000e+00 : f32
    %broadcast_in_dim3A_22 = vector.broadcast %broadcast_in_dim3A_21 : f32 to vector<128x128xf32>
    %broadcast_in_dim3A_23 = arith.constant 0.000000e+00 : f32
    %broadcast_in_dim3A_24 = vector.broadcast %broadcast_in_dim3A_23 : f32 to vector<384x128xf32>
    %while3A = arith.constant 0 : i32
    %while3A_25 = arith.subi %get3A_4, %while3A : i32
    %while3A_26 = arith.addi %while3A, %while3A_25 : i32
    %while3A_27 = arith.constant 1 : i32
    %while3A_28 = arith.divsi %while3A_25, %while3A_27 : i32
    %while3A_29 = arith.muli %while3A_28, %while3A_27 : i32
    %while3A_30 = arith.addi %while3A, %while3A_29 : i32
    %while3A_31 = arith.constant 1 : i32
    %while3A_32:2 = scf.for %while3A_57 = %while3A to %while3A_30 step %while3A_31 iter_args(%while3A_58 = %broadcast_in_dim3A_22, %while3A_59 = %broadcast_in_dim3A_24) -> (vector<128x128xf32>, vector<384x128xf32>)  : i32 {
      %mul3A_60 = arith.constant 256 : i32
      %mul3A_61 = arith.muli %while3A_57, %mul3A_60 : i32
      %add3A_62 = arith.addi %get3A_1, %mul3A_61 : i32
      %multiple_of3A = tpu.assume_multiple %add3A_62, 8 : i32
      %get3A_63 = arith.index_cast %multiple_of3A : i32 to index
      %get3A_64 = arith.constant 0 : index
      %get3A_65 = vector.load %arg4[%get3A_63, %get3A_64] : memref<4352x3xf32, #tpu.memory_space<vmem>>, vector<256x3xf32>
      %transpose3A = tpu.transpose %get3A_65, [1, 0] : vector<256x3xf32> -> vector<3x256xf32>
      %get3A_66 = arith.index_cast %multiple_of3A : i32 to index
      %get3A_67 = arith.constant 0 : index
      %get3A_68 = vector.load %arg5[%get3A_66, %get3A_67] : memref<4352x1xi32, #tpu.memory_space<vmem>>, vector<256x1xi32>
      %reshape3A = vector.shape_cast %get3A_68 : vector<256x1xi32> to vector<1x256xi32>
      %get3A_69 = arith.index_cast %multiple_of3A : i32 to index
      %get3A_70 = arith.constant 0 : index
      %get3A_71 = vector.load %arg6[%get3A_69, %get3A_70] : memref<4352x128xbf16, #tpu.memory_space<vmem>>, vector<256x128xbf16>
      %get3A_72 = arith.index_cast %multiple_of3A : i32 to index
      %get3A_73 = arith.constant 0 : index
      %get3A_74 = vector.load %arg7[%get3A_72, %get3A_73] : memref<4352x128xbf16, #tpu.memory_space<vmem>>, vector<256x128xbf16>
      %mul3A_75 = arith.mulf %transpose3A, %transpose3A : vector<3x256xf32>
      %reduce_sum3A_76 = arith.constant dense<0.000000e+00> : vector<256xf32>
      %reduce_sum3A_77 = vector.multi_reduction <add>, %mul3A_75, %reduce_sum3A_76 [0] : vector<3x256xf32> to vector<256xf32>
      %broadcast_in_dim3A_78 = vector.shape_cast %reduce_sum3A_77 : vector<256xf32> to vector<1x256xf32>
      %dot_general3A = arith.constant dense<0.000000e+00> : vector<128x256xf32>
      %dot_general3A_79 = tpu.matmul %get3A_7, %transpose3A, %dot_general3A {dimension_numbers = #tpu.dot_dimension_numbers<[1], [0], [0], [1], [0, 0, 1, 1], [], []>, transpose_lhs_hint = false} : vector<128x3xf32>, vector<3x256xf32>, vector<128x256xf32> -> vector<128x256xf32>
      %add3A_80 = vector.broadcast %broadcast_in_dim3A : vector<128x1xf32> to vector<128x256xf32>
      %add3A_81 = vector.broadcast %broadcast_in_dim3A_78 : vector<1x256xf32> to vector<128x256xf32>
      %add3A_82 = arith.addf %add3A_80, %add3A_81 : vector<128x256xf32>
      %mul3A_83 = arith.constant 2.000000e+00 : f32
      %mul3A_84 = vector.broadcast %mul3A_83 : f32 to vector<128x256xf32>
      %mul3A_85 = arith.mulf %mul3A_84, %dot_general3A_79 : vector<128x256xf32>
      %sub3A = arith.subf %add3A_82, %mul3A_85 : vector<128x256xf32>
      %max3A = arith.constant 0.000000e+00 : f32
      %max3A_86 = vector.broadcast %max3A : f32 to vector<128x256xf32>
      %max3A_87 = arith.maximumf %sub3A, %max3A_86 : vector<128x256xf32>
      %sqrt3A = math.sqrt %max3A_87 : vector<128x256xf32>
      %iota3A_88 = tpu.iota {dimensions = array<i32: 1>} : vector<128x256xi32>
      %add3A_89 = vector.broadcast %multiple_of3A : i32 to vector<128x256xi32>
      %add3A_90 = arith.addi %add3A_89, %iota3A_88 : vector<128x256xi32>
      %le3A = arith.constant 5.000000e+00 : f32
      %le3A_91 = vector.broadcast %le3A : f32 to vector<128x256xf32>
      %le3A_92 = arith.cmpf ole, %sqrt3A, %le3A_91 : vector<128x256xf32>
      %eq3A = vector.broadcast %get3A_10 : vector<128x1xi32> to vector<128x256xi32>
      %eq3A_93 = vector.broadcast %reshape3A : vector<1x256xi32> to vector<128x256xi32>
      %eq3A_94 = arith.cmpi eq, %eq3A, %eq3A_93 : vector<128x256xi32>
      %and3A = arith.andi %le3A_92, %eq3A_94 : vector<128x256xi1>
      %ne3A = arith.cmpi ne, %add3A_14, %add3A_90 : vector<128x256xi32>
      %and3A_95 = arith.andi %and3A, %ne3A : vector<128x256xi1>
      %convert_element_type3A = arith.extui %and3A_95 : vector<128x256xi1> to vector<128x256xi32>
      %convert_element_type3A_96 = arith.sitofp %convert_element_type3A : vector<128x256xi32> to vector<128x256xf32>
      %slice3A_97 = vector.extract_strided_slice %get3A_7 {offsets = [0, 0], sizes = [128, 1], strides = [1, 1]} : vector<128x3xf32> to vector<128x1xf32>
      %slice3A_98 = vector.extract_strided_slice %transpose3A {offsets = [0, 0], sizes = [1, 256], strides = [1, 1]} : vector<3x256xf32> to vector<1x256xf32>
      %sub3A_99 = vector.broadcast %slice3A_97 : vector<128x1xf32> to vector<128x256xf32>
      %sub3A_100 = vector.broadcast %slice3A_98 : vector<1x256xf32> to vector<128x256xf32>
      %sub3A_101 = arith.subf %sub3A_99, %sub3A_100 : vector<128x256xf32>
      %slice3A_102 = vector.extract_strided_slice %get3A_7 {offsets = [0, 1], sizes = [128, 1], strides = [1, 1]} : vector<128x3xf32> to vector<128x1xf32>
      %slice3A_103 = vector.extract_strided_slice %transpose3A {offsets = [1, 0], sizes = [1, 256], strides = [1, 1]} : vector<3x256xf32> to vector<1x256xf32>
      %sub3A_104 = vector.broadcast %slice3A_102 : vector<128x1xf32> to vector<128x256xf32>
      %sub3A_105 = vector.broadcast %slice3A_103 : vector<1x256xf32> to vector<128x256xf32>
      %sub3A_106 = arith.subf %sub3A_104, %sub3A_105 : vector<128x256xf32>
      %slice3A_107 = vector.extract_strided_slice %get3A_7 {offsets = [0, 2], sizes = [128, 1], strides = [1, 1]} : vector<128x3xf32> to vector<128x1xf32>
      %slice3A_108 = vector.extract_strided_slice %transpose3A {offsets = [2, 0], sizes = [1, 256], strides = [1, 1]} : vector<3x256xf32> to vector<1x256xf32>
      %sub3A_109 = vector.broadcast %slice3A_107 : vector<128x1xf32> to vector<128x256xf32>
      %sub3A_110 = vector.broadcast %slice3A_108 : vector<1x256xf32> to vector<128x256xf32>
      %sub3A_111 = arith.subf %sub3A_109, %sub3A_110 : vector<128x256xf32>
      %mul3A_112 = arith.mulf %sub3A_101, %sub3A_101 : vector<128x256xf32>
      %mul3A_113 = arith.mulf %sub3A_106, %sub3A_106 : vector<128x256xf32>
      %add3A_114 = arith.addf %mul3A_112, %mul3A_113 : vector<128x256xf32>
      %mul3A_115 = arith.mulf %sub3A_111, %sub3A_111 : vector<128x256xf32>
      %add3A_116 = arith.addf %add3A_114, %mul3A_115 : vector<128x256xf32>
      %sqrt3A_117 = math.sqrt %add3A_116 : vector<128x256xf32>
      %jit3A = arith.constant 1.000000e+00 : f32
      %broadcast_in_dim3A_118 = vector.broadcast %jit3A : f32 to vector<128x256xf32>
      %select_n3A = arith.select %and3A_95, %sqrt3A_117, %broadcast_in_dim3A_118 : vector<128x256xi1>, vector<128x256xf32>
      %div3A = arith.divf %convert_element_type3A_96, %select_n3A : vector<128x256xf32>
      %convert_element_type3A_119 = arith.truncf %div3A : vector<128x256xf32> to vector<128x256xbf16>
      %mul3A_120 = arith.mulf %sub3A_101, %convert_element_type3A_96 : vector<128x256xf32>
      %convert_element_type3A_121 = arith.truncf %mul3A_120 : vector<128x256xf32> to vector<128x256xbf16>
      %mul3A_122 = arith.mulf %sub3A_106, %convert_element_type3A_96 : vector<128x256xf32>
      %convert_element_type3A_123 = arith.truncf %mul3A_122 : vector<128x256xf32> to vector<128x256xbf16>
      %mul3A_124 = arith.mulf %sub3A_111, %convert_element_type3A_96 : vector<128x256xf32>
      %convert_element_type3A_125 = arith.truncf %mul3A_124 : vector<128x256xf32> to vector<128x256xbf16>
      %convert_element_type3A_126 = arith.truncf %sqrt3A_117 : vector<128x256xf32> to vector<128x256xbf16>
      %mul3A_127 = arith.constant 0.628318548 : f32
      %mul3A_128 = vector.broadcast %mul3A_127 : f32 to vector<128x256xf32>
      %mul3A_129 = arith.mulf %sqrt3A_117, %mul3A_128 : vector<128x256xf32>
      %sin3A = math.sin %mul3A_129 : vector<128x256xf32>
      %cos3A = math.cos %mul3A_129 : vector<128x256xf32>
      %mul3A_130 = arith.constant 2.000000e+00 : f32
      %mul3A_131 = vector.broadcast %mul3A_130 : f32 to vector<128x256xf32>
      %mul3A_132 = arith.mulf %mul3A_131, %cos3A : vector<128x256xf32>
      %broadcast_in_dim3A_133 = arith.constant 0.000000e+00 : f32
      %broadcast_in_dim3A_134 = vector.broadcast %broadcast_in_dim3A_133 : f32 to vector<128x256xf32>
      %convert_element_type3A_135 = arith.truncf %sin3A : vector<128x256xf32> to vector<128x256xbf16>
      %mul3A_136 = arith.mulf %convert_element_type3A_135, %convert_element_type3A_119 : vector<128x256xbf16>
      %swap3A_137 = arith.constant 0 : index
      %swap3A_138 = arith.constant 0 : index
      %swap3A_139 = vector.load %arg14[%swap3A_137, %swap3A_138] : memref<128x5376xbf16, #tpu.memory_space<vmem>>, vector<128x256xbf16>
      tpu.vector_store %arg14[%swap3A_137, %swap3A_138], %mul3A_136 {strides = array<i32>} : memref<128x5376xbf16, #tpu.memory_space<vmem>>, vector<128x256xbf16>,
      %mul3A_140 = arith.mulf %convert_element_type3A_135, %convert_element_type3A_121 : vector<128x256xbf16>
      %swap3A_141 = arith.constant 0 : index
      %swap3A_142 = arith.constant 0 : index
      %swap3A_143 = vector.load %arg15[%swap3A_141, %swap3A_142] : memref<384x5376xbf16, #tpu.memory_space<vmem>>, vector<128x256xbf16>
      tpu.vector_store %arg15[%swap3A_141, %swap3A_142], %mul3A_140 {strides = array<i32>} : memref<384x5376xbf16, #tpu.memory_space<vmem>>, vector<128x256xbf16>,
      %mul3A_144 = arith.mulf %convert_element_type3A_135, %convert_element_type3A_123 : vector<128x256xbf16>
      %swap3A_145 = arith.constant 128 : index
      %swap3A_146 = arith.constant 0 : index
      %swap3A_147 = vector.load %arg15[%swap3A_145, %swap3A_146] : memref<384x5376xbf16, #tpu.memory_space<vmem>>, vector<128x256xbf16>
      tpu.vector_store %arg15[%swap3A_145, %swap3A_146], %mul3A_144 {strides = array<i32>} : memref<384x5376xbf16, #tpu.memory_space<vmem>>, vector<128x256xbf16>,
      %mul3A_148 = arith.mulf %convert_element_type3A_135, %convert_element_type3A_125 : vector<128x256xbf16>
      %swap3A_149 = arith.constant 256 : index
      %swap3A_150 = arith.constant 0 : index
      %swap3A_151 = vector.load %arg15[%swap3A_149, %swap3A_150] : memref<384x5376xbf16, #tpu.memory_space<vmem>>, vector<128x256xbf16>
      tpu.vector_store %arg15[%swap3A_149, %swap3A_150], %mul3A_148 {strides = array<i32>} : memref<384x5376xbf16, #tpu.memory_space<vmem>>, vector<128x256xbf16>,
      %get3A_152 = arith.constant 0 : index
      %get3A_153 = arith.constant 0 : index
      %get3A_154 = vector.load %arg8[%get3A_152, %get3A_153] : memref<20x128xbf16, #tpu.memory_space<vmem>>, vector<1x128xbf16>
      %mul3A_155 = vector.broadcast %get3A_154 : vector<1x128xbf16> to vector<256x128xbf16>
      %mul3A_156 = arith.mulf %get3A_71, %mul3A_155 : vector<256x128xbf16>
      %swap3A_157 = arith.constant 0 : index
      %swap3A_158 = arith.constant 0 : index
      %swap3A_159 = vector.load %arg16[%swap3A_157, %swap3A_158] : memref<5376x128xbf16, #tpu.memory_space<vmem>>, vector<256x128xbf16>
      tpu.vector_store %arg16[%swap3A_157, %swap3A_158], %mul3A_156 {strides = array<i32>} : memref<5376x128xbf16, #tpu.memory_space<vmem>>, vector<256x128xbf16>,
      %get3A_160 = arith.constant 0 : index
      %get3A_161 = arith.constant 0 : index
      %get3A_162 = vector.load %arg9[%get3A_160, %get3A_161] : memref<20x128xbf16, #tpu.memory_space<vmem>>, vector<1x128xbf16>
      %mul3A_163 = vector.broadcast %get3A_162 : vector<1x128xbf16> to vector<256x128xbf16>
      %mul3A_164 = arith.mulf %get3A_74, %mul3A_163 : vector<256x128xbf16>
      %swap3A_165 = arith.constant 0 : index
      %swap3A_166 = arith.constant 0 : index
      %swap3A_167 = vector.load %arg17[%swap3A_165, %swap3A_166] : memref<5376x128xbf16, #tpu.memory_space<vmem>>, vector<256x128xbf16>
      tpu.vector_store %arg17[%swap3A_165, %swap3A_166], %mul3A_164 {strides = array<i32>} : memref<5376x128xbf16, #tpu.memory_space<vmem>>, vector<256x128xbf16>,
      %mul3A_168 = arith.mulf %mul3A_132, %sin3A : vector<128x256xf32>
      %sub3A_169 = arith.subf %mul3A_168, %broadcast_in_dim3A_134 : vector<128x256xf32>
      %convert_element_type3A_170 = arith.truncf %sub3A_169 : vector<128x256xf32> to vector<128x256xbf16>
      %mul3A_171 = arith.mulf %convert_element_type3A_170, %convert_element_type3A_119 : vector<128x256xbf16>
      %swap3A_172 = arith.constant 0 : index
      %swap3A_173 = arith.constant 256 : index
      %swap3A_174 = vector.load %arg14[%swap3A_172, %swap3A_173] : memref<128x5376xbf16, #tpu.memory_space<vmem>>, vector<128x256xbf16>
      tpu.vector_store %arg14[%swap3A_172, %swap3A_173], %mul3A_171 {strides = array<i32>} : memref<128x5376xbf16, #tpu.memory_space<vmem>>, vector<128x256xbf16>,
      %mul3A_175 = arith.mulf %convert_element_type3A_170, %convert_element_type3A_121 : vector<128x256xbf16>
      %swap3A_176 = arith.constant 0 : index
      %swap3A_177 = arith.constant 256 : index
      %swap3A_178 = vector.load %arg15[%swap3A_176, %swap3A_177] : memref<384x5376xbf16, #tpu.memory_space<vmem>>, vector<128x256xbf16>
      tpu.vector_store %arg15[%swap3A_176, %swap3A_177], %mul3A_175 {strides = array<i32>} : memref<384x5376xbf16, #tpu.memory_space<vmem>>, vector<128x256xbf16>,
      %mul3A_179 = arith.mulf %convert_element_type3A_170, %convert_element_type3A_123 : vector<128x256xbf16>
      %swap3A_180 = arith.constant 128 : index
      %swap3A_181 = arith.constant 256 : index
      %swap3A_182 = vector.load %arg15[%swap3A_180, %swap3A_181] : memref<384x5376xbf16, #tpu.memory_space<vmem>>, vector<128x256xbf16>
      tpu.vector_store %arg15[%swap3A_180, %swap3A_181], %mul3A_179 {strides = array<i32>} : memref<384x5376xbf16, #tpu.memory_space<vmem>>, vector<128x256xbf16>,
      %mul3A_183 = arith.mulf %convert_element_type3A_170, %convert_element_type3A_125 : vector<128x256xbf16>
      %swap3A_184 = arith.constant 256 : index
      %swap3A_185 = arith.constant 256 : index
      %swap3A_186 = vector.load %arg15[%swap3A_184, %swap3A_185] : memref<384x5376xbf16, #tpu.memory_space<vmem>>, vector<128x256xbf16>
      tpu.vector_store %arg15[%swap3A_184, %swap3A_185], %mul3A_183 {strides = array<i32>} : memref<384x5376xbf16, #tpu.memory_space<vmem>>, vector<128x256xbf16>,
      %get3A_187 = arith.constant 1 : index
      %get3A_188 = arith.constant 0 : index
      %get3A_189 = vector.load %arg8[%get3A_187, %get3A_188] : memref<20x128xbf16, #tpu.memory_space<vmem>>, vector<1x128xbf16>
      %mul3A_190 = vector.broadcast %get3A_189 : vector<1x128xbf16> to vector<256x128xbf16>
      %mul3A_191 = arith.mulf %get3A_71, %mul3A_190 : vector<256x128xbf16>
      %swap3A_192 = arith.constant 256 : index
      %swap3A_193 = arith.constant 0 : index
      %swap3A_194 = vector.load %arg16[%swap3A_192, %swap3A_193] : memref<5376x128xbf16, #tpu.memory_space<vmem>>, vector<256x128xbf16>
      tpu.vector_store %arg16[%swap3A_192, %swap3A_193], %mul3A_191 {strides = array<i32>} : memref<5376x128xbf16, #tpu.memory_space<vmem>>, vector<256x128xbf16>,
      %get3A_195 = arith.constant 1 : index
      %get3A_196 = arith.constant 0 : index
      %get3A_197 = vector.load %arg9[%get3A_195, %get3A_196] : memref<20x128xbf16, #tpu.memory_space<vmem>>, vector<1x128xbf16>
      %mul3A_198 = vector.broadcast %get3A_197 : vector<1x128xbf16> to vector<256x128xbf16>
      %mul3A_199 = arith.mulf %get3A_74, %mul3A_198 : vector<256x128xbf16>
      %swap3A_200 = arith.constant 256 : index
      %swap3A_201 = arith.constant 0 : index
      %swap3A_202 = vector.load %arg17[%swap3A_200, %swap3A_201] : memref<5376x128xbf16, #tpu.memory_space<vmem>>, vector<256x128xbf16>
      tpu.vector_store %arg17[%swap3A_200, %swap3A_201], %mul3A_199 {strides = array<i32>} : memref<5376x128xbf16, #tpu.memory_space<vmem>>, vector<256x128xbf16>,
      %mul3A_203 = arith.mulf %mul3A_132, %sub3A_169 : vector<128x256xf32>
      %sub3A_204 = arith.subf %mul3A_203, %sin3A : vector<128x256xf32>
      %convert_element_type3A_205 = arith.truncf %sub3A_204 : vector<128x256xf32> to vector<128x256xbf16>
      %mul3A_206 = arith.mulf %convert_element_type3A_205, %convert_element_type3A_119 : vector<128x256xbf16>
      %swap3A_207 = arith.constant 0 : index
      %swap3A_208 = arith.constant 512 : index
      %swap3A_209 = vector.load %arg14[%swap3A_207, %swap3A_208] : memref<128x5376xbf16, #tpu.memory_space<vmem>>, vector<128x256xbf16>
      tpu.vector_store %arg14[%swap3A_207, %swap3A_208], %mul3A_206 {strides = array<i32>} : memref<128x5376xbf16, #tpu.memory_space<vmem>>, vector<128x256xbf16>,
      %mul3A_210 = arith.mulf %convert_element_type3A_205, %convert_element_type3A_121 : vector<128x256xbf16>
      %swap3A_211 = arith.constant 0 : index
      %swap3A_212 = arith.constant 512 : index
      %swap3A_213 = vector.load %arg15[%swap3A_211, %swap3A_212] : memref<384x5376xbf16, #tpu.memory_space<vmem>>, vector<128x256xbf16>
      tpu.vector_store %arg15[%swap3A_211, %swap3A_212], %mul3A_210 {strides = array<i32>} : memref<384x5376xbf16, #tpu.memory_space<vmem>>, vector<128x256xbf16>,
      %mul3A_214 = arith.mulf %convert_element_type3A_205, %convert_element_type3A_123 : vector<128x256xbf16>
      %swap3A_215 = arith.constant 128 : index
      %swap3A_216 = arith.constant 512 : index
      %swap3A_217 = vector.load %arg15[%swap3A_215, %swap3A_216] : memref<384x5376xbf16, #tpu.memory_space<vmem>>, vector<128x256xbf16>
      tpu.vector_store %arg15[%swap3A_215, %swap3A_216], %mul3A_214 {strides = array<i32>} : memref<384x5376xbf16, #tpu.memory_space<vmem>>, vector<128x256xbf16>,
      %mul3A_218 = arith.mulf %convert_element_type3A_205, %convert_element_type3A_125 : vector<128x256xbf16>
      %swap3A_219 = arith.constant 256 : index
      %swap3A_220 = arith.constant 512 : index
      %swap3A_221 = vector.load %arg15[%swap3A_219, %swap3A_220] : memref<384x5376xbf16, #tpu.memory_space<vmem>>, vector<128x256xbf16>
      tpu.vector_store %arg15[%swap3A_219, %swap3A_220], %mul3A_218 {strides = array<i32>} : memref<384x5376xbf16, #tpu.memory_space<vmem>>, vector<128x256xbf16>,
      %get3A_222 = arith.constant 2 : index
      %get3A_223 = arith.constant 0 : index
      %get3A_224 = vector.load %arg8[%get3A_222, %get3A_223] : memref<20x128xbf16, #tpu.memory_space<vmem>>, vector<1x128xbf16>
      %mul3A_225 = vector.broadcast %get3A_224 : vector<1x128xbf16> to vector<256x128xbf16>
      %mul3A_226 = arith.mulf %get3A_71, %mul3A_225 : vector<256x128xbf16>
      %swap3A_227 = arith.constant 512 : index
      %swap3A_228 = arith.constant 0 : index
      %swap3A_229 = vector.load %arg16[%swap3A_227, %swap3A_228] : memref<5376x128xbf16, #tpu.memory_space<vmem>>, vector<256x128xbf16>
      tpu.vector_store %arg16[%swap3A_227, %swap3A_228], %mul3A_226 {strides = array<i32>} : memref<5376x128xbf16, #tpu.memory_space<vmem>>, vector<256x128xbf16>,
      %get3A_230 = arith.constant 2 : index
      %get3A_231 = arith.constant 0 : index
      %get3A_232 = vector.load %arg9[%get3A_230, %get3A_231] : memref<20x128xbf16, #tpu.memory_space<vmem>>, vector<1x128xbf16>
      %mul3A_233 = vector.broadcast %get3A_232 : vector<1x128xbf16> to vector<256x128xbf16>
      %mul3A_234 = arith.mulf %get3A_74, %mul3A_233 : vector<256x128xbf16>
      %swap3A_235 = arith.constant 512 : index
      %swap3A_236 = arith.constant 0 : index
      %swap3A_237 = vector.load %arg17[%swap3A_235, %swap3A_236] : memref<5376x128xbf16, #tpu.memory_space<vmem>>, vector<256x128xbf16>
      tpu.vector_store %arg17[%swap3A_235, %swap3A_236], %mul3A_234 {strides = array<i32>} : memref<5376x128xbf16, #tpu.memory_space<vmem>>, vector<256x128xbf16>,
      %mul3A_238 = arith.mulf %mul3A_132, %sub3A_204 : vector<128x256xf32>
      %sub3A_239 = arith.subf %mul3A_238, %sub3A_169 : vector<128x256xf32>
      %convert_element_type3A_240 = arith.truncf %sub3A_239 : vector<128x256xf32> to vector<128x256xbf16>
      %mul3A_241 = arith.mulf %convert_element_type3A_240, %convert_element_type3A_119 : vector<128x256xbf16>
      %swap3A_242 = arith.constant 0 : index
      %swap3A_243 = arith.constant 768 : index
      %swap3A_244 = vector.load %arg14[%swap3A_242, %swap3A_243] : memref<128x5376xbf16, #tpu.memory_space<vmem>>, vector<128x256xbf16>
      tpu.vector_store %arg14[%swap3A_242, %swap3A_243], %mul3A_241 {strides = array<i32>} : memref<128x5376xbf16, #tpu.memory_space<vmem>>, vector<128x256xbf16>,
      %mul3A_245 = arith.mulf %convert_element_type3A_240, %convert_element_type3A_121 : vector<128x256xbf16>
      %swap3A_246 = arith.constant 0 : index
      %swap3A_247 = arith.constant 768 : index
      %swap3A_248 = vector.load %arg15[%swap3A_246, %swap3A_247] : memref<384x5376xbf16, #tpu.memory_space<vmem>>, vector<128x256xbf16>
      tpu.vector_store %arg15[%swap3A_246, %swap3A_247], %mul3A_245 {strides = array<i32>} : memref<384x5376xbf16, #tpu.memory_space<vmem>>, vector<128x256xbf16>,
      %mul3A_249 = arith.mulf %convert_element_type3A_240, %convert_element_type3A_123 : vector<128x256xbf16>
      %swap3A_250 = arith.constant 128 : index
      %swap3A_251 = arith.constant 768 : index
      %swap3A_252 = vector.load %arg15[%swap3A_250, %swap3A_251] : memref<384x5376xbf16, #tpu.memory_space<vmem>>, vector<128x256xbf16>
      tpu.vector_store %arg15[%swap3A_250, %swap3A_251], %mul3A_249 {strides = array<i32>} : memref<384x5376xbf16, #tpu.memory_space<vmem>>, vector<128x256xbf16>,
      %mul3A_253 = arith.mulf %convert_element_type3A_240, %convert_element_type3A_125 : vector<128x256xbf16>
      %swap3A_254 = arith.constant 256 : index
      %swap3A_255 = arith.constant 768 : index
      %swap3A_256 = vector.load %arg15[%swap3A_254, %swap3A_255] : memref<384x5376xbf16, #tpu.memory_space<vmem>>, vector<128x256xbf16>
      tpu.vector_store %arg15[%swap3A_254, %swap3A_255], %mul3A_253 {strides = array<i32>} : memref<384x5376xbf16, #tpu.memory_space<vmem>>, vector<128x256xbf16>,
      %get3A_257 = arith.constant 3 : index
      %get3A_258 = arith.constant 0 : index
      %get3A_259 = vector.load %arg8[%get3A_257, %get3A_258] : memref<20x128xbf16, #tpu.memory_space<vmem>>, vector<1x128xbf16>
      %mul3A_260 = vector.broadcast %get3A_259 : vector<1x128xbf16> to vector<256x128xbf16>
      %mul3A_261 = arith.mulf %get3A_71, %mul3A_260 : vector<256x128xbf16>
      %swap3A_262 = arith.constant 768 : index
      %swap3A_263 = arith.constant 0 : index
      %swap3A_264 = vector.load %arg16[%swap3A_262, %swap3A_263] : memref<5376x128xbf16, #tpu.memory_space<vmem>>, vector<256x128xbf16>
      tpu.vector_store %arg16[%swap3A_262, %swap3A_263], %mul3A_261 {strides = array<i32>} : memref<5376x128xbf16, #tpu.memory_space<vmem>>, vector<256x128xbf16>,
      %get3A_265 = arith.constant 3 : index
      %get3A_266 = arith.constant 0 : index
      %get3A_267 = vector.load %arg9[%get3A_265, %get3A_266] : memref<20x128xbf16, #tpu.memory_space<vmem>>, vector<1x128xbf16>
      %mul3A_268 = vector.broadcast %get3A_267 : vector<1x128xbf16> to vector<256x128xbf16>
      %mul3A_269 = arith.mulf %get3A_74, %mul3A_268 : vector<256x128xbf16>
      %swap3A_270 = arith.constant 768 : index
      %swap3A_271 = arith.constant 0 : index
      %swap3A_272 = vector.load %arg17[%swap3A_270, %swap3A_271] : memref<5376x128xbf16, #tpu.memory_space<vmem>>, vector<256x128xbf16>
      tpu.vector_store %arg17[%swap3A_270, %swap3A_271], %mul3A_269 {strides = array<i32>} : memref<5376x128xbf16, #tpu.memory_space<vmem>>, vector<256x128xbf16>,
      %mul3A_273 = arith.mulf %mul3A_132, %sub3A_239 : vector<128x256xf32>
      %sub3A_274 = arith.subf %mul3A_273, %sub3A_204 : vector<128x256xf32>
      %convert_element_type3A_275 = arith.truncf %sub3A_274 : vector<128x256xf32> to vector<128x256xbf16>
      %mul3A_276 = arith.mulf %convert_element_type3A_275, %convert_element_type3A_119 : vector<128x256xbf16>
      %swap3A_277 = arith.constant 0 : index
      %swap3A_278 = arith.constant 1024 : index
      %swap3A_279 = vector.load %arg14[%swap3A_277, %swap3A_278] : memref<128x5376xbf16, #tpu.memory_space<vmem>>, vector<128x256xbf16>
      tpu.vector_store %arg14[%swap3A_277, %swap3A_278], %mul3A_276 {strides = array<i32>} : memref<128x5376xbf16, #tpu.memory_space<vmem>>, vector<128x256xbf16>,
      %mul3A_280 = arith.mulf %convert_element_type3A_275, %convert_element_type3A_121 : vector<128x256xbf16>
      %swap3A_281 = arith.constant 0 : index
      %swap3A_282 = arith.constant 1024 : index
      %swap3A_283 = vector.load %arg15[%swap3A_281, %swap3A_282] : memref<384x5376xbf16, #tpu.memory_space<vmem>>, vector<128x256xbf16>
      tpu.vector_store %arg15[%swap3A_281, %swap3A_282], %mul3A_280 {strides = array<i32>} : memref<384x5376xbf16, #tpu.memory_space<vmem>>, vector<128x256xbf16>,
      %mul3A_284 = arith.mulf %convert_element_type3A_275, %convert_element_type3A_123 : vector<128x256xbf16>
      %swap3A_285 = arith.constant 128 : index
      %swap3A_286 = arith.constant 1024 : index
      %swap3A_287 = vector.load %arg15[%swap3A_285, %swap3A_286] : memref<384x5376xbf16, #tpu.memory_space<vmem>>, vector<128x256xbf16>
      tpu.vector_store %arg15[%swap3A_285, %swap3A_286], %mul3A_284 {strides = array<i32>} : memref<384x5376xbf16, #tpu.memory_space<vmem>>, vector<128x256xbf16>,
      %mul3A_288 = arith.mulf %convert_element_type3A_275, %convert_element_type3A_125 : vector<128x256xbf16>
      %swap3A_289 = arith.constant 256 : index
      %swap3A_290 = arith.constant 1024 : index
      %swap3A_291 = vector.load %arg15[%swap3A_289, %swap3A_290] : memref<384x5376xbf16, #tpu.memory_space<vmem>>, vector<128x256xbf16>
      tpu.vector_store %arg15[%swap3A_289, %swap3A_290], %mul3A_288 {strides = array<i32>} : memref<384x5376xbf16, #tpu.memory_space<vmem>>, vector<128x256xbf16>,
      %get3A_292 = arith.constant 4 : index
      %get3A_293 = arith.constant 0 : index
      %get3A_294 = vector.load %arg8[%get3A_292, %get3A_293] : memref<20x128xbf16, #tpu.memory_space<vmem>>, vector<1x128xbf16>
      %mul3A_295 = vector.broadcast %get3A_294 : vector<1x128xbf16> to vector<256x128xbf16>
      %mul3A_296 = arith.mulf %get3A_71, %mul3A_295 : vector<256x128xbf16>
      %swap3A_297 = arith.constant 1024 : index
      %swap3A_298 = arith.constant 0 : index
      %swap3A_299 = vector.load %arg16[%swap3A_297, %swap3A_298] : memref<5376x128xbf16, #tpu.memory_space<vmem>>, vector<256x128xbf16>
      tpu.vector_store %arg16[%swap3A_297, %swap3A_298], %mul3A_296 {strides = array<i32>} : memref<5376x128xbf16, #tpu.memory_space<vmem>>, vector<256x128xbf16>,
      %get3A_300 = arith.constant 4 : index
      %get3A_301 = arith.constant 0 : index
      %get3A_302 = vector.load %arg9[%get3A_300, %get3A_301] : memref<20x128xbf16, #tpu.memory_space<vmem>>, vector<1x128xbf16>
      %mul3A_303 = vector.broadcast %get3A_302 : vector<1x128xbf16> to vector<256x128xbf16>
      %mul3A_304 = arith.mulf %get3A_74, %mul3A_303 : vector<256x128xbf16>
      %swap3A_305 = arith.constant 1024 : index
      %swap3A_306 = arith.constant 0 : index
      %swap3A_307 = vector.load %arg17[%swap3A_305, %swap3A_306] : memref<5376x128xbf16, #tpu.memory_space<vmem>>, vector<256x128xbf16>
      tpu.vector_store %arg17[%swap3A_305, %swap3A_306], %mul3A_304 {strides = array<i32>} : memref<5376x128xbf16, #tpu.memory_space<vmem>>, vector<256x128xbf16>,
      %mul3A_308 = arith.mulf %mul3A_132, %sub3A_274 : vector<128x256xf32>
      %sub3A_309 = arith.subf %mul3A_308, %sub3A_239 : vector<128x256xf32>
      %convert_element_type3A_310 = arith.truncf %sub3A_309 : vector<128x256xf32> to vector<128x256xbf16>
      %mul3A_311 = arith.mulf %convert_element_type3A_310, %convert_element_type3A_119 : vector<128x256xbf16>
      %swap3A_312 = arith.constant 0 : index
      %swap3A_313 = arith.constant 1280 : index
      %swap3A_314 = vector.load %arg14[%swap3A_312, %swap3A_313] : memref<128x5376xbf16, #tpu.memory_space<vmem>>, vector<128x256xbf16>
      tpu.vector_store %arg14[%swap3A_312, %swap3A_313], %mul3A_311 {strides = array<i32>} : memref<128x5376xbf16, #tpu.memory_space<vmem>>, vector<128x256xbf16>,
      %mul3A_315 = arith.mulf %convert_element_type3A_310, %convert_element_type3A_121 : vector<128x256xbf16>
      %swap3A_316 = arith.constant 0 : index
      %swap3A_317 = arith.constant 1280 : index
      %swap3A_318 = vector.load %arg15[%swap3A_316, %swap3A_317] : memref<384x5376xbf16, #tpu.memory_space<vmem>>, vector<128x256xbf16>
      tpu.vector_store %arg15[%swap3A_316, %swap3A_317], %mul3A_315 {strides = array<i32>} : memref<384x5376xbf16, #tpu.memory_space<vmem>>, vector<128x256xbf16>,
      %mul3A_319 = arith.mulf %convert_element_type3A_310, %convert_element_type3A_123 : vector<128x256xbf16>
      %swap3A_320 = arith.constant 128 : index
      %swap3A_321 = arith.constant 1280 : index
      %swap3A_322 = vector.load %arg15[%swap3A_320, %swap3A_321] : memref<384x5376xbf16, #tpu.memory_space<vmem>>, vector<128x256xbf16>
      tpu.vector_store %arg15[%swap3A_320, %swap3A_321], %mul3A_319 {strides = array<i32>} : memref<384x5376xbf16, #tpu.memory_space<vmem>>, vector<128x256xbf16>,
      %mul3A_323 = arith.mulf %convert_element_type3A_310, %convert_element_type3A_125 : vector<128x256xbf16>
      %swap3A_324 = arith.constant 256 : index
      %swap3A_325 = arith.constant 1280 : index
      %swap3A_326 = vector.load %arg15[%swap3A_324, %swap3A_325] : memref<384x5376xbf16, #tpu.memory_space<vmem>>, vector<128x256xbf16>
      tpu.vector_store %arg15[%swap3A_324, %swap3A_325], %mul3A_323 {strides = array<i32>} : memref<384x5376xbf16, #tpu.memory_space<vmem>>, vector<128x256xbf16>,
      %get3A_327 = arith.constant 5 : index
      %get3A_328 = arith.constant 0 : index
      %get3A_329 = vector.load %arg8[%get3A_327, %get3A_328] : memref<20x128xbf16, #tpu.memory_space<vmem>>, vector<1x128xbf16>
      %mul3A_330 = vector.broadcast %get3A_329 : vector<1x128xbf16> to vector<256x128xbf16>
      %mul3A_331 = arith.mulf %get3A_71, %mul3A_330 : vector<256x128xbf16>
      %swap3A_332 = arith.constant 1280 : index
      %swap3A_333 = arith.constant 0 : index
      %swap3A_334 = vector.load %arg16[%swap3A_332, %swap3A_333] : memref<5376x128xbf16, #tpu.memory_space<vmem>>, vector<256x128xbf16>
      tpu.vector_store %arg16[%swap3A_332, %swap3A_333], %mul3A_331 {strides = array<i32>} : memref<5376x128xbf16, #tpu.memory_space<vmem>>, vector<256x128xbf16>,
      %get3A_335 = arith.constant 5 : index
      %get3A_336 = arith.constant 0 : index
      %get3A_337 = vector.load %arg9[%get3A_335, %get3A_336] : memref<20x128xbf16, #tpu.memory_space<vmem>>, vector<1x128xbf16>
      %mul3A_338 = vector.broadcast %get3A_337 : vector<1x128xbf16> to vector<256x128xbf16>
      %mul3A_339 = arith.mulf %get3A_74, %mul3A_338 : vector<256x128xbf16>
      %swap3A_340 = arith.constant 1280 : index
      %swap3A_341 = arith.constant 0 : index
      %swap3A_342 = vector.load %arg17[%swap3A_340, %swap3A_341] : memref<5376x128xbf16, #tpu.memory_space<vmem>>, vector<256x128xbf16>
      tpu.vector_store %arg17[%swap3A_340, %swap3A_341], %mul3A_339 {strides = array<i32>} : memref<5376x128xbf16, #tpu.memory_space<vmem>>, vector<256x128xbf16>,
      %mul3A_343 = arith.mulf %mul3A_132, %sub3A_309 : vector<128x256xf32>
      %sub3A_344 = arith.subf %mul3A_343, %sub3A_274 : vector<128x256xf32>
      %convert_element_type3A_345 = arith.truncf %sub3A_344 : vector<128x256xf32> to vector<128x256xbf16>
      %mul3A_346 = arith.mulf %convert_element_type3A_345, %convert_element_type3A_119 : vector<128x256xbf16>
      %swap3A_347 = arith.constant 0 : index
      %swap3A_348 = arith.constant 1536 : index
      %swap3A_349 = vector.load %arg14[%swap3A_347, %swap3A_348] : memref<128x5376xbf16, #tpu.memory_space<vmem>>, vector<128x256xbf16>
      tpu.vector_store %arg14[%swap3A_347, %swap3A_348], %mul3A_346 {strides = array<i32>} : memref<128x5376xbf16, #tpu.memory_space<vmem>>, vector<128x256xbf16>,
      %mul3A_350 = arith.mulf %convert_element_type3A_345, %convert_element_type3A_121 : vector<128x256xbf16>
      %swap3A_351 = arith.constant 0 : index
      %swap3A_352 = arith.constant 1536 : index
      %swap3A_353 = vector.load %arg15[%swap3A_351, %swap3A_352] : memref<384x5376xbf16, #tpu.memory_space<vmem>>, vector<128x256xbf16>
      tpu.vector_store %arg15[%swap3A_351, %swap3A_352], %mul3A_350 {strides = array<i32>} : memref<384x5376xbf16, #tpu.memory_space<vmem>>, vector<128x256xbf16>,
      %mul3A_354 = arith.mulf %convert_element_type3A_345, %convert_element_type3A_123 : vector<128x256xbf16>
      %swap3A_355 = arith.constant 128 : index
      %swap3A_356 = arith.constant 1536 : index
      %swap3A_357 = vector.load %arg15[%swap3A_355, %swap3A_356] : memref<384x5376xbf16, #tpu.memory_space<vmem>>, vector<128x256xbf16>
      tpu.vector_store %arg15[%swap3A_355, %swap3A_356], %mul3A_354 {strides = array<i32>} : memref<384x5376xbf16, #tpu.memory_space<vmem>>, vector<128x256xbf16>,
      %mul3A_358 = arith.mulf %convert_element_type3A_345, %convert_element_type3A_125 : vector<128x256xbf16>
      %swap3A_359 = arith.constant 256 : index
      %swap3A_360 = arith.constant 1536 : index
      %swap3A_361 = vector.load %arg15[%swap3A_359, %swap3A_360] : memref<384x5376xbf16, #tpu.memory_space<vmem>>, vector<128x256xbf16>
      tpu.vector_store %arg15[%swap3A_359, %swap3A_360], %mul3A_358 {strides = array<i32>} : memref<384x5376xbf16, #tpu.memory_space<vmem>>, vector<128x256xbf16>,
      %get3A_362 = arith.constant 6 : index
      %get3A_363 = arith.constant 0 : index
      %get3A_364 = vector.load %arg8[%get3A_362, %get3A_363] : memref<20x128xbf16, #tpu.memory_space<vmem>>, vector<1x128xbf16>
      %mul3A_365 = vector.broadcast %get3A_364 : vector<1x128xbf16> to vector<256x128xbf16>
      %mul3A_366 = arith.mulf %get3A_71, %mul3A_365 : vector<256x128xbf16>
      %swap3A_367 = arith.constant 1536 : index
      %swap3A_368 = arith.constant 0 : index
      %swap3A_369 = vector.load %arg16[%swap3A_367, %swap3A_368] : memref<5376x128xbf16, #tpu.memory_space<vmem>>, vector<256x128xbf16>
      tpu.vector_store %arg16[%swap3A_367, %swap3A_368], %mul3A_366 {strides = array<i32>} : memref<5376x128xbf16, #tpu.memory_space<vmem>>, vector<256x128xbf16>,
      %get3A_370 = arith.constant 6 : index
      %get3A_371 = arith.constant 0 : index
      %get3A_372 = vector.load %arg9[%get3A_370, %get3A_371] : memref<20x128xbf16, #tpu.memory_space<vmem>>, vector<1x128xbf16>
      %mul3A_373 = vector.broadcast %get3A_372 : vector<1x128xbf16> to vector<256x128xbf16>
      %mul3A_374 = arith.mulf %get3A_74, %mul3A_373 : vector<256x128xbf16>
      %swap3A_375 = arith.constant 1536 : index
      %swap3A_376 = arith.constant 0 : index
      %swap3A_377 = vector.load %arg17[%swap3A_375, %swap3A_376] : memref<5376x128xbf16, #tpu.memory_space<vmem>>, vector<256x128xbf16>
      tpu.vector_store %arg17[%swap3A_375, %swap3A_376], %mul3A_374 {strides = array<i32>} : memref<5376x128xbf16, #tpu.memory_space<vmem>>, vector<256x128xbf16>,
      %mul3A_378 = arith.mulf %mul3A_132, %sub3A_344 : vector<128x256xf32>
      %sub3A_379 = arith.subf %mul3A_378, %sub3A_309 : vector<128x256xf32>
      %convert_element_type3A_380 = arith.truncf %sub3A_379 : vector<128x256xf32> to vector<128x256xbf16>
      %mul3A_381 = arith.mulf %convert_element_type3A_380, %convert_element_type3A_119 : vector<128x256xbf16>
      %swap3A_382 = arith.constant 0 : index
      %swap3A_383 = arith.constant 1792 : index
      %swap3A_384 = vector.load %arg14[%swap3A_382, %swap3A_383] : memref<128x5376xbf16, #tpu.memory_space<vmem>>, vector<128x256xbf16>
      tpu.vector_store %arg14[%swap3A_382, %swap3A_383], %mul3A_381 {strides = array<i32>} : memref<128x5376xbf16, #tpu.memory_space<vmem>>, vector<128x256xbf16>,
      %mul3A_385 = arith.mulf %convert_element_type3A_380, %convert_element_type3A_121 : vector<128x256xbf16>
      %swap3A_386 = arith.constant 0 : index
      %swap3A_387 = arith.constant 1792 : index
      %swap3A_388 = vector.load %arg15[%swap3A_386, %swap3A_387] : memref<384x5376xbf16, #tpu.memory_space<vmem>>, vector<128x256xbf16>
      tpu.vector_store %arg15[%swap3A_386, %swap3A_387], %mul3A_385 {strides = array<i32>} : memref<384x5376xbf16, #tpu.memory_space<vmem>>, vector<128x256xbf16>,
      %mul3A_389 = arith.mulf %convert_element_type3A_380, %convert_element_type3A_123 : vector<128x256xbf16>
      %swap3A_390 = arith.constant 128 : index
      %swap3A_391 = arith.constant 1792 : index
      %swap3A_392 = vector.load %arg15[%swap3A_390, %swap3A_391] : memref<384x5376xbf16, #tpu.memory_space<vmem>>, vector<128x256xbf16>
      tpu.vector_store %arg15[%swap3A_390, %swap3A_391], %mul3A_389 {strides = array<i32>} : memref<384x5376xbf16, #tpu.memory_space<vmem>>, vector<128x256xbf16>,
      %mul3A_393 = arith.mulf %convert_element_type3A_380, %convert_element_type3A_125 : vector<128x256xbf16>
      %swap3A_394 = arith.constant 256 : index
      %swap3A_395 = arith.constant 1792 : index
      %swap3A_396 = vector.load %arg15[%swap3A_394, %swap3A_395] : memref<384x5376xbf16, #tpu.memory_space<vmem>>, vector<128x256xbf16>
      tpu.vector_store %arg15[%swap3A_394, %swap3A_395], %mul3A_393 {strides = array<i32>} : memref<384x5376xbf16, #tpu.memory_space<vmem>>, vector<128x256xbf16>,
      %get3A_397 = arith.constant 7 : index
      %get3A_398 = arith.constant 0 : index
      %get3A_399 = vector.load %arg8[%get3A_397, %get3A_398] : memref<20x128xbf16, #tpu.memory_space<vmem>>, vector<1x128xbf16>
      %mul3A_400 = vector.broadcast %get3A_399 : vector<1x128xbf16> to vector<256x128xbf16>
      %mul3A_401 = arith.mulf %get3A_71, %mul3A_400 : vector<256x128xbf16>
      %swap3A_402 = arith.constant 1792 : index
      %swap3A_403 = arith.constant 0 : index
      %swap3A_404 = vector.load %arg16[%swap3A_402, %swap3A_403] : memref<5376x128xbf16, #tpu.memory_space<vmem>>, vector<256x128xbf16>
      tpu.vector_store %arg16[%swap3A_402, %swap3A_403], %mul3A_401 {strides = array<i32>} : memref<5376x128xbf16, #tpu.memory_space<vmem>>, vector<256x128xbf16>,
      %get3A_405 = arith.constant 7 : index
      %get3A_406 = arith.constant 0 : index
      %get3A_407 = vector.load %arg9[%get3A_405, %get3A_406] : memref<20x128xbf16, #tpu.memory_space<vmem>>, vector<1x128xbf16>
      %mul3A_408 = vector.broadcast %get3A_407 : vector<1x128xbf16> to vector<256x128xbf16>
      %mul3A_409 = arith.mulf %get3A_74, %mul3A_408 : vector<256x128xbf16>
      %swap3A_410 = arith.constant 1792 : index
      %swap3A_411 = arith.constant 0 : index
      %swap3A_412 = vector.load %arg17[%swap3A_410, %swap3A_411] : memref<5376x128xbf16, #tpu.memory_space<vmem>>, vector<256x128xbf16>
      tpu.vector_store %arg17[%swap3A_410, %swap3A_411], %mul3A_409 {strides = array<i32>} : memref<5376x128xbf16, #tpu.memory_space<vmem>>, vector<256x128xbf16>,
      %mul3A_413 = arith.mulf %mul3A_132, %sub3A_379 : vector<128x256xf32>
      %sub3A_414 = arith.subf %mul3A_413, %sub3A_344 : vector<128x256xf32>
      %convert_element_type3A_415 = arith.truncf %sub3A_414 : vector<128x256xf32> to vector<128x256xbf16>
      %mul3A_416 = arith.mulf %convert_element_type3A_415, %convert_element_type3A_119 : vector<128x256xbf16>
      %swap3A_417 = arith.constant 0 : index
      %swap3A_418 = arith.constant 2048 : index
      %swap3A_419 = vector.load %arg14[%swap3A_417, %swap3A_418] : memref<128x5376xbf16, #tpu.memory_space<vmem>>, vector<128x256xbf16>
      tpu.vector_store %arg14[%swap3A_417, %swap3A_418], %mul3A_416 {strides = array<i32>} : memref<128x5376xbf16, #tpu.memory_space<vmem>>, vector<128x256xbf16>,
      %mul3A_420 = arith.mulf %convert_element_type3A_415, %convert_element_type3A_121 : vector<128x256xbf16>
      %swap3A_421 = arith.constant 0 : index
      %swap3A_422 = arith.constant 2048 : index
      %swap3A_423 = vector.load %arg15[%swap3A_421, %swap3A_422] : memref<384x5376xbf16, #tpu.memory_space<vmem>>, vector<128x256xbf16>
      tpu.vector_store %arg15[%swap3A_421, %swap3A_422], %mul3A_420 {strides = array<i32>} : memref<384x5376xbf16, #tpu.memory_space<vmem>>, vector<128x256xbf16>,
      %mul3A_424 = arith.mulf %convert_element_type3A_415, %convert_element_type3A_123 : vector<128x256xbf16>
      %swap3A_425 = arith.constant 128 : index
      %swap3A_426 = arith.constant 2048 : index
      %swap3A_427 = vector.load %arg15[%swap3A_425, %swap3A_426] : memref<384x5376xbf16, #tpu.memory_space<vmem>>, vector<128x256xbf16>
      tpu.vector_store %arg15[%swap3A_425, %swap3A_426], %mul3A_424 {strides = array<i32>} : memref<384x5376xbf16, #tpu.memory_space<vmem>>, vector<128x256xbf16>,
      %mul3A_428 = arith.mulf %convert_element_type3A_415, %convert_element_type3A_125 : vector<128x256xbf16>
      %swap3A_429 = arith.constant 256 : index
      %swap3A_430 = arith.constant 2048 : index
      %swap3A_431 = vector.load %arg15[%swap3A_429, %swap3A_430] : memref<384x5376xbf16, #tpu.memory_space<vmem>>, vector<128x256xbf16>
      tpu.vector_store %arg15[%swap3A_429, %swap3A_430], %mul3A_428 {strides = array<i32>} : memref<384x5376xbf16, #tpu.memory_space<vmem>>, vector<128x256xbf16>,
      %get3A_432 = arith.constant 8 : index
      %get3A_433 = arith.constant 0 : index
      %get3A_434 = vector.load %arg8[%get3A_432, %get3A_433] : memref<20x128xbf16, #tpu.memory_space<vmem>>, vector<1x128xbf16>
      %mul3A_435 = vector.broadcast %get3A_434 : vector<1x128xbf16> to vector<256x128xbf16>
      %mul3A_436 = arith.mulf %get3A_71, %mul3A_435 : vector<256x128xbf16>
      %swap3A_437 = arith.constant 2048 : index
      %swap3A_438 = arith.constant 0 : index
      %swap3A_439 = vector.load %arg16[%swap3A_437, %swap3A_438] : memref<5376x128xbf16, #tpu.memory_space<vmem>>, vector<256x128xbf16>
      tpu.vector_store %arg16[%swap3A_437, %swap3A_438], %mul3A_436 {strides = array<i32>} : memref<5376x128xbf16, #tpu.memory_space<vmem>>, vector<256x128xbf16>,
      %get3A_440 = arith.constant 8 : index
      %get3A_441 = arith.constant 0 : index
      %get3A_442 = vector.load %arg9[%get3A_440, %get3A_441] : memref<20x128xbf16, #tpu.memory_space<vmem>>, vector<1x128xbf16>
      %mul3A_443 = vector.broadcast %get3A_442 : vector<1x128xbf16> to vector<256x128xbf16>
      %mul3A_444 = arith.mulf %get3A_74, %mul3A_443 : vector<256x128xbf16>
      %swap3A_445 = arith.constant 2048 : index
      %swap3A_446 = arith.constant 0 : index
      %swap3A_447 = vector.load %arg17[%swap3A_445, %swap3A_446] : memref<5376x128xbf16, #tpu.memory_space<vmem>>, vector<256x128xbf16>
      tpu.vector_store %arg17[%swap3A_445, %swap3A_446], %mul3A_444 {strides = array<i32>} : memref<5376x128xbf16, #tpu.memory_space<vmem>>, vector<256x128xbf16>,
      %mul3A_448 = arith.mulf %mul3A_132, %sub3A_414 : vector<128x256xf32>
      %sub3A_449 = arith.subf %mul3A_448, %sub3A_379 : vector<128x256xf32>
      %convert_element_type3A_450 = arith.truncf %sub3A_449 : vector<128x256xf32> to vector<128x256xbf16>
      %mul3A_451 = arith.mulf %convert_element_type3A_450, %convert_element_type3A_119 : vector<128x256xbf16>
      %swap3A_452 = arith.constant 0 : index
      %swap3A_453 = arith.constant 2304 : index
      %swap3A_454 = vector.load %arg14[%swap3A_452, %swap3A_453] : memref<128x5376xbf16, #tpu.memory_space<vmem>>, vector<128x256xbf16>
      tpu.vector_store %arg14[%swap3A_452, %swap3A_453], %mul3A_451 {strides = array<i32>} : memref<128x5376xbf16, #tpu.memory_space<vmem>>, vector<128x256xbf16>,
      %mul3A_455 = arith.mulf %convert_element_type3A_450, %convert_element_type3A_121 : vector<128x256xbf16>
      %swap3A_456 = arith.constant 0 : index
      %swap3A_457 = arith.constant 2304 : index
      %swap3A_458 = vector.load %arg15[%swap3A_456, %swap3A_457] : memref<384x5376xbf16, #tpu.memory_space<vmem>>, vector<128x256xbf16>
      tpu.vector_store %arg15[%swap3A_456, %swap3A_457], %mul3A_455 {strides = array<i32>} : memref<384x5376xbf16, #tpu.memory_space<vmem>>, vector<128x256xbf16>,
      %mul3A_459 = arith.mulf %convert_element_type3A_450, %convert_element_type3A_123 : vector<128x256xbf16>
      %swap3A_460 = arith.constant 128 : index
      %swap3A_461 = arith.constant 2304 : index
      %swap3A_462 = vector.load %arg15[%swap3A_460, %swap3A_461] : memref<384x5376xbf16, #tpu.memory_space<vmem>>, vector<128x256xbf16>
      tpu.vector_store %arg15[%swap3A_460, %swap3A_461], %mul3A_459 {strides = array<i32>} : memref<384x5376xbf16, #tpu.memory_space<vmem>>, vector<128x256xbf16>,
      %mul3A_463 = arith.mulf %convert_element_type3A_450, %convert_element_type3A_125 : vector<128x256xbf16>
      %swap3A_464 = arith.constant 256 : index
      %swap3A_465 = arith.constant 2304 : index
      %swap3A_466 = vector.load %arg15[%swap3A_464, %swap3A_465] : memref<384x5376xbf16, #tpu.memory_space<vmem>>, vector<128x256xbf16>
      tpu.vector_store %arg15[%swap3A_464, %swap3A_465], %mul3A_463 {strides = array<i32>} : memref<384x5376xbf16, #tpu.memory_space<vmem>>, vector<128x256xbf16>,
      %get3A_467 = arith.constant 9 : index
      %get3A_468 = arith.constant 0 : index
      %get3A_469 = vector.load %arg8[%get3A_467, %get3A_468] : memref<20x128xbf16, #tpu.memory_space<vmem>>, vector<1x128xbf16>
      %mul3A_470 = vector.broadcast %get3A_469 : vector<1x128xbf16> to vector<256x128xbf16>
      %mul3A_471 = arith.mulf %get3A_71, %mul3A_470 : vector<256x128xbf16>
      %swap3A_472 = arith.constant 2304 : index
      %swap3A_473 = arith.constant 0 : index
      %swap3A_474 = vector.load %arg16[%swap3A_472, %swap3A_473] : memref<5376x128xbf16, #tpu.memory_space<vmem>>, vector<256x128xbf16>
      tpu.vector_store %arg16[%swap3A_472, %swap3A_473], %mul3A_471 {strides = array<i32>} : memref<5376x128xbf16, #tpu.memory_space<vmem>>, vector<256x128xbf16>,
      %get3A_475 = arith.constant 9 : index
      %get3A_476 = arith.constant 0 : index
      %get3A_477 = vector.load %arg9[%get3A_475, %get3A_476] : memref<20x128xbf16, #tpu.memory_space<vmem>>, vector<1x128xbf16>
      %mul3A_478 = vector.broadcast %get3A_477 : vector<1x128xbf16> to vector<256x128xbf16>
      %mul3A_479 = arith.mulf %get3A_74, %mul3A_478 : vector<256x128xbf16>
      %swap3A_480 = arith.constant 2304 : index
      %swap3A_481 = arith.constant 0 : index
      %swap3A_482 = vector.load %arg17[%swap3A_480, %swap3A_481] : memref<5376x128xbf16, #tpu.memory_space<vmem>>, vector<256x128xbf16>
      tpu.vector_store %arg17[%swap3A_480, %swap3A_481], %mul3A_479 {strides = array<i32>} : memref<5376x128xbf16, #tpu.memory_space<vmem>>, vector<256x128xbf16>,
      %mul3A_483 = arith.mulf %mul3A_132, %sub3A_449 : vector<128x256xf32>
      %sub3A_484 = arith.subf %mul3A_483, %sub3A_414 : vector<128x256xf32>
      %convert_element_type3A_485 = arith.truncf %sub3A_484 : vector<128x256xf32> to vector<128x256xbf16>
      %mul3A_486 = arith.mulf %convert_element_type3A_485, %convert_element_type3A_119 : vector<128x256xbf16>
      %swap3A_487 = arith.constant 0 : index
      %swap3A_488 = arith.constant 2560 : index
      %swap3A_489 = vector.load %arg14[%swap3A_487, %swap3A_488] : memref<128x5376xbf16, #tpu.memory_space<vmem>>, vector<128x256xbf16>
      tpu.vector_store %arg14[%swap3A_487, %swap3A_488], %mul3A_486 {strides = array<i32>} : memref<128x5376xbf16, #tpu.memory_space<vmem>>, vector<128x256xbf16>,
      %mul3A_490 = arith.mulf %convert_element_type3A_485, %convert_element_type3A_121 : vector<128x256xbf16>
      %swap3A_491 = arith.constant 0 : index
      %swap3A_492 = arith.constant 2560 : index
      %swap3A_493 = vector.load %arg15[%swap3A_491, %swap3A_492] : memref<384x5376xbf16, #tpu.memory_space<vmem>>, vector<128x256xbf16>
      tpu.vector_store %arg15[%swap3A_491, %swap3A_492], %mul3A_490 {strides = array<i32>} : memref<384x5376xbf16, #tpu.memory_space<vmem>>, vector<128x256xbf16>,
      %mul3A_494 = arith.mulf %convert_element_type3A_485, %convert_element_type3A_123 : vector<128x256xbf16>
      %swap3A_495 = arith.constant 128 : index
      %swap3A_496 = arith.constant 2560 : index
      %swap3A_497 = vector.load %arg15[%swap3A_495, %swap3A_496] : memref<384x5376xbf16, #tpu.memory_space<vmem>>, vector<128x256xbf16>
      tpu.vector_store %arg15[%swap3A_495, %swap3A_496], %mul3A_494 {strides = array<i32>} : memref<384x5376xbf16, #tpu.memory_space<vmem>>, vector<128x256xbf16>,
      %mul3A_498 = arith.mulf %convert_element_type3A_485, %convert_element_type3A_125 : vector<128x256xbf16>
      %swap3A_499 = arith.constant 256 : index
      %swap3A_500 = arith.constant 2560 : index
      %swap3A_501 = vector.load %arg15[%swap3A_499, %swap3A_500] : memref<384x5376xbf16, #tpu.memory_space<vmem>>, vector<128x256xbf16>
      tpu.vector_store %arg15[%swap3A_499, %swap3A_500], %mul3A_498 {strides = array<i32>} : memref<384x5376xbf16, #tpu.memory_space<vmem>>, vector<128x256xbf16>,
      %get3A_502 = arith.constant 10 : index
      %get3A_503 = arith.constant 0 : index
      %get3A_504 = vector.load %arg8[%get3A_502, %get3A_503] : memref<20x128xbf16, #tpu.memory_space<vmem>>, vector<1x128xbf16>
      %mul3A_505 = vector.broadcast %get3A_504 : vector<1x128xbf16> to vector<256x128xbf16>
      %mul3A_506 = arith.mulf %get3A_71, %mul3A_505 : vector<256x128xbf16>
      %swap3A_507 = arith.constant 2560 : index
      %swap3A_508 = arith.constant 0 : index
      %swap3A_509 = vector.load %arg16[%swap3A_507, %swap3A_508] : memref<5376x128xbf16, #tpu.memory_space<vmem>>, vector<256x128xbf16>
      tpu.vector_store %arg16[%swap3A_507, %swap3A_508], %mul3A_506 {strides = array<i32>} : memref<5376x128xbf16, #tpu.memory_space<vmem>>, vector<256x128xbf16>,
      %get3A_510 = arith.constant 10 : index
      %get3A_511 = arith.constant 0 : index
      %get3A_512 = vector.load %arg9[%get3A_510, %get3A_511] : memref<20x128xbf16, #tpu.memory_space<vmem>>, vector<1x128xbf16>
      %mul3A_513 = vector.broadcast %get3A_512 : vector<1x128xbf16> to vector<256x128xbf16>
      %mul3A_514 = arith.mulf %get3A_74, %mul3A_513 : vector<256x128xbf16>
      %swap3A_515 = arith.constant 2560 : index
      %swap3A_516 = arith.constant 0 : index
      %swap3A_517 = vector.load %arg17[%swap3A_515, %swap3A_516] : memref<5376x128xbf16, #tpu.memory_space<vmem>>, vector<256x128xbf16>
      tpu.vector_store %arg17[%swap3A_515, %swap3A_516], %mul3A_514 {strides = array<i32>} : memref<5376x128xbf16, #tpu.memory_space<vmem>>, vector<256x128xbf16>,
      %mul3A_518 = arith.mulf %mul3A_132, %sub3A_484 : vector<128x256xf32>
      %sub3A_519 = arith.subf %mul3A_518, %sub3A_449 : vector<128x256xf32>
      %convert_element_type3A_520 = arith.truncf %sub3A_519 : vector<128x256xf32> to vector<128x256xbf16>
      %mul3A_521 = arith.mulf %convert_element_type3A_520, %convert_element_type3A_119 : vector<128x256xbf16>
      %swap3A_522 = arith.constant 0 : index
      %swap3A_523 = arith.constant 2816 : index
      %swap3A_524 = vector.load %arg14[%swap3A_522, %swap3A_523] : memref<128x5376xbf16, #tpu.memory_space<vmem>>, vector<128x256xbf16>
      tpu.vector_store %arg14[%swap3A_522, %swap3A_523], %mul3A_521 {strides = array<i32>} : memref<128x5376xbf16, #tpu.memory_space<vmem>>, vector<128x256xbf16>,
      %mul3A_525 = arith.mulf %convert_element_type3A_520, %convert_element_type3A_121 : vector<128x256xbf16>
      %swap3A_526 = arith.constant 0 : index
      %swap3A_527 = arith.constant 2816 : index
      %swap3A_528 = vector.load %arg15[%swap3A_526, %swap3A_527] : memref<384x5376xbf16, #tpu.memory_space<vmem>>, vector<128x256xbf16>
      tpu.vector_store %arg15[%swap3A_526, %swap3A_527], %mul3A_525 {strides = array<i32>} : memref<384x5376xbf16, #tpu.memory_space<vmem>>, vector<128x256xbf16>,
      %mul3A_529 = arith.mulf %convert_element_type3A_520, %convert_element_type3A_123 : vector<128x256xbf16>
      %swap3A_530 = arith.constant 128 : index
      %swap3A_531 = arith.constant 2816 : index
      %swap3A_532 = vector.load %arg15[%swap3A_530, %swap3A_531] : memref<384x5376xbf16, #tpu.memory_space<vmem>>, vector<128x256xbf16>
      tpu.vector_store %arg15[%swap3A_530, %swap3A_531], %mul3A_529 {strides = array<i32>} : memref<384x5376xbf16, #tpu.memory_space<vmem>>, vector<128x256xbf16>,
      %mul3A_533 = arith.mulf %convert_element_type3A_520, %convert_element_type3A_125 : vector<128x256xbf16>
      %swap3A_534 = arith.constant 256 : index
      %swap3A_535 = arith.constant 2816 : index
      %swap3A_536 = vector.load %arg15[%swap3A_534, %swap3A_535] : memref<384x5376xbf16, #tpu.memory_space<vmem>>, vector<128x256xbf16>
      tpu.vector_store %arg15[%swap3A_534, %swap3A_535], %mul3A_533 {strides = array<i32>} : memref<384x5376xbf16, #tpu.memory_space<vmem>>, vector<128x256xbf16>,
      %get3A_537 = arith.constant 11 : index
      %get3A_538 = arith.constant 0 : index
      %get3A_539 = vector.load %arg8[%get3A_537, %get3A_538] : memref<20x128xbf16, #tpu.memory_space<vmem>>, vector<1x128xbf16>
      %mul3A_540 = vector.broadcast %get3A_539 : vector<1x128xbf16> to vector<256x128xbf16>
      %mul3A_541 = arith.mulf %get3A_71, %mul3A_540 : vector<256x128xbf16>
      %swap3A_542 = arith.constant 2816 : index
      %swap3A_543 = arith.constant 0 : index
      %swap3A_544 = vector.load %arg16[%swap3A_542, %swap3A_543] : memref<5376x128xbf16, #tpu.memory_space<vmem>>, vector<256x128xbf16>
      tpu.vector_store %arg16[%swap3A_542, %swap3A_543], %mul3A_541 {strides = array<i32>} : memref<5376x128xbf16, #tpu.memory_space<vmem>>, vector<256x128xbf16>,
      %get3A_545 = arith.constant 11 : index
      %get3A_546 = arith.constant 0 : index
      %get3A_547 = vector.load %arg9[%get3A_545, %get3A_546] : memref<20x128xbf16, #tpu.memory_space<vmem>>, vector<1x128xbf16>
      %mul3A_548 = vector.broadcast %get3A_547 : vector<1x128xbf16> to vector<256x128xbf16>
      %mul3A_549 = arith.mulf %get3A_74, %mul3A_548 : vector<256x128xbf16>
      %swap3A_550 = arith.constant 2816 : index
      %swap3A_551 = arith.constant 0 : index
      %swap3A_552 = vector.load %arg17[%swap3A_550, %swap3A_551] : memref<5376x128xbf16, #tpu.memory_space<vmem>>, vector<256x128xbf16>
      tpu.vector_store %arg17[%swap3A_550, %swap3A_551], %mul3A_549 {strides = array<i32>} : memref<5376x128xbf16, #tpu.memory_space<vmem>>, vector<256x128xbf16>,
      %mul3A_553 = arith.mulf %mul3A_132, %sub3A_519 : vector<128x256xf32>
      %sub3A_554 = arith.subf %mul3A_553, %sub3A_484 : vector<128x256xf32>
      %convert_element_type3A_555 = arith.truncf %sub3A_554 : vector<128x256xf32> to vector<128x256xbf16>
      %mul3A_556 = arith.mulf %convert_element_type3A_555, %convert_element_type3A_119 : vector<128x256xbf16>
      %swap3A_557 = arith.constant 0 : index
      %swap3A_558 = arith.constant 3072 : index
      %swap3A_559 = vector.load %arg14[%swap3A_557, %swap3A_558] : memref<128x5376xbf16, #tpu.memory_space<vmem>>, vector<128x256xbf16>
      tpu.vector_store %arg14[%swap3A_557, %swap3A_558], %mul3A_556 {strides = array<i32>} : memref<128x5376xbf16, #tpu.memory_space<vmem>>, vector<128x256xbf16>,
      %mul3A_560 = arith.mulf %convert_element_type3A_555, %convert_element_type3A_121 : vector<128x256xbf16>
      %swap3A_561 = arith.constant 0 : index
      %swap3A_562 = arith.constant 3072 : index
      %swap3A_563 = vector.load %arg15[%swap3A_561, %swap3A_562] : memref<384x5376xbf16, #tpu.memory_space<vmem>>, vector<128x256xbf16>
      tpu.vector_store %arg15[%swap3A_561, %swap3A_562], %mul3A_560 {strides = array<i32>} : memref<384x5376xbf16, #tpu.memory_space<vmem>>, vector<128x256xbf16>,
      %mul3A_564 = arith.mulf %convert_element_type3A_555, %convert_element_type3A_123 : vector<128x256xbf16>
      %swap3A_565 = arith.constant 128 : index
      %swap3A_566 = arith.constant 3072 : index
      %swap3A_567 = vector.load %arg15[%swap3A_565, %swap3A_566] : memref<384x5376xbf16, #tpu.memory_space<vmem>>, vector<128x256xbf16>
      tpu.vector_store %arg15[%swap3A_565, %swap3A_566], %mul3A_564 {strides = array<i32>} : memref<384x5376xbf16, #tpu.memory_space<vmem>>, vector<128x256xbf16>,
      %mul3A_568 = arith.mulf %convert_element_type3A_555, %convert_element_type3A_125 : vector<128x256xbf16>
      %swap3A_569 = arith.constant 256 : index
      %swap3A_570 = arith.constant 3072 : index
      %swap3A_571 = vector.load %arg15[%swap3A_569, %swap3A_570] : memref<384x5376xbf16, #tpu.memory_space<vmem>>, vector<128x256xbf16>
      tpu.vector_store %arg15[%swap3A_569, %swap3A_570], %mul3A_568 {strides = array<i32>} : memref<384x5376xbf16, #tpu.memory_space<vmem>>, vector<128x256xbf16>,
      %get3A_572 = arith.constant 12 : index
      %get3A_573 = arith.constant 0 : index
      %get3A_574 = vector.load %arg8[%get3A_572, %get3A_573] : memref<20x128xbf16, #tpu.memory_space<vmem>>, vector<1x128xbf16>
      %mul3A_575 = vector.broadcast %get3A_574 : vector<1x128xbf16> to vector<256x128xbf16>
      %mul3A_576 = arith.mulf %get3A_71, %mul3A_575 : vector<256x128xbf16>
      %swap3A_577 = arith.constant 3072 : index
      %swap3A_578 = arith.constant 0 : index
      %swap3A_579 = vector.load %arg16[%swap3A_577, %swap3A_578] : memref<5376x128xbf16, #tpu.memory_space<vmem>>, vector<256x128xbf16>
      tpu.vector_store %arg16[%swap3A_577, %swap3A_578], %mul3A_576 {strides = array<i32>} : memref<5376x128xbf16, #tpu.memory_space<vmem>>, vector<256x128xbf16>,
      %get3A_580 = arith.constant 12 : index
      %get3A_581 = arith.constant 0 : index
      %get3A_582 = vector.load %arg9[%get3A_580, %get3A_581] : memref<20x128xbf16, #tpu.memory_space<vmem>>, vector<1x128xbf16>
      %mul3A_583 = vector.broadcast %get3A_582 : vector<1x128xbf16> to vector<256x128xbf16>
      %mul3A_584 = arith.mulf %get3A_74, %mul3A_583 : vector<256x128xbf16>
      %swap3A_585 = arith.constant 3072 : index
      %swap3A_586 = arith.constant 0 : index
      %swap3A_587 = vector.load %arg17[%swap3A_585, %swap3A_586] : memref<5376x128xbf16, #tpu.memory_space<vmem>>, vector<256x128xbf16>
      tpu.vector_store %arg17[%swap3A_585, %swap3A_586], %mul3A_584 {strides = array<i32>} : memref<5376x128xbf16, #tpu.memory_space<vmem>>, vector<256x128xbf16>,
      %mul3A_588 = arith.mulf %mul3A_132, %sub3A_554 : vector<128x256xf32>
      %sub3A_589 = arith.subf %mul3A_588, %sub3A_519 : vector<128x256xf32>
      %convert_element_type3A_590 = arith.truncf %sub3A_589 : vector<128x256xf32> to vector<128x256xbf16>
      %mul3A_591 = arith.mulf %convert_element_type3A_590, %convert_element_type3A_119 : vector<128x256xbf16>
      %swap3A_592 = arith.constant 0 : index
      %swap3A_593 = arith.constant 3328 : index
      %swap3A_594 = vector.load %arg14[%swap3A_592, %swap3A_593] : memref<128x5376xbf16, #tpu.memory_space<vmem>>, vector<128x256xbf16>
      tpu.vector_store %arg14[%swap3A_592, %swap3A_593], %mul3A_591 {strides = array<i32>} : memref<128x5376xbf16, #tpu.memory_space<vmem>>, vector<128x256xbf16>,
      %mul3A_595 = arith.mulf %convert_element_type3A_590, %convert_element_type3A_121 : vector<128x256xbf16>
      %swap3A_596 = arith.constant 0 : index
      %swap3A_597 = arith.constant 3328 : index
      %swap3A_598 = vector.load %arg15[%swap3A_596, %swap3A_597] : memref<384x5376xbf16, #tpu.memory_space<vmem>>, vector<128x256xbf16>
      tpu.vector_store %arg15[%swap3A_596, %swap3A_597], %mul3A_595 {strides = array<i32>} : memref<384x5376xbf16, #tpu.memory_space<vmem>>, vector<128x256xbf16>,
      %mul3A_599 = arith.mulf %convert_element_type3A_590, %convert_element_type3A_123 : vector<128x256xbf16>
      %swap3A_600 = arith.constant 128 : index
      %swap3A_601 = arith.constant 3328 : index
      %swap3A_602 = vector.load %arg15[%swap3A_600, %swap3A_601] : memref<384x5376xbf16, #tpu.memory_space<vmem>>, vector<128x256xbf16>
      tpu.vector_store %arg15[%swap3A_600, %swap3A_601], %mul3A_599 {strides = array<i32>} : memref<384x5376xbf16, #tpu.memory_space<vmem>>, vector<128x256xbf16>,
      %mul3A_603 = arith.mulf %convert_element_type3A_590, %convert_element_type3A_125 : vector<128x256xbf16>
      %swap3A_604 = arith.constant 256 : index
      %swap3A_605 = arith.constant 3328 : index
      %swap3A_606 = vector.load %arg15[%swap3A_604, %swap3A_605] : memref<384x5376xbf16, #tpu.memory_space<vmem>>, vector<128x256xbf16>
      tpu.vector_store %arg15[%swap3A_604, %swap3A_605], %mul3A_603 {strides = array<i32>} : memref<384x5376xbf16, #tpu.memory_space<vmem>>, vector<128x256xbf16>,
      %get3A_607 = arith.constant 13 : index
      %get3A_608 = arith.constant 0 : index
      %get3A_609 = vector.load %arg8[%get3A_607, %get3A_608] : memref<20x128xbf16, #tpu.memory_space<vmem>>, vector<1x128xbf16>
      %mul3A_610 = vector.broadcast %get3A_609 : vector<1x128xbf16> to vector<256x128xbf16>
      %mul3A_611 = arith.mulf %get3A_71, %mul3A_610 : vector<256x128xbf16>
      %swap3A_612 = arith.constant 3328 : index
      %swap3A_613 = arith.constant 0 : index
      %swap3A_614 = vector.load %arg16[%swap3A_612, %swap3A_613] : memref<5376x128xbf16, #tpu.memory_space<vmem>>, vector<256x128xbf16>
      tpu.vector_store %arg16[%swap3A_612, %swap3A_613], %mul3A_611 {strides = array<i32>} : memref<5376x128xbf16, #tpu.memory_space<vmem>>, vector<256x128xbf16>,
      %get3A_615 = arith.constant 13 : index
      %get3A_616 = arith.constant 0 : index
      %get3A_617 = vector.load %arg9[%get3A_615, %get3A_616] : memref<20x128xbf16, #tpu.memory_space<vmem>>, vector<1x128xbf16>
      %mul3A_618 = vector.broadcast %get3A_617 : vector<1x128xbf16> to vector<256x128xbf16>
      %mul3A_619 = arith.mulf %get3A_74, %mul3A_618 : vector<256x128xbf16>
      %swap3A_620 = arith.constant 3328 : index
      %swap3A_621 = arith.constant 0 : index
      %swap3A_622 = vector.load %arg17[%swap3A_620, %swap3A_621] : memref<5376x128xbf16, #tpu.memory_space<vmem>>, vector<256x128xbf16>
      tpu.vector_store %arg17[%swap3A_620, %swap3A_621], %mul3A_619 {strides = array<i32>} : memref<5376x128xbf16, #tpu.memory_space<vmem>>, vector<256x128xbf16>,
      %mul3A_623 = arith.mulf %mul3A_132, %sub3A_589 : vector<128x256xf32>
      %sub3A_624 = arith.subf %mul3A_623, %sub3A_554 : vector<128x256xf32>
      %convert_element_type3A_625 = arith.truncf %sub3A_624 : vector<128x256xf32> to vector<128x256xbf16>
      %mul3A_626 = arith.mulf %convert_element_type3A_625, %convert_element_type3A_119 : vector<128x256xbf16>
      %swap3A_627 = arith.constant 0 : index
      %swap3A_628 = arith.constant 3584 : index
      %swap3A_629 = vector.load %arg14[%swap3A_627, %swap3A_628] : memref<128x5376xbf16, #tpu.memory_space<vmem>>, vector<128x256xbf16>
      tpu.vector_store %arg14[%swap3A_627, %swap3A_628], %mul3A_626 {strides = array<i32>} : memref<128x5376xbf16, #tpu.memory_space<vmem>>, vector<128x256xbf16>,
      %mul3A_630 = arith.mulf %convert_element_type3A_625, %convert_element_type3A_121 : vector<128x256xbf16>
      %swap3A_631 = arith.constant 0 : index
      %swap3A_632 = arith.constant 3584 : index
      %swap3A_633 = vector.load %arg15[%swap3A_631, %swap3A_632] : memref<384x5376xbf16, #tpu.memory_space<vmem>>, vector<128x256xbf16>
      tpu.vector_store %arg15[%swap3A_631, %swap3A_632], %mul3A_630 {strides = array<i32>} : memref<384x5376xbf16, #tpu.memory_space<vmem>>, vector<128x256xbf16>,
      %mul3A_634 = arith.mulf %convert_element_type3A_625, %convert_element_type3A_123 : vector<128x256xbf16>
      %swap3A_635 = arith.constant 128 : index
      %swap3A_636 = arith.constant 3584 : index
      %swap3A_637 = vector.load %arg15[%swap3A_635, %swap3A_636] : memref<384x5376xbf16, #tpu.memory_space<vmem>>, vector<128x256xbf16>
      tpu.vector_store %arg15[%swap3A_635, %swap3A_636], %mul3A_634 {strides = array<i32>} : memref<384x5376xbf16, #tpu.memory_space<vmem>>, vector<128x256xbf16>,
      %mul3A_638 = arith.mulf %convert_element_type3A_625, %convert_element_type3A_125 : vector<128x256xbf16>
      %swap3A_639 = arith.constant 256 : index
      %swap3A_640 = arith.constant 3584 : index
      %swap3A_641 = vector.load %arg15[%swap3A_639, %swap3A_640] : memref<384x5376xbf16, #tpu.memory_space<vmem>>, vector<128x256xbf16>
      tpu.vector_store %arg15[%swap3A_639, %swap3A_640], %mul3A_638 {strides = array<i32>} : memref<384x5376xbf16, #tpu.memory_space<vmem>>, vector<128x256xbf16>,
      %get3A_642 = arith.constant 14 : index
      %get3A_643 = arith.constant 0 : index
      %get3A_644 = vector.load %arg8[%get3A_642, %get3A_643] : memref<20x128xbf16, #tpu.memory_space<vmem>>, vector<1x128xbf16>
      %mul3A_645 = vector.broadcast %get3A_644 : vector<1x128xbf16> to vector<256x128xbf16>
      %mul3A_646 = arith.mulf %get3A_71, %mul3A_645 : vector<256x128xbf16>
      %swap3A_647 = arith.constant 3584 : index
      %swap3A_648 = arith.constant 0 : index
      %swap3A_649 = vector.load %arg16[%swap3A_647, %swap3A_648] : memref<5376x128xbf16, #tpu.memory_space<vmem>>, vector<256x128xbf16>
      tpu.vector_store %arg16[%swap3A_647, %swap3A_648], %mul3A_646 {strides = array<i32>} : memref<5376x128xbf16, #tpu.memory_space<vmem>>, vector<256x128xbf16>,
      %get3A_650 = arith.constant 14 : index
      %get3A_651 = arith.constant 0 : index
      %get3A_652 = vector.load %arg9[%get3A_650, %get3A_651] : memref<20x128xbf16, #tpu.memory_space<vmem>>, vector<1x128xbf16>
      %mul3A_653 = vector.broadcast %get3A_652 : vector<1x128xbf16> to vector<256x128xbf16>
      %mul3A_654 = arith.mulf %get3A_74, %mul3A_653 : vector<256x128xbf16>
      %swap3A_655 = arith.constant 3584 : index
      %swap3A_656 = arith.constant 0 : index
      %swap3A_657 = vector.load %arg17[%swap3A_655, %swap3A_656] : memref<5376x128xbf16, #tpu.memory_space<vmem>>, vector<256x128xbf16>
      tpu.vector_store %arg17[%swap3A_655, %swap3A_656], %mul3A_654 {strides = array<i32>} : memref<5376x128xbf16, #tpu.memory_space<vmem>>, vector<256x128xbf16>,
      %mul3A_658 = arith.mulf %mul3A_132, %sub3A_624 : vector<128x256xf32>
      %sub3A_659 = arith.subf %mul3A_658, %sub3A_589 : vector<128x256xf32>
      %convert_element_type3A_660 = arith.truncf %sub3A_659 : vector<128x256xf32> to vector<128x256xbf16>
      %mul3A_661 = arith.mulf %convert_element_type3A_660, %convert_element_type3A_119 : vector<128x256xbf16>
      %swap3A_662 = arith.constant 0 : index
      %swap3A_663 = arith.constant 3840 : index
      %swap3A_664 = vector.load %arg14[%swap3A_662, %swap3A_663] : memref<128x5376xbf16, #tpu.memory_space<vmem>>, vector<128x256xbf16>
      tpu.vector_store %arg14[%swap3A_662, %swap3A_663], %mul3A_661 {strides = array<i32>} : memref<128x5376xbf16, #tpu.memory_space<vmem>>, vector<128x256xbf16>,
      %mul3A_665 = arith.mulf %convert_element_type3A_660, %convert_element_type3A_121 : vector<128x256xbf16>
      %swap3A_666 = arith.constant 0 : index
      %swap3A_667 = arith.constant 3840 : index
      %swap3A_668 = vector.load %arg15[%swap3A_666, %swap3A_667] : memref<384x5376xbf16, #tpu.memory_space<vmem>>, vector<128x256xbf16>
      tpu.vector_store %arg15[%swap3A_666, %swap3A_667], %mul3A_665 {strides = array<i32>} : memref<384x5376xbf16, #tpu.memory_space<vmem>>, vector<128x256xbf16>,
      %mul3A_669 = arith.mulf %convert_element_type3A_660, %convert_element_type3A_123 : vector<128x256xbf16>
      %swap3A_670 = arith.constant 128 : index
      %swap3A_671 = arith.constant 3840 : index
      %swap3A_672 = vector.load %arg15[%swap3A_670, %swap3A_671] : memref<384x5376xbf16, #tpu.memory_space<vmem>>, vector<128x256xbf16>
      tpu.vector_store %arg15[%swap3A_670, %swap3A_671], %mul3A_669 {strides = array<i32>} : memref<384x5376xbf16, #tpu.memory_space<vmem>>, vector<128x256xbf16>,
      %mul3A_673 = arith.mulf %convert_element_type3A_660, %convert_element_type3A_125 : vector<128x256xbf16>
      %swap3A_674 = arith.constant 256 : index
      %swap3A_675 = arith.constant 3840 : index
      %swap3A_676 = vector.load %arg15[%swap3A_674, %swap3A_675] : memref<384x5376xbf16, #tpu.memory_space<vmem>>, vector<128x256xbf16>
      tpu.vector_store %arg15[%swap3A_674, %swap3A_675], %mul3A_673 {strides = array<i32>} : memref<384x5376xbf16, #tpu.memory_space<vmem>>, vector<128x256xbf16>,
      %get3A_677 = arith.constant 15 : index
      %get3A_678 = arith.constant 0 : index
      %get3A_679 = vector.load %arg8[%get3A_677, %get3A_678] : memref<20x128xbf16, #tpu.memory_space<vmem>>, vector<1x128xbf16>
      %mul3A_680 = vector.broadcast %get3A_679 : vector<1x128xbf16> to vector<256x128xbf16>
      %mul3A_681 = arith.mulf %get3A_71, %mul3A_680 : vector<256x128xbf16>
      %swap3A_682 = arith.constant 3840 : index
      %swap3A_683 = arith.constant 0 : index
      %swap3A_684 = vector.load %arg16[%swap3A_682, %swap3A_683] : memref<5376x128xbf16, #tpu.memory_space<vmem>>, vector<256x128xbf16>
      tpu.vector_store %arg16[%swap3A_682, %swap3A_683], %mul3A_681 {strides = array<i32>} : memref<5376x128xbf16, #tpu.memory_space<vmem>>, vector<256x128xbf16>,
      %get3A_685 = arith.constant 15 : index
      %get3A_686 = arith.constant 0 : index
      %get3A_687 = vector.load %arg9[%get3A_685, %get3A_686] : memref<20x128xbf16, #tpu.memory_space<vmem>>, vector<1x128xbf16>
      %mul3A_688 = vector.broadcast %get3A_687 : vector<1x128xbf16> to vector<256x128xbf16>
      %mul3A_689 = arith.mulf %get3A_74, %mul3A_688 : vector<256x128xbf16>
      %swap3A_690 = arith.constant 3840 : index
      %swap3A_691 = arith.constant 0 : index
      %swap3A_692 = vector.load %arg17[%swap3A_690, %swap3A_691] : memref<5376x128xbf16, #tpu.memory_space<vmem>>, vector<256x128xbf16>
      tpu.vector_store %arg17[%swap3A_690, %swap3A_691], %mul3A_689 {strides = array<i32>} : memref<5376x128xbf16, #tpu.memory_space<vmem>>, vector<256x128xbf16>,
      %mul3A_693 = arith.mulf %mul3A_132, %sub3A_659 : vector<128x256xf32>
      %sub3A_694 = arith.subf %mul3A_693, %sub3A_624 : vector<128x256xf32>
      %convert_element_type3A_695 = arith.truncf %sub3A_694 : vector<128x256xf32> to vector<128x256xbf16>
      %mul3A_696 = arith.mulf %convert_element_type3A_695, %convert_element_type3A_119 : vector<128x256xbf16>
      %swap3A_697 = arith.constant 0 : index
      %swap3A_698 = arith.constant 4096 : index
      %swap3A_699 = vector.load %arg14[%swap3A_697, %swap3A_698] : memref<128x5376xbf16, #tpu.memory_space<vmem>>, vector<128x256xbf16>
      tpu.vector_store %arg14[%swap3A_697, %swap3A_698], %mul3A_696 {strides = array<i32>} : memref<128x5376xbf16, #tpu.memory_space<vmem>>, vector<128x256xbf16>,
      %mul3A_700 = arith.mulf %convert_element_type3A_695, %convert_element_type3A_121 : vector<128x256xbf16>
      %swap3A_701 = arith.constant 0 : index
      %swap3A_702 = arith.constant 4096 : index
      %swap3A_703 = vector.load %arg15[%swap3A_701, %swap3A_702] : memref<384x5376xbf16, #tpu.memory_space<vmem>>, vector<128x256xbf16>
      tpu.vector_store %arg15[%swap3A_701, %swap3A_702], %mul3A_700 {strides = array<i32>} : memref<384x5376xbf16, #tpu.memory_space<vmem>>, vector<128x256xbf16>,
      %mul3A_704 = arith.mulf %convert_element_type3A_695, %convert_element_type3A_123 : vector<128x256xbf16>
      %swap3A_705 = arith.constant 128 : index
      %swap3A_706 = arith.constant 4096 : index
      %swap3A_707 = vector.load %arg15[%swap3A_705, %swap3A_706] : memref<384x5376xbf16, #tpu.memory_space<vmem>>, vector<128x256xbf16>
      tpu.vector_store %arg15[%swap3A_705, %swap3A_706], %mul3A_704 {strides = array<i32>} : memref<384x5376xbf16, #tpu.memory_space<vmem>>, vector<128x256xbf16>,
      %mul3A_708 = arith.mulf %convert_element_type3A_695, %convert_element_type3A_125 : vector<128x256xbf16>
      %swap3A_709 = arith.constant 256 : index
      %swap3A_710 = arith.constant 4096 : index
      %swap3A_711 = vector.load %arg15[%swap3A_709, %swap3A_710] : memref<384x5376xbf16, #tpu.memory_space<vmem>>, vector<128x256xbf16>
      tpu.vector_store %arg15[%swap3A_709, %swap3A_710], %mul3A_708 {strides = array<i32>} : memref<384x5376xbf16, #tpu.memory_space<vmem>>, vector<128x256xbf16>,
      %get3A_712 = arith.constant 16 : index
      %get3A_713 = arith.constant 0 : index
      %get3A_714 = vector.load %arg8[%get3A_712, %get3A_713] : memref<20x128xbf16, #tpu.memory_space<vmem>>, vector<1x128xbf16>
      %mul3A_715 = vector.broadcast %get3A_714 : vector<1x128xbf16> to vector<256x128xbf16>
      %mul3A_716 = arith.mulf %get3A_71, %mul3A_715 : vector<256x128xbf16>
      %swap3A_717 = arith.constant 4096 : index
      %swap3A_718 = arith.constant 0 : index
      %swap3A_719 = vector.load %arg16[%swap3A_717, %swap3A_718] : memref<5376x128xbf16, #tpu.memory_space<vmem>>, vector<256x128xbf16>
      tpu.vector_store %arg16[%swap3A_717, %swap3A_718], %mul3A_716 {strides = array<i32>} : memref<5376x128xbf16, #tpu.memory_space<vmem>>, vector<256x128xbf16>,
      %get3A_720 = arith.constant 16 : index
      %get3A_721 = arith.constant 0 : index
      %get3A_722 = vector.load %arg9[%get3A_720, %get3A_721] : memref<20x128xbf16, #tpu.memory_space<vmem>>, vector<1x128xbf16>
      %mul3A_723 = vector.broadcast %get3A_722 : vector<1x128xbf16> to vector<256x128xbf16>
      %mul3A_724 = arith.mulf %get3A_74, %mul3A_723 : vector<256x128xbf16>
      %swap3A_725 = arith.constant 4096 : index
      %swap3A_726 = arith.constant 0 : index
      %swap3A_727 = vector.load %arg17[%swap3A_725, %swap3A_726] : memref<5376x128xbf16, #tpu.memory_space<vmem>>, vector<256x128xbf16>
      tpu.vector_store %arg17[%swap3A_725, %swap3A_726], %mul3A_724 {strides = array<i32>} : memref<5376x128xbf16, #tpu.memory_space<vmem>>, vector<256x128xbf16>,
      %mul3A_728 = arith.mulf %mul3A_132, %sub3A_694 : vector<128x256xf32>
      %sub3A_729 = arith.subf %mul3A_728, %sub3A_659 : vector<128x256xf32>
      %convert_element_type3A_730 = arith.truncf %sub3A_729 : vector<128x256xf32> to vector<128x256xbf16>
      %mul3A_731 = arith.mulf %convert_element_type3A_730, %convert_element_type3A_119 : vector<128x256xbf16>
      %swap3A_732 = arith.constant 0 : index
      %swap3A_733 = arith.constant 4352 : index
      %swap3A_734 = vector.load %arg14[%swap3A_732, %swap3A_733] : memref<128x5376xbf16, #tpu.memory_space<vmem>>, vector<128x256xbf16>
      tpu.vector_store %arg14[%swap3A_732, %swap3A_733], %mul3A_731 {strides = array<i32>} : memref<128x5376xbf16, #tpu.memory_space<vmem>>, vector<128x256xbf16>,
      %mul3A_735 = arith.mulf %convert_element_type3A_730, %convert_element_type3A_121 : vector<128x256xbf16>
      %swap3A_736 = arith.constant 0 : index
      %swap3A_737 = arith.constant 4352 : index
      %swap3A_738 = vector.load %arg15[%swap3A_736, %swap3A_737] : memref<384x5376xbf16, #tpu.memory_space<vmem>>, vector<128x256xbf16>
      tpu.vector_store %arg15[%swap3A_736, %swap3A_737], %mul3A_735 {strides = array<i32>} : memref<384x5376xbf16, #tpu.memory_space<vmem>>, vector<128x256xbf16>,
      %mul3A_739 = arith.mulf %convert_element_type3A_730, %convert_element_type3A_123 : vector<128x256xbf16>
      %swap3A_740 = arith.constant 128 : index
      %swap3A_741 = arith.constant 4352 : index
      %swap3A_742 = vector.load %arg15[%swap3A_740, %swap3A_741] : memref<384x5376xbf16, #tpu.memory_space<vmem>>, vector<128x256xbf16>
      tpu.vector_store %arg15[%swap3A_740, %swap3A_741], %mul3A_739 {strides = array<i32>} : memref<384x5376xbf16, #tpu.memory_space<vmem>>, vector<128x256xbf16>,
      %mul3A_743 = arith.mulf %convert_element_type3A_730, %convert_element_type3A_125 : vector<128x256xbf16>
      %swap3A_744 = arith.constant 256 : index
      %swap3A_745 = arith.constant 4352 : index
      %swap3A_746 = vector.load %arg15[%swap3A_744, %swap3A_745] : memref<384x5376xbf16, #tpu.memory_space<vmem>>, vector<128x256xbf16>
      tpu.vector_store %arg15[%swap3A_744, %swap3A_745], %mul3A_743 {strides = array<i32>} : memref<384x5376xbf16, #tpu.memory_space<vmem>>, vector<128x256xbf16>,
      %get3A_747 = arith.constant 17 : index
      %get3A_748 = arith.constant 0 : index
      %get3A_749 = vector.load %arg8[%get3A_747, %get3A_748] : memref<20x128xbf16, #tpu.memory_space<vmem>>, vector<1x128xbf16>
      %mul3A_750 = vector.broadcast %get3A_749 : vector<1x128xbf16> to vector<256x128xbf16>
      %mul3A_751 = arith.mulf %get3A_71, %mul3A_750 : vector<256x128xbf16>
      %swap3A_752 = arith.constant 4352 : index
      %swap3A_753 = arith.constant 0 : index
      %swap3A_754 = vector.load %arg16[%swap3A_752, %swap3A_753] : memref<5376x128xbf16, #tpu.memory_space<vmem>>, vector<256x128xbf16>
      tpu.vector_store %arg16[%swap3A_752, %swap3A_753], %mul3A_751 {strides = array<i32>} : memref<5376x128xbf16, #tpu.memory_space<vmem>>, vector<256x128xbf16>,
      %get3A_755 = arith.constant 17 : index
      %get3A_756 = arith.constant 0 : index
      %get3A_757 = vector.load %arg9[%get3A_755, %get3A_756] : memref<20x128xbf16, #tpu.memory_space<vmem>>, vector<1x128xbf16>
      %mul3A_758 = vector.broadcast %get3A_757 : vector<1x128xbf16> to vector<256x128xbf16>
      %mul3A_759 = arith.mulf %get3A_74, %mul3A_758 : vector<256x128xbf16>
      %swap3A_760 = arith.constant 4352 : index
      %swap3A_761 = arith.constant 0 : index
      %swap3A_762 = vector.load %arg17[%swap3A_760, %swap3A_761] : memref<5376x128xbf16, #tpu.memory_space<vmem>>, vector<256x128xbf16>
      tpu.vector_store %arg17[%swap3A_760, %swap3A_761], %mul3A_759 {strides = array<i32>} : memref<5376x128xbf16, #tpu.memory_space<vmem>>, vector<256x128xbf16>,
      %mul3A_763 = arith.mulf %mul3A_132, %sub3A_729 : vector<128x256xf32>
      %sub3A_764 = arith.subf %mul3A_763, %sub3A_694 : vector<128x256xf32>
      %convert_element_type3A_765 = arith.truncf %sub3A_764 : vector<128x256xf32> to vector<128x256xbf16>
      %mul3A_766 = arith.mulf %convert_element_type3A_765, %convert_element_type3A_119 : vector<128x256xbf16>
      %swap3A_767 = arith.constant 0 : index
      %swap3A_768 = arith.constant 4608 : index
      %swap3A_769 = vector.load %arg14[%swap3A_767, %swap3A_768] : memref<128x5376xbf16, #tpu.memory_space<vmem>>, vector<128x256xbf16>
      tpu.vector_store %arg14[%swap3A_767, %swap3A_768], %mul3A_766 {strides = array<i32>} : memref<128x5376xbf16, #tpu.memory_space<vmem>>, vector<128x256xbf16>,
      %mul3A_770 = arith.mulf %convert_element_type3A_765, %convert_element_type3A_121 : vector<128x256xbf16>
      %swap3A_771 = arith.constant 0 : index
      %swap3A_772 = arith.constant 4608 : index
      %swap3A_773 = vector.load %arg15[%swap3A_771, %swap3A_772] : memref<384x5376xbf16, #tpu.memory_space<vmem>>, vector<128x256xbf16>
      tpu.vector_store %arg15[%swap3A_771, %swap3A_772], %mul3A_770 {strides = array<i32>} : memref<384x5376xbf16, #tpu.memory_space<vmem>>, vector<128x256xbf16>,
      %mul3A_774 = arith.mulf %convert_element_type3A_765, %convert_element_type3A_123 : vector<128x256xbf16>
      %swap3A_775 = arith.constant 128 : index
      %swap3A_776 = arith.constant 4608 : index
      %swap3A_777 = vector.load %arg15[%swap3A_775, %swap3A_776] : memref<384x5376xbf16, #tpu.memory_space<vmem>>, vector<128x256xbf16>
      tpu.vector_store %arg15[%swap3A_775, %swap3A_776], %mul3A_774 {strides = array<i32>} : memref<384x5376xbf16, #tpu.memory_space<vmem>>, vector<128x256xbf16>,
      %mul3A_778 = arith.mulf %convert_element_type3A_765, %convert_element_type3A_125 : vector<128x256xbf16>
      %swap3A_779 = arith.constant 256 : index
      %swap3A_780 = arith.constant 4608 : index
      %swap3A_781 = vector.load %arg15[%swap3A_779, %swap3A_780] : memref<384x5376xbf16, #tpu.memory_space<vmem>>, vector<128x256xbf16>
      tpu.vector_store %arg15[%swap3A_779, %swap3A_780], %mul3A_778 {strides = array<i32>} : memref<384x5376xbf16, #tpu.memory_space<vmem>>, vector<128x256xbf16>,
      %get3A_782 = arith.constant 18 : index
      %get3A_783 = arith.constant 0 : index
      %get3A_784 = vector.load %arg8[%get3A_782, %get3A_783] : memref<20x128xbf16, #tpu.memory_space<vmem>>, vector<1x128xbf16>
      %mul3A_785 = vector.broadcast %get3A_784 : vector<1x128xbf16> to vector<256x128xbf16>
      %mul3A_786 = arith.mulf %get3A_71, %mul3A_785 : vector<256x128xbf16>
      %swap3A_787 = arith.constant 4608 : index
      %swap3A_788 = arith.constant 0 : index
      %swap3A_789 = vector.load %arg16[%swap3A_787, %swap3A_788] : memref<5376x128xbf16, #tpu.memory_space<vmem>>, vector<256x128xbf16>
      tpu.vector_store %arg16[%swap3A_787, %swap3A_788], %mul3A_786 {strides = array<i32>} : memref<5376x128xbf16, #tpu.memory_space<vmem>>, vector<256x128xbf16>,
      %get3A_790 = arith.constant 18 : index
      %get3A_791 = arith.constant 0 : index
      %get3A_792 = vector.load %arg9[%get3A_790, %get3A_791] : memref<20x128xbf16, #tpu.memory_space<vmem>>, vector<1x128xbf16>
      %mul3A_793 = vector.broadcast %get3A_792 : vector<1x128xbf16> to vector<256x128xbf16>
      %mul3A_794 = arith.mulf %get3A_74, %mul3A_793 : vector<256x128xbf16>
      %swap3A_795 = arith.constant 4608 : index
      %swap3A_796 = arith.constant 0 : index
      %swap3A_797 = vector.load %arg17[%swap3A_795, %swap3A_796] : memref<5376x128xbf16, #tpu.memory_space<vmem>>, vector<256x128xbf16>
      tpu.vector_store %arg17[%swap3A_795, %swap3A_796], %mul3A_794 {strides = array<i32>} : memref<5376x128xbf16, #tpu.memory_space<vmem>>, vector<256x128xbf16>,
      %mul3A_798 = arith.mulf %mul3A_132, %sub3A_764 : vector<128x256xf32>
      %sub3A_799 = arith.subf %mul3A_798, %sub3A_729 : vector<128x256xf32>
      %convert_element_type3A_800 = arith.truncf %sub3A_799 : vector<128x256xf32> to vector<128x256xbf16>
      %mul3A_801 = arith.mulf %convert_element_type3A_800, %convert_element_type3A_119 : vector<128x256xbf16>
      %swap3A_802 = arith.constant 0 : index
      %swap3A_803 = arith.constant 4864 : index
      %swap3A_804 = vector.load %arg14[%swap3A_802, %swap3A_803] : memref<128x5376xbf16, #tpu.memory_space<vmem>>, vector<128x256xbf16>
      tpu.vector_store %arg14[%swap3A_802, %swap3A_803], %mul3A_801 {strides = array<i32>} : memref<128x5376xbf16, #tpu.memory_space<vmem>>, vector<128x256xbf16>,
      %mul3A_805 = arith.mulf %convert_element_type3A_800, %convert_element_type3A_121 : vector<128x256xbf16>
      %swap3A_806 = arith.constant 0 : index
      %swap3A_807 = arith.constant 4864 : index
      %swap3A_808 = vector.load %arg15[%swap3A_806, %swap3A_807] : memref<384x5376xbf16, #tpu.memory_space<vmem>>, vector<128x256xbf16>
      tpu.vector_store %arg15[%swap3A_806, %swap3A_807], %mul3A_805 {strides = array<i32>} : memref<384x5376xbf16, #tpu.memory_space<vmem>>, vector<128x256xbf16>,
      %mul3A_809 = arith.mulf %convert_element_type3A_800, %convert_element_type3A_123 : vector<128x256xbf16>
      %swap3A_810 = arith.constant 128 : index
      %swap3A_811 = arith.constant 4864 : index
      %swap3A_812 = vector.load %arg15[%swap3A_810, %swap3A_811] : memref<384x5376xbf16, #tpu.memory_space<vmem>>, vector<128x256xbf16>
      tpu.vector_store %arg15[%swap3A_810, %swap3A_811], %mul3A_809 {strides = array<i32>} : memref<384x5376xbf16, #tpu.memory_space<vmem>>, vector<128x256xbf16>,
      %mul3A_813 = arith.mulf %convert_element_type3A_800, %convert_element_type3A_125 : vector<128x256xbf16>
      %swap3A_814 = arith.constant 256 : index
      %swap3A_815 = arith.constant 4864 : index
      %swap3A_816 = vector.load %arg15[%swap3A_814, %swap3A_815] : memref<384x5376xbf16, #tpu.memory_space<vmem>>, vector<128x256xbf16>
      tpu.vector_store %arg15[%swap3A_814, %swap3A_815], %mul3A_813 {strides = array<i32>} : memref<384x5376xbf16, #tpu.memory_space<vmem>>, vector<128x256xbf16>,
      %get3A_817 = arith.constant 19 : index
      %get3A_818 = arith.constant 0 : index
      %get3A_819 = vector.load %arg8[%get3A_817, %get3A_818] : memref<20x128xbf16, #tpu.memory_space<vmem>>, vector<1x128xbf16>
      %mul3A_820 = vector.broadcast %get3A_819 : vector<1x128xbf16> to vector<256x128xbf16>
      %mul3A_821 = arith.mulf %get3A_71, %mul3A_820 : vector<256x128xbf16>
      %swap3A_822 = arith.constant 4864 : index
      %swap3A_823 = arith.constant 0 : index
      %swap3A_824 = vector.load %arg16[%swap3A_822, %swap3A_823] : memref<5376x128xbf16, #tpu.memory_space<vmem>>, vector<256x128xbf16>
      tpu.vector_store %arg16[%swap3A_822, %swap3A_823], %mul3A_821 {strides = array<i32>} : memref<5376x128xbf16, #tpu.memory_space<vmem>>, vector<256x128xbf16>,
      %get3A_825 = arith.constant 19 : index
      %get3A_826 = arith.constant 0 : index
      %get3A_827 = vector.load %arg9[%get3A_825, %get3A_826] : memref<20x128xbf16, #tpu.memory_space<vmem>>, vector<1x128xbf16>
      %mul3A_828 = vector.broadcast %get3A_827 : vector<1x128xbf16> to vector<256x128xbf16>
      %mul3A_829 = arith.mulf %get3A_74, %mul3A_828 : vector<256x128xbf16>
      %swap3A_830 = arith.constant 4864 : index
      %swap3A_831 = arith.constant 0 : index
      %swap3A_832 = vector.load %arg17[%swap3A_830, %swap3A_831] : memref<5376x128xbf16, #tpu.memory_space<vmem>>, vector<256x128xbf16>
      tpu.vector_store %arg17[%swap3A_830, %swap3A_831], %mul3A_829 {strides = array<i32>} : memref<5376x128xbf16, #tpu.memory_space<vmem>>, vector<256x128xbf16>,
      %mul3A_833 = arith.mulf %mul3A_132, %sub3A_799 : vector<128x256xf32>
      %sub3A_834 = arith.subf %mul3A_833, %sub3A_764 : vector<128x256xf32>
      %convert_element_type3A_835 = arith.truncf %convert_element_type3A_96 : vector<128x256xf32> to vector<128x256xbf16>
      %swap3A_836 = arith.constant 0 : index
      %swap3A_837 = arith.constant 5120 : index
      %swap3A_838 = vector.load %arg14[%swap3A_836, %swap3A_837] : memref<128x5376xbf16, #tpu.memory_space<vmem>>, vector<128x256xbf16>
      tpu.vector_store %arg14[%swap3A_836, %swap3A_837], %convert_element_type3A_835 {strides = array<i32>} : memref<128x5376xbf16, #tpu.memory_space<vmem>>, vector<128x256xbf16>,
      %mul3A_839 = arith.mulf %convert_element_type3A_126, %convert_element_type3A_121 : vector<128x256xbf16>
      %swap3A_840 = arith.constant 0 : index
      %swap3A_841 = arith.constant 5120 : index
      %swap3A_842 = vector.load %arg15[%swap3A_840, %swap3A_841] : memref<384x5376xbf16, #tpu.memory_space<vmem>>, vector<128x256xbf16>
      tpu.vector_store %arg15[%swap3A_840, %swap3A_841], %mul3A_839 {strides = array<i32>} : memref<384x5376xbf16, #tpu.memory_space<vmem>>, vector<128x256xbf16>,
      %mul3A_843 = arith.mulf %convert_element_type3A_126, %convert_element_type3A_123 : vector<128x256xbf16>
      %swap3A_844 = arith.constant 128 : index
      %swap3A_845 = arith.constant 5120 : index
      %swap3A_846 = vector.load %arg15[%swap3A_844, %swap3A_845] : memref<384x5376xbf16, #tpu.memory_space<vmem>>, vector<128x256xbf16>
      tpu.vector_store %arg15[%swap3A_844, %swap3A_845], %mul3A_843 {strides = array<i32>} : memref<384x5376xbf16, #tpu.memory_space<vmem>>, vector<128x256xbf16>,
      %mul3A_847 = arith.mulf %convert_element_type3A_126, %convert_element_type3A_125 : vector<128x256xbf16>
      %swap3A_848 = arith.constant 256 : index
      %swap3A_849 = arith.constant 5120 : index
      %swap3A_850 = vector.load %arg15[%swap3A_848, %swap3A_849] : memref<384x5376xbf16, #tpu.memory_space<vmem>>, vector<128x256xbf16>
      tpu.vector_store %arg15[%swap3A_848, %swap3A_849], %mul3A_847 {strides = array<i32>} : memref<384x5376xbf16, #tpu.memory_space<vmem>>, vector<128x256xbf16>,
      %mul3A_851 = vector.broadcast %get3A_17 : vector<1x128xbf16> to vector<256x128xbf16>
      %mul3A_852 = arith.mulf %get3A_71, %mul3A_851 : vector<256x128xbf16>
      %swap3A_853 = arith.constant 5120 : index
      %swap3A_854 = arith.constant 0 : index
      %swap3A_855 = vector.load %arg16[%swap3A_853, %swap3A_854] : memref<5376x128xbf16, #tpu.memory_space<vmem>>, vector<256x128xbf16>
      tpu.vector_store %arg16[%swap3A_853, %swap3A_854], %mul3A_852 {strides = array<i32>} : memref<5376x128xbf16, #tpu.memory_space<vmem>>, vector<256x128xbf16>,
      %mul3A_856 = vector.broadcast %get3A_20 : vector<1x128xbf16> to vector<256x128xbf16>
      %mul3A_857 = arith.mulf %get3A_74, %mul3A_856 : vector<256x128xbf16>
      %swap3A_858 = arith.constant 5120 : index
      %swap3A_859 = arith.constant 0 : index
      %swap3A_860 = vector.load %arg17[%swap3A_858, %swap3A_859] : memref<5376x128xbf16, #tpu.memory_space<vmem>>, vector<256x128xbf16>
      tpu.vector_store %arg17[%swap3A_858, %swap3A_859], %mul3A_857 {strides = array<i32>} : memref<5376x128xbf16, #tpu.memory_space<vmem>>, vector<256x128xbf16>,
      %get3A_861 = arith.constant 0 : index
      %get3A_862 = arith.constant 0 : index
      %get3A_863 = vector.load %arg14[%get3A_861, %get3A_862] : memref<128x5376xbf16, #tpu.memory_space<vmem>>, vector<128x5376xbf16>
      %get3A_864 = arith.constant 0 : index
      %get3A_865 = arith.constant 0 : index
      %get3A_866 = vector.load %arg16[%get3A_864, %get3A_865] : memref<5376x128xbf16, #tpu.memory_space<vmem>>, vector<5376x128xbf16>
      %dot_general3A_867 = arith.constant dense<0.000000e+00> : vector<128x128xf32>
      %dot_general3A_868 = tpu.matmul %get3A_863, %get3A_866, %dot_general3A_867 {dimension_numbers = #tpu.dot_dimension_numbers<[1], [0], [0], [1], [0, 0, 1, 1], [], []>, transpose_lhs_hint = false} : vector<128x5376xbf16>, vector<5376x128xbf16>, vector<128x128xf32> -> vector<128x128xf32>
      %add3A_869 = arith.addf %while3A_58, %dot_general3A_868 : vector<128x128xf32>
      %get3A_870 = arith.constant 0 : index
      %get3A_871 = arith.constant 0 : index
      %get3A_872 = vector.load %arg15[%get3A_870, %get3A_871] : memref<384x5376xbf16, #tpu.memory_space<vmem>>, vector<384x5376xbf16>
      %get3A_873 = arith.constant 0 : index
      %get3A_874 = arith.constant 0 : index
      %get3A_875 = vector.load %arg17[%get3A_873, %get3A_874] : memref<5376x128xbf16, #tpu.memory_space<vmem>>, vector<5376x128xbf16>
      %dot_general3A_876 = arith.constant dense<0.000000e+00> : vector<384x128xf32>
      %dot_general3A_877 = tpu.matmul %get3A_872, %get3A_875, %dot_general3A_876 {dimension_numbers = #tpu.dot_dimension_numbers<[1], [0], [0], [1], [0, 0, 1, 1], [], []>, transpose_lhs_hint = false} : vector<384x5376xbf16>, vector<5376x128xbf16>, vector<384x128xf32> -> vector<384x128xf32>
      %add3A_878 = arith.addf %while3A_59, %dot_general3A_877 : vector<384x128xf32>
      scf.yield %add3A_869, %add3A_878 : vector<128x128xf32>, vector<384x128xf32>
    }
    %while3A_33 = arith.constant 1 : i32
    %while3A_34:2 = scf.for %while3A_57 = %while3A_30 to %while3A_26 step %while3A_33 iter_args(%while3A_58 = %while3A_32#0, %while3A_59 = %while3A_32#1) -> (vector<128x128xf32>, vector<384x128xf32>)  : i32 {
      %mul3A_60 = arith.constant 256 : i32
      %mul3A_61 = arith.muli %while3A_57, %mul3A_60 : i32
      %add3A_62 = arith.addi %get3A_1, %mul3A_61 : i32
      %multiple_of3A = tpu.assume_multiple %add3A_62, 8 : i32
      %get3A_63 = arith.index_cast %multiple_of3A : i32 to index
      %get3A_64 = arith.constant 0 : index
      %get3A_65 = vector.load %arg4[%get3A_63, %get3A_64] : memref<4352x3xf32, #tpu.memory_space<vmem>>, vector<256x3xf32>
      %transpose3A = tpu.transpose %get3A_65, [1, 0] : vector<256x3xf32> -> vector<3x256xf32>
      %get3A_66 = arith.index_cast %multiple_of3A : i32 to index
      %get3A_67 = arith.constant 0 : index
      %get3A_68 = vector.load %arg5[%get3A_66, %get3A_67] : memref<4352x1xi32, #tpu.memory_space<vmem>>, vector<256x1xi32>
      %reshape3A = vector.shape_cast %get3A_68 : vector<256x1xi32> to vector<1x256xi32>
      %get3A_69 = arith.index_cast %multiple_of3A : i32 to index
      %get3A_70 = arith.constant 0 : index
      %get3A_71 = vector.load %arg6[%get3A_69, %get3A_70] : memref<4352x128xbf16, #tpu.memory_space<vmem>>, vector<256x128xbf16>
      %get3A_72 = arith.index_cast %multiple_of3A : i32 to index
      %get3A_73 = arith.constant 0 : index
      %get3A_74 = vector.load %arg7[%get3A_72, %get3A_73] : memref<4352x128xbf16, #tpu.memory_space<vmem>>, vector<256x128xbf16>
      %mul3A_75 = arith.mulf %transpose3A, %transpose3A : vector<3x256xf32>
      %reduce_sum3A_76 = arith.constant dense<0.000000e+00> : vector<256xf32>
      %reduce_sum3A_77 = vector.multi_reduction <add>, %mul3A_75, %reduce_sum3A_76 [0] : vector<3x256xf32> to vector<256xf32>
      %broadcast_in_dim3A_78 = vector.shape_cast %reduce_sum3A_77 : vector<256xf32> to vector<1x256xf32>
      %dot_general3A = arith.constant dense<0.000000e+00> : vector<128x256xf32>
      %dot_general3A_79 = tpu.matmul %get3A_7, %transpose3A, %dot_general3A {dimension_numbers = #tpu.dot_dimension_numbers<[1], [0], [0], [1], [0, 0, 1, 1], [], []>, transpose_lhs_hint = false} : vector<128x3xf32>, vector<3x256xf32>, vector<128x256xf32> -> vector<128x256xf32>
      %add3A_80 = vector.broadcast %broadcast_in_dim3A : vector<128x1xf32> to vector<128x256xf32>
      %add3A_81 = vector.broadcast %broadcast_in_dim3A_78 : vector<1x256xf32> to vector<128x256xf32>
      %add3A_82 = arith.addf %add3A_80, %add3A_81 : vector<128x256xf32>
      %mul3A_83 = arith.constant 2.000000e+00 : f32
      %mul3A_84 = vector.broadcast %mul3A_83 : f32 to vector<128x256xf32>
      %mul3A_85 = arith.mulf %mul3A_84, %dot_general3A_79 : vector<128x256xf32>
      %sub3A = arith.subf %add3A_82, %mul3A_85 : vector<128x256xf32>
      %max3A = arith.constant 0.000000e+00 : f32
      %max3A_86 = vector.broadcast %max3A : f32 to vector<128x256xf32>
      %max3A_87 = arith.maximumf %sub3A, %max3A_86 : vector<128x256xf32>
      %sqrt3A = math.sqrt %max3A_87 : vector<128x256xf32>
      %iota3A_88 = tpu.iota {dimensions = array<i32: 1>} : vector<128x256xi32>
      %add3A_89 = vector.broadcast %multiple_of3A : i32 to vector<128x256xi32>
      %add3A_90 = arith.addi %add3A_89, %iota3A_88 : vector<128x256xi32>
      %le3A = arith.constant 5.000000e+00 : f32
      %le3A_91 = vector.broadcast %le3A : f32 to vector<128x256xf32>
      %le3A_92 = arith.cmpf ole, %sqrt3A, %le3A_91 : vector<128x256xf32>
      %eq3A = vector.broadcast %get3A_10 : vector<128x1xi32> to vector<128x256xi32>
      %eq3A_93 = vector.broadcast %reshape3A : vector<1x256xi32> to vector<128x256xi32>
      %eq3A_94 = arith.cmpi eq, %eq3A, %eq3A_93 : vector<128x256xi32>
      %and3A = arith.andi %le3A_92, %eq3A_94 : vector<128x256xi1>
      %ne3A = arith.cmpi ne, %add3A_14, %add3A_90 : vector<128x256xi32>
      %and3A_95 = arith.andi %and3A, %ne3A : vector<128x256xi1>
      %convert_element_type3A = arith.extui %and3A_95 : vector<128x256xi1> to vector<128x256xi32>
      %convert_element_type3A_96 = arith.sitofp %convert_element_type3A : vector<128x256xi32> to vector<128x256xf32>
      %slice3A_97 = vector.extract_strided_slice %get3A_7 {offsets = [0, 0], sizes = [128, 1], strides = [1, 1]} : vector<128x3xf32> to vector<128x1xf32>
      %slice3A_98 = vector.extract_strided_slice %transpose3A {offsets = [0, 0], sizes = [1, 256], strides = [1, 1]} : vector<3x256xf32> to vector<1x256xf32>
      %sub3A_99 = vector.broadcast %slice3A_97 : vector<128x1xf32> to vector<128x256xf32>
      %sub3A_100 = vector.broadcast %slice3A_98 : vector<1x256xf32> to vector<128x256xf32>
      %sub3A_101 = arith.subf %sub3A_99, %sub3A_100 : vector<128x256xf32>
      %slice3A_102 = vector.extract_strided_slice %get3A_7 {offsets = [0, 1], sizes = [128, 1], strides = [1, 1]} : vector<128x3xf32> to vector<128x1xf32>
      %slice3A_103 = vector.extract_strided_slice %transpose3A {offsets = [1, 0], sizes = [1, 256], strides = [1, 1]} : vector<3x256xf32> to vector<1x256xf32>
      %sub3A_104 = vector.broadcast %slice3A_102 : vector<128x1xf32> to vector<128x256xf32>
      %sub3A_105 = vector.broadcast %slice3A_103 : vector<1x256xf32> to vector<128x256xf32>
      %sub3A_106 = arith.subf %sub3A_104, %sub3A_105 : vector<128x256xf32>
      %slice3A_107 = vector.extract_strided_slice %get3A_7 {offsets = [0, 2], sizes = [128, 1], strides = [1, 1]} : vector<128x3xf32> to vector<128x1xf32>
      %slice3A_108 = vector.extract_strided_slice %transpose3A {offsets = [2, 0], sizes = [1, 256], strides = [1, 1]} : vector<3x256xf32> to vector<1x256xf32>
      %sub3A_109 = vector.broadcast %slice3A_107 : vector<128x1xf32> to vector<128x256xf32>
      %sub3A_110 = vector.broadcast %slice3A_108 : vector<1x256xf32> to vector<128x256xf32>
      %sub3A_111 = arith.subf %sub3A_109, %sub3A_110 : vector<128x256xf32>
      %mul3A_112 = arith.mulf %sub3A_101, %sub3A_101 : vector<128x256xf32>
      %mul3A_113 = arith.mulf %sub3A_106, %sub3A_106 : vector<128x256xf32>
      %add3A_114 = arith.addf %mul3A_112, %mul3A_113 : vector<128x256xf32>
      %mul3A_115 = arith.mulf %sub3A_111, %sub3A_111 : vector<128x256xf32>
      %add3A_116 = arith.addf %add3A_114, %mul3A_115 : vector<128x256xf32>
      %sqrt3A_117 = math.sqrt %add3A_116 : vector<128x256xf32>
      %jit3A = arith.constant 1.000000e+00 : f32
      %broadcast_in_dim3A_118 = vector.broadcast %jit3A : f32 to vector<128x256xf32>
      %select_n3A = arith.select %and3A_95, %sqrt3A_117, %broadcast_in_dim3A_118 : vector<128x256xi1>, vector<128x256xf32>
      %div3A = arith.divf %convert_element_type3A_96, %select_n3A : vector<128x256xf32>
      %convert_element_type3A_119 = arith.truncf %div3A : vector<128x256xf32> to vector<128x256xbf16>
      %mul3A_120 = arith.mulf %sub3A_101, %convert_element_type3A_96 : vector<128x256xf32>
      %convert_element_type3A_121 = arith.truncf %mul3A_120 : vector<128x256xf32> to vector<128x256xbf16>
      %mul3A_122 = arith.mulf %sub3A_106, %convert_element_type3A_96 : vector<128x256xf32>
      %convert_element_type3A_123 = arith.truncf %mul3A_122 : vector<128x256xf32> to vector<128x256xbf16>
      %mul3A_124 = arith.mulf %sub3A_111, %convert_element_type3A_96 : vector<128x256xf32>
      %convert_element_type3A_125 = arith.truncf %mul3A_124 : vector<128x256xf32> to vector<128x256xbf16>
      %convert_element_type3A_126 = arith.truncf %sqrt3A_117 : vector<128x256xf32> to vector<128x256xbf16>
      %mul3A_127 = arith.constant 0.628318548 : f32
      %mul3A_128 = vector.broadcast %mul3A_127 : f32 to vector<128x256xf32>
      %mul3A_129 = arith.mulf %sqrt3A_117, %mul3A_128 : vector<128x256xf32>
      %sin3A = math.sin %mul3A_129 : vector<128x256xf32>
      %cos3A = math.cos %mul3A_129 : vector<128x256xf32>
      %mul3A_130 = arith.constant 2.000000e+00 : f32
      %mul3A_131 = vector.broadcast %mul3A_130 : f32 to vector<128x256xf32>
      %mul3A_132 = arith.mulf %mul3A_131, %cos3A : vector<128x256xf32>
      %broadcast_in_dim3A_133 = arith.constant 0.000000e+00 : f32
      %broadcast_in_dim3A_134 = vector.broadcast %broadcast_in_dim3A_133 : f32 to vector<128x256xf32>
      %convert_element_type3A_135 = arith.truncf %sin3A : vector<128x256xf32> to vector<128x256xbf16>
      %mul3A_136 = arith.mulf %convert_element_type3A_135, %convert_element_type3A_119 : vector<128x256xbf16>
      %swap3A_137 = arith.constant 0 : index
      %swap3A_138 = arith.constant 0 : index
      %swap3A_139 = vector.load %arg14[%swap3A_137, %swap3A_138] : memref<128x5376xbf16, #tpu.memory_space<vmem>>, vector<128x256xbf16>
      tpu.vector_store %arg14[%swap3A_137, %swap3A_138], %mul3A_136 {strides = array<i32>} : memref<128x5376xbf16, #tpu.memory_space<vmem>>, vector<128x256xbf16>,
      %mul3A_140 = arith.mulf %convert_element_type3A_135, %convert_element_type3A_121 : vector<128x256xbf16>
      %swap3A_141 = arith.constant 0 : index
      %swap3A_142 = arith.constant 0 : index
      %swap3A_143 = vector.load %arg15[%swap3A_141, %swap3A_142] : memref<384x5376xbf16, #tpu.memory_space<vmem>>, vector<128x256xbf16>
      tpu.vector_store %arg15[%swap3A_141, %swap3A_142], %mul3A_140 {strides = array<i32>} : memref<384x5376xbf16, #tpu.memory_space<vmem>>, vector<128x256xbf16>,
      %mul3A_144 = arith.mulf %convert_element_type3A_135, %convert_element_type3A_123 : vector<128x256xbf16>
      %swap3A_145 = arith.constant 128 : index
      %swap3A_146 = arith.constant 0 : index
      %swap3A_147 = vector.load %arg15[%swap3A_145, %swap3A_146] : memref<384x5376xbf16, #tpu.memory_space<vmem>>, vector<128x256xbf16>
      tpu.vector_store %arg15[%swap3A_145, %swap3A_146], %mul3A_144 {strides = array<i32>} : memref<384x5376xbf16, #tpu.memory_space<vmem>>, vector<128x256xbf16>,
      %mul3A_148 = arith.mulf %convert_element_type3A_135, %convert_element_type3A_125 : vector<128x256xbf16>
      %swap3A_149 = arith.constant 256 : index
      %swap3A_150 = arith.constant 0 : index
      %swap3A_151 = vector.load %arg15[%swap3A_149, %swap3A_150] : memref<384x5376xbf16, #tpu.memory_space<vmem>>, vector<128x256xbf16>
      tpu.vector_store %arg15[%swap3A_149, %swap3A_150], %mul3A_148 {strides = array<i32>} : memref<384x5376xbf16, #tpu.memory_space<vmem>>, vector<128x256xbf16>,
      %get3A_152 = arith.constant 0 : index
      %get3A_153 = arith.constant 0 : index
      %get3A_154 = vector.load %arg8[%get3A_152, %get3A_153] : memref<20x128xbf16, #tpu.memory_space<vmem>>, vector<1x128xbf16>
      %mul3A_155 = vector.broadcast %get3A_154 : vector<1x128xbf16> to vector<256x128xbf16>
      %mul3A_156 = arith.mulf %get3A_71, %mul3A_155 : vector<256x128xbf16>
      %swap3A_157 = arith.constant 0 : index
      %swap3A_158 = arith.constant 0 : index
      %swap3A_159 = vector.load %arg16[%swap3A_157, %swap3A_158] : memref<5376x128xbf16, #tpu.memory_space<vmem>>, vector<256x128xbf16>
      tpu.vector_store %arg16[%swap3A_157, %swap3A_158], %mul3A_156 {strides = array<i32>} : memref<5376x128xbf16, #tpu.memory_space<vmem>>, vector<256x128xbf16>,
      %get3A_160 = arith.constant 0 : index
      %get3A_161 = arith.constant 0 : index
      %get3A_162 = vector.load %arg9[%get3A_160, %get3A_161] : memref<20x128xbf16, #tpu.memory_space<vmem>>, vector<1x128xbf16>
      %mul3A_163 = vector.broadcast %get3A_162 : vector<1x128xbf16> to vector<256x128xbf16>
      %mul3A_164 = arith.mulf %get3A_74, %mul3A_163 : vector<256x128xbf16>
      %swap3A_165 = arith.constant 0 : index
      %swap3A_166 = arith.constant 0 : index
      %swap3A_167 = vector.load %arg17[%swap3A_165, %swap3A_166] : memref<5376x128xbf16, #tpu.memory_space<vmem>>, vector<256x128xbf16>
      tpu.vector_store %arg17[%swap3A_165, %swap3A_166], %mul3A_164 {strides = array<i32>} : memref<5376x128xbf16, #tpu.memory_space<vmem>>, vector<256x128xbf16>,
      %mul3A_168 = arith.mulf %mul3A_132, %sin3A : vector<128x256xf32>
      %sub3A_169 = arith.subf %mul3A_168, %broadcast_in_dim3A_134 : vector<128x256xf32>
      %convert_element_type3A_170 = arith.truncf %sub3A_169 : vector<128x256xf32> to vector<128x256xbf16>
      %mul3A_171 = arith.mulf %convert_element_type3A_170, %convert_element_type3A_119 : vector<128x256xbf16>
      %swap3A_172 = arith.constant 0 : index
      %swap3A_173 = arith.constant 256 : index
      %swap3A_174 = vector.load %arg14[%swap3A_172, %swap3A_173] : memref<128x5376xbf16, #tpu.memory_space<vmem>>, vector<128x256xbf16>
      tpu.vector_store %arg14[%swap3A_172, %swap3A_173], %mul3A_171 {strides = array<i32>} : memref<128x5376xbf16, #tpu.memory_space<vmem>>, vector<128x256xbf16>,
      %mul3A_175 = arith.mulf %convert_element_type3A_170, %convert_element_type3A_121 : vector<128x256xbf16>
      %swap3A_176 = arith.constant 0 : index
      %swap3A_177 = arith.constant 256 : index
      %swap3A_178 = vector.load %arg15[%swap3A_176, %swap3A_177] : memref<384x5376xbf16, #tpu.memory_space<vmem>>, vector<128x256xbf16>
      tpu.vector_store %arg15[%swap3A_176, %swap3A_177], %mul3A_175 {strides = array<i32>} : memref<384x5376xbf16, #tpu.memory_space<vmem>>, vector<128x256xbf16>,
      %mul3A_179 = arith.mulf %convert_element_type3A_170, %convert_element_type3A_123 : vector<128x256xbf16>
      %swap3A_180 = arith.constant 128 : index
      %swap3A_181 = arith.constant 256 : index
      %swap3A_182 = vector.load %arg15[%swap3A_180, %swap3A_181] : memref<384x5376xbf16, #tpu.memory_space<vmem>>, vector<128x256xbf16>
      tpu.vector_store %arg15[%swap3A_180, %swap3A_181], %mul3A_179 {strides = array<i32>} : memref<384x5376xbf16, #tpu.memory_space<vmem>>, vector<128x256xbf16>,
      %mul3A_183 = arith.mulf %convert_element_type3A_170, %convert_element_type3A_125 : vector<128x256xbf16>
      %swap3A_184 = arith.constant 256 : index
      %swap3A_185 = arith.constant 256 : index
      %swap3A_186 = vector.load %arg15[%swap3A_184, %swap3A_185] : memref<384x5376xbf16, #tpu.memory_space<vmem>>, vector<128x256xbf16>
      tpu.vector_store %arg15[%swap3A_184, %swap3A_185], %mul3A_183 {strides = array<i32>} : memref<384x5376xbf16, #tpu.memory_space<vmem>>, vector<128x256xbf16>,
      %get3A_187 = arith.constant 1 : index
      %get3A_188 = arith.constant 0 : index
      %get3A_189 = vector.load %arg8[%get3A_187, %get3A_188] : memref<20x128xbf16, #tpu.memory_space<vmem>>, vector<1x128xbf16>
      %mul3A_190 = vector.broadcast %get3A_189 : vector<1x128xbf16> to vector<256x128xbf16>
      %mul3A_191 = arith.mulf %get3A_71, %mul3A_190 : vector<256x128xbf16>
      %swap3A_192 = arith.constant 256 : index
      %swap3A_193 = arith.constant 0 : index
      %swap3A_194 = vector.load %arg16[%swap3A_192, %swap3A_193] : memref<5376x128xbf16, #tpu.memory_space<vmem>>, vector<256x128xbf16>
      tpu.vector_store %arg16[%swap3A_192, %swap3A_193], %mul3A_191 {strides = array<i32>} : memref<5376x128xbf16, #tpu.memory_space<vmem>>, vector<256x128xbf16>,
      %get3A_195 = arith.constant 1 : index
      %get3A_196 = arith.constant 0 : index
      %get3A_197 = vector.load %arg9[%get3A_195, %get3A_196] : memref<20x128xbf16, #tpu.memory_space<vmem>>, vector<1x128xbf16>
      %mul3A_198 = vector.broadcast %get3A_197 : vector<1x128xbf16> to vector<256x128xbf16>
      %mul3A_199 = arith.mulf %get3A_74, %mul3A_198 : vector<256x128xbf16>
      %swap3A_200 = arith.constant 256 : index
      %swap3A_201 = arith.constant 0 : index
      %swap3A_202 = vector.load %arg17[%swap3A_200, %swap3A_201] : memref<5376x128xbf16, #tpu.memory_space<vmem>>, vector<256x128xbf16>
      tpu.vector_store %arg17[%swap3A_200, %swap3A_201], %mul3A_199 {strides = array<i32>} : memref<5376x128xbf16, #tpu.memory_space<vmem>>, vector<256x128xbf16>,
      %mul3A_203 = arith.mulf %mul3A_132, %sub3A_169 : vector<128x256xf32>
      %sub3A_204 = arith.subf %mul3A_203, %sin3A : vector<128x256xf32>
      %convert_element_type3A_205 = arith.truncf %sub3A_204 : vector<128x256xf32> to vector<128x256xbf16>
      %mul3A_206 = arith.mulf %convert_element_type3A_205, %convert_element_type3A_119 : vector<128x256xbf16>
      %swap3A_207 = arith.constant 0 : index
      %swap3A_208 = arith.constant 512 : index
      %swap3A_209 = vector.load %arg14[%swap3A_207, %swap3A_208] : memref<128x5376xbf16, #tpu.memory_space<vmem>>, vector<128x256xbf16>
      tpu.vector_store %arg14[%swap3A_207, %swap3A_208], %mul3A_206 {strides = array<i32>} : memref<128x5376xbf16, #tpu.memory_space<vmem>>, vector<128x256xbf16>,
      %mul3A_210 = arith.mulf %convert_element_type3A_205, %convert_element_type3A_121 : vector<128x256xbf16>
      %swap3A_211 = arith.constant 0 : index
      %swap3A_212 = arith.constant 512 : index
      %swap3A_213 = vector.load %arg15[%swap3A_211, %swap3A_212] : memref<384x5376xbf16, #tpu.memory_space<vmem>>, vector<128x256xbf16>
      tpu.vector_store %arg15[%swap3A_211, %swap3A_212], %mul3A_210 {strides = array<i32>} : memref<384x5376xbf16, #tpu.memory_space<vmem>>, vector<128x256xbf16>,
      %mul3A_214 = arith.mulf %convert_element_type3A_205, %convert_element_type3A_123 : vector<128x256xbf16>
      %swap3A_215 = arith.constant 128 : index
      %swap3A_216 = arith.constant 512 : index
      %swap3A_217 = vector.load %arg15[%swap3A_215, %swap3A_216] : memref<384x5376xbf16, #tpu.memory_space<vmem>>, vector<128x256xbf16>
      tpu.vector_store %arg15[%swap3A_215, %swap3A_216], %mul3A_214 {strides = array<i32>} : memref<384x5376xbf16, #tpu.memory_space<vmem>>, vector<128x256xbf16>,
      %mul3A_218 = arith.mulf %convert_element_type3A_205, %convert_element_type3A_125 : vector<128x256xbf16>
      %swap3A_219 = arith.constant 256 : index
      %swap3A_220 = arith.constant 512 : index
      %swap3A_221 = vector.load %arg15[%swap3A_219, %swap3A_220] : memref<384x5376xbf16, #tpu.memory_space<vmem>>, vector<128x256xbf16>
      tpu.vector_store %arg15[%swap3A_219, %swap3A_220], %mul3A_218 {strides = array<i32>} : memref<384x5376xbf16, #tpu.memory_space<vmem>>, vector<128x256xbf16>,
      %get3A_222 = arith.constant 2 : index
      %get3A_223 = arith.constant 0 : index
      %get3A_224 = vector.load %arg8[%get3A_222, %get3A_223] : memref<20x128xbf16, #tpu.memory_space<vmem>>, vector<1x128xbf16>
      %mul3A_225 = vector.broadcast %get3A_224 : vector<1x128xbf16> to vector<256x128xbf16>
      %mul3A_226 = arith.mulf %get3A_71, %mul3A_225 : vector<256x128xbf16>
      %swap3A_227 = arith.constant 512 : index
      %swap3A_228 = arith.constant 0 : index
      %swap3A_229 = vector.load %arg16[%swap3A_227, %swap3A_228] : memref<5376x128xbf16, #tpu.memory_space<vmem>>, vector<256x128xbf16>
      tpu.vector_store %arg16[%swap3A_227, %swap3A_228], %mul3A_226 {strides = array<i32>} : memref<5376x128xbf16, #tpu.memory_space<vmem>>, vector<256x128xbf16>,
      %get3A_230 = arith.constant 2 : index
      %get3A_231 = arith.constant 0 : index
      %get3A_232 = vector.load %arg9[%get3A_230, %get3A_231] : memref<20x128xbf16, #tpu.memory_space<vmem>>, vector<1x128xbf16>
      %mul3A_233 = vector.broadcast %get3A_232 : vector<1x128xbf16> to vector<256x128xbf16>
      %mul3A_234 = arith.mulf %get3A_74, %mul3A_233 : vector<256x128xbf16>
      %swap3A_235 = arith.constant 512 : index
      %swap3A_236 = arith.constant 0 : index
      %swap3A_237 = vector.load %arg17[%swap3A_235, %swap3A_236] : memref<5376x128xbf16, #tpu.memory_space<vmem>>, vector<256x128xbf16>
      tpu.vector_store %arg17[%swap3A_235, %swap3A_236], %mul3A_234 {strides = array<i32>} : memref<5376x128xbf16, #tpu.memory_space<vmem>>, vector<256x128xbf16>,
      %mul3A_238 = arith.mulf %mul3A_132, %sub3A_204 : vector<128x256xf32>
      %sub3A_239 = arith.subf %mul3A_238, %sub3A_169 : vector<128x256xf32>
      %convert_element_type3A_240 = arith.truncf %sub3A_239 : vector<128x256xf32> to vector<128x256xbf16>
      %mul3A_241 = arith.mulf %convert_element_type3A_240, %convert_element_type3A_119 : vector<128x256xbf16>
      %swap3A_242 = arith.constant 0 : index
      %swap3A_243 = arith.constant 768 : index
      %swap3A_244 = vector.load %arg14[%swap3A_242, %swap3A_243] : memref<128x5376xbf16, #tpu.memory_space<vmem>>, vector<128x256xbf16>
      tpu.vector_store %arg14[%swap3A_242, %swap3A_243], %mul3A_241 {strides = array<i32>} : memref<128x5376xbf16, #tpu.memory_space<vmem>>, vector<128x256xbf16>,
      %mul3A_245 = arith.mulf %convert_element_type3A_240, %convert_element_type3A_121 : vector<128x256xbf16>
      %swap3A_246 = arith.constant 0 : index
      %swap3A_247 = arith.constant 768 : index
      %swap3A_248 = vector.load %arg15[%swap3A_246, %swap3A_247] : memref<384x5376xbf16, #tpu.memory_space<vmem>>, vector<128x256xbf16>
      tpu.vector_store %arg15[%swap3A_246, %swap3A_247], %mul3A_245 {strides = array<i32>} : memref<384x5376xbf16, #tpu.memory_space<vmem>>, vector<128x256xbf16>,
      %mul3A_249 = arith.mulf %convert_element_type3A_240, %convert_element_type3A_123 : vector<128x256xbf16>
      %swap3A_250 = arith.constant 128 : index
      %swap3A_251 = arith.constant 768 : index
      %swap3A_252 = vector.load %arg15[%swap3A_250, %swap3A_251] : memref<384x5376xbf16, #tpu.memory_space<vmem>>, vector<128x256xbf16>
      tpu.vector_store %arg15[%swap3A_250, %swap3A_251], %mul3A_249 {strides = array<i32>} : memref<384x5376xbf16, #tpu.memory_space<vmem>>, vector<128x256xbf16>,
      %mul3A_253 = arith.mulf %convert_element_type3A_240, %convert_element_type3A_125 : vector<128x256xbf16>
      %swap3A_254 = arith.constant 256 : index
      %swap3A_255 = arith.constant 768 : index
      %swap3A_256 = vector.load %arg15[%swap3A_254, %swap3A_255] : memref<384x5376xbf16, #tpu.memory_space<vmem>>, vector<128x256xbf16>
      tpu.vector_store %arg15[%swap3A_254, %swap3A_255], %mul3A_253 {strides = array<i32>} : memref<384x5376xbf16, #tpu.memory_space<vmem>>, vector<128x256xbf16>,
      %get3A_257 = arith.constant 3 : index
      %get3A_258 = arith.constant 0 : index
      %get3A_259 = vector.load %arg8[%get3A_257, %get3A_258] : memref<20x128xbf16, #tpu.memory_space<vmem>>, vector<1x128xbf16>
      %mul3A_260 = vector.broadcast %get3A_259 : vector<1x128xbf16> to vector<256x128xbf16>
      %mul3A_261 = arith.mulf %get3A_71, %mul3A_260 : vector<256x128xbf16>
      %swap3A_262 = arith.constant 768 : index
      %swap3A_263 = arith.constant 0 : index
      %swap3A_264 = vector.load %arg16[%swap3A_262, %swap3A_263] : memref<5376x128xbf16, #tpu.memory_space<vmem>>, vector<256x128xbf16>
      tpu.vector_store %arg16[%swap3A_262, %swap3A_263], %mul3A_261 {strides = array<i32>} : memref<5376x128xbf16, #tpu.memory_space<vmem>>, vector<256x128xbf16>,
      %get3A_265 = arith.constant 3 : index
      %get3A_266 = arith.constant 0 : index
      %get3A_267 = vector.load %arg9[%get3A_265, %get3A_266] : memref<20x128xbf16, #tpu.memory_space<vmem>>, vector<1x128xbf16>
      %mul3A_268 = vector.broadcast %get3A_267 : vector<1x128xbf16> to vector<256x128xbf16>
      %mul3A_269 = arith.mulf %get3A_74, %mul3A_268 : vector<256x128xbf16>
      %swap3A_270 = arith.constant 768 : index
      %swap3A_271 = arith.constant 0 : index
      %swap3A_272 = vector.load %arg17[%swap3A_270, %swap3A_271] : memref<5376x128xbf16, #tpu.memory_space<vmem>>, vector<256x128xbf16>
      tpu.vector_store %arg17[%swap3A_270, %swap3A_271], %mul3A_269 {strides = array<i32>} : memref<5376x128xbf16, #tpu.memory_space<vmem>>, vector<256x128xbf16>,
      %mul3A_273 = arith.mulf %mul3A_132, %sub3A_239 : vector<128x256xf32>
      %sub3A_274 = arith.subf %mul3A_273, %sub3A_204 : vector<128x256xf32>
      %convert_element_type3A_275 = arith.truncf %sub3A_274 : vector<128x256xf32> to vector<128x256xbf16>
      %mul3A_276 = arith.mulf %convert_element_type3A_275, %convert_element_type3A_119 : vector<128x256xbf16>
      %swap3A_277 = arith.constant 0 : index
      %swap3A_278 = arith.constant 1024 : index
      %swap3A_279 = vector.load %arg14[%swap3A_277, %swap3A_278] : memref<128x5376xbf16, #tpu.memory_space<vmem>>, vector<128x256xbf16>
      tpu.vector_store %arg14[%swap3A_277, %swap3A_278], %mul3A_276 {strides = array<i32>} : memref<128x5376xbf16, #tpu.memory_space<vmem>>, vector<128x256xbf16>,
      %mul3A_280 = arith.mulf %convert_element_type3A_275, %convert_element_type3A_121 : vector<128x256xbf16>
      %swap3A_281 = arith.constant 0 : index
      %swap3A_282 = arith.constant 1024 : index
      %swap3A_283 = vector.load %arg15[%swap3A_281, %swap3A_282] : memref<384x5376xbf16, #tpu.memory_space<vmem>>, vector<128x256xbf16>
      tpu.vector_store %arg15[%swap3A_281, %swap3A_282], %mul3A_280 {strides = array<i32>} : memref<384x5376xbf16, #tpu.memory_space<vmem>>, vector<128x256xbf16>,
      %mul3A_284 = arith.mulf %convert_element_type3A_275, %convert_element_type3A_123 : vector<128x256xbf16>
      %swap3A_285 = arith.constant 128 : index
      %swap3A_286 = arith.constant 1024 : index
      %swap3A_287 = vector.load %arg15[%swap3A_285, %swap3A_286] : memref<384x5376xbf16, #tpu.memory_space<vmem>>, vector<128x256xbf16>
      tpu.vector_store %arg15[%swap3A_285, %swap3A_286], %mul3A_284 {strides = array<i32>} : memref<384x5376xbf16, #tpu.memory_space<vmem>>, vector<128x256xbf16>,
      %mul3A_288 = arith.mulf %convert_element_type3A_275, %convert_element_type3A_125 : vector<128x256xbf16>
      %swap3A_289 = arith.constant 256 : index
      %swap3A_290 = arith.constant 1024 : index
      %swap3A_291 = vector.load %arg15[%swap3A_289, %swap3A_290] : memref<384x5376xbf16, #tpu.memory_space<vmem>>, vector<128x256xbf16>
      tpu.vector_store %arg15[%swap3A_289, %swap3A_290], %mul3A_288 {strides = array<i32>} : memref<384x5376xbf16, #tpu.memory_space<vmem>>, vector<128x256xbf16>,
      %get3A_292 = arith.constant 4 : index
      %get3A_293 = arith.constant 0 : index
      %get3A_294 = vector.load %arg8[%get3A_292, %get3A_293] : memref<20x128xbf16, #tpu.memory_space<vmem>>, vector<1x128xbf16>
      %mul3A_295 = vector.broadcast %get3A_294 : vector<1x128xbf16> to vector<256x128xbf16>
      %mul3A_296 = arith.mulf %get3A_71, %mul3A_295 : vector<256x128xbf16>
      %swap3A_297 = arith.constant 1024 : index
      %swap3A_298 = arith.constant 0 : index
      %swap3A_299 = vector.load %arg16[%swap3A_297, %swap3A_298] : memref<5376x128xbf16, #tpu.memory_space<vmem>>, vector<256x128xbf16>
      tpu.vector_store %arg16[%swap3A_297, %swap3A_298], %mul3A_296 {strides = array<i32>} : memref<5376x128xbf16, #tpu.memory_space<vmem>>, vector<256x128xbf16>,
      %get3A_300 = arith.constant 4 : index
      %get3A_301 = arith.constant 0 : index
      %get3A_302 = vector.load %arg9[%get3A_300, %get3A_301] : memref<20x128xbf16, #tpu.memory_space<vmem>>, vector<1x128xbf16>
      %mul3A_303 = vector.broadcast %get3A_302 : vector<1x128xbf16> to vector<256x128xbf16>
      %mul3A_304 = arith.mulf %get3A_74, %mul3A_303 : vector<256x128xbf16>
      %swap3A_305 = arith.constant 1024 : index
      %swap3A_306 = arith.constant 0 : index
      %swap3A_307 = vector.load %arg17[%swap3A_305, %swap3A_306] : memref<5376x128xbf16, #tpu.memory_space<vmem>>, vector<256x128xbf16>
      tpu.vector_store %arg17[%swap3A_305, %swap3A_306], %mul3A_304 {strides = array<i32>} : memref<5376x128xbf16, #tpu.memory_space<vmem>>, vector<256x128xbf16>,
      %mul3A_308 = arith.mulf %mul3A_132, %sub3A_274 : vector<128x256xf32>
      %sub3A_309 = arith.subf %mul3A_308, %sub3A_239 : vector<128x256xf32>
      %convert_element_type3A_310 = arith.truncf %sub3A_309 : vector<128x256xf32> to vector<128x256xbf16>
      %mul3A_311 = arith.mulf %convert_element_type3A_310, %convert_element_type3A_119 : vector<128x256xbf16>
      %swap3A_312 = arith.constant 0 : index
      %swap3A_313 = arith.constant 1280 : index
      %swap3A_314 = vector.load %arg14[%swap3A_312, %swap3A_313] : memref<128x5376xbf16, #tpu.memory_space<vmem>>, vector<128x256xbf16>
      tpu.vector_store %arg14[%swap3A_312, %swap3A_313], %mul3A_311 {strides = array<i32>} : memref<128x5376xbf16, #tpu.memory_space<vmem>>, vector<128x256xbf16>,
      %mul3A_315 = arith.mulf %convert_element_type3A_310, %convert_element_type3A_121 : vector<128x256xbf16>
      %swap3A_316 = arith.constant 0 : index
      %swap3A_317 = arith.constant 1280 : index
      %swap3A_318 = vector.load %arg15[%swap3A_316, %swap3A_317] : memref<384x5376xbf16, #tpu.memory_space<vmem>>, vector<128x256xbf16>
      tpu.vector_store %arg15[%swap3A_316, %swap3A_317], %mul3A_315 {strides = array<i32>} : memref<384x5376xbf16, #tpu.memory_space<vmem>>, vector<128x256xbf16>,
      %mul3A_319 = arith.mulf %convert_element_type3A_310, %convert_element_type3A_123 : vector<128x256xbf16>
      %swap3A_320 = arith.constant 128 : index
      %swap3A_321 = arith.constant 1280 : index
      %swap3A_322 = vector.load %arg15[%swap3A_320, %swap3A_321] : memref<384x5376xbf16, #tpu.memory_space<vmem>>, vector<128x256xbf16>
      tpu.vector_store %arg15[%swap3A_320, %swap3A_321], %mul3A_319 {strides = array<i32>} : memref<384x5376xbf16, #tpu.memory_space<vmem>>, vector<128x256xbf16>,
      %mul3A_323 = arith.mulf %convert_element_type3A_310, %convert_element_type3A_125 : vector<128x256xbf16>
      %swap3A_324 = arith.constant 256 : index
      %swap3A_325 = arith.constant 1280 : index
      %swap3A_326 = vector.load %arg15[%swap3A_324, %swap3A_325] : memref<384x5376xbf16, #tpu.memory_space<vmem>>, vector<128x256xbf16>
      tpu.vector_store %arg15[%swap3A_324, %swap3A_325], %mul3A_323 {strides = array<i32>} : memref<384x5376xbf16, #tpu.memory_space<vmem>>, vector<128x256xbf16>,
      %get3A_327 = arith.constant 5 : index
      %get3A_328 = arith.constant 0 : index
      %get3A_329 = vector.load %arg8[%get3A_327, %get3A_328] : memref<20x128xbf16, #tpu.memory_space<vmem>>, vector<1x128xbf16>
      %mul3A_330 = vector.broadcast %get3A_329 : vector<1x128xbf16> to vector<256x128xbf16>
      %mul3A_331 = arith.mulf %get3A_71, %mul3A_330 : vector<256x128xbf16>
      %swap3A_332 = arith.constant 1280 : index
      %swap3A_333 = arith.constant 0 : index
      %swap3A_334 = vector.load %arg16[%swap3A_332, %swap3A_333] : memref<5376x128xbf16, #tpu.memory_space<vmem>>, vector<256x128xbf16>
      tpu.vector_store %arg16[%swap3A_332, %swap3A_333], %mul3A_331 {strides = array<i32>} : memref<5376x128xbf16, #tpu.memory_space<vmem>>, vector<256x128xbf16>,
      %get3A_335 = arith.constant 5 : index
      %get3A_336 = arith.constant 0 : index
      %get3A_337 = vector.load %arg9[%get3A_335, %get3A_336] : memref<20x128xbf16, #tpu.memory_space<vmem>>, vector<1x128xbf16>
      %mul3A_338 = vector.broadcast %get3A_337 : vector<1x128xbf16> to vector<256x128xbf16>
      %mul3A_339 = arith.mulf %get3A_74, %mul3A_338 : vector<256x128xbf16>
      %swap3A_340 = arith.constant 1280 : index
      %swap3A_341 = arith.constant 0 : index
      %swap3A_342 = vector.load %arg17[%swap3A_340, %swap3A_341] : memref<5376x128xbf16, #tpu.memory_space<vmem>>, vector<256x128xbf16>
      tpu.vector_store %arg17[%swap3A_340, %swap3A_341], %mul3A_339 {strides = array<i32>} : memref<5376x128xbf16, #tpu.memory_space<vmem>>, vector<256x128xbf16>,
      %mul3A_343 = arith.mulf %mul3A_132, %sub3A_309 : vector<128x256xf32>
      %sub3A_344 = arith.subf %mul3A_343, %sub3A_274 : vector<128x256xf32>
      %convert_element_type3A_345 = arith.truncf %sub3A_344 : vector<128x256xf32> to vector<128x256xbf16>
      %mul3A_346 = arith.mulf %convert_element_type3A_345, %convert_element_type3A_119 : vector<128x256xbf16>
      %swap3A_347 = arith.constant 0 : index
      %swap3A_348 = arith.constant 1536 : index
      %swap3A_349 = vector.load %arg14[%swap3A_347, %swap3A_348] : memref<128x5376xbf16, #tpu.memory_space<vmem>>, vector<128x256xbf16>
      tpu.vector_store %arg14[%swap3A_347, %swap3A_348], %mul3A_346 {strides = array<i32>} : memref<128x5376xbf16, #tpu.memory_space<vmem>>, vector<128x256xbf16>,
      %mul3A_350 = arith.mulf %convert_element_type3A_345, %convert_element_type3A_121 : vector<128x256xbf16>
      %swap3A_351 = arith.constant 0 : index
      %swap3A_352 = arith.constant 1536 : index
      %swap3A_353 = vector.load %arg15[%swap3A_351, %swap3A_352] : memref<384x5376xbf16, #tpu.memory_space<vmem>>, vector<128x256xbf16>
      tpu.vector_store %arg15[%swap3A_351, %swap3A_352], %mul3A_350 {strides = array<i32>} : memref<384x5376xbf16, #tpu.memory_space<vmem>>, vector<128x256xbf16>,
      %mul3A_354 = arith.mulf %convert_element_type3A_345, %convert_element_type3A_123 : vector<128x256xbf16>
      %swap3A_355 = arith.constant 128 : index
      %swap3A_356 = arith.constant 1536 : index
      %swap3A_357 = vector.load %arg15[%swap3A_355, %swap3A_356] : memref<384x5376xbf16, #tpu.memory_space<vmem>>, vector<128x256xbf16>
      tpu.vector_store %arg15[%swap3A_355, %swap3A_356], %mul3A_354 {strides = array<i32>} : memref<384x5376xbf16, #tpu.memory_space<vmem>>, vector<128x256xbf16>,
      %mul3A_358 = arith.mulf %convert_element_type3A_345, %convert_element_type3A_125 : vector<128x256xbf16>
      %swap3A_359 = arith.constant 256 : index
      %swap3A_360 = arith.constant 1536 : index
      %swap3A_361 = vector.load %arg15[%swap3A_359, %swap3A_360] : memref<384x5376xbf16, #tpu.memory_space<vmem>>, vector<128x256xbf16>
      tpu.vector_store %arg15[%swap3A_359, %swap3A_360], %mul3A_358 {strides = array<i32>} : memref<384x5376xbf16, #tpu.memory_space<vmem>>, vector<128x256xbf16>,
      %get3A_362 = arith.constant 6 : index
      %get3A_363 = arith.constant 0 : index
      %get3A_364 = vector.load %arg8[%get3A_362, %get3A_363] : memref<20x128xbf16, #tpu.memory_space<vmem>>, vector<1x128xbf16>
      %mul3A_365 = vector.broadcast %get3A_364 : vector<1x128xbf16> to vector<256x128xbf16>
      %mul3A_366 = arith.mulf %get3A_71, %mul3A_365 : vector<256x128xbf16>
      %swap3A_367 = arith.constant 1536 : index
      %swap3A_368 = arith.constant 0 : index
      %swap3A_369 = vector.load %arg16[%swap3A_367, %swap3A_368] : memref<5376x128xbf16, #tpu.memory_space<vmem>>, vector<256x128xbf16>
      tpu.vector_store %arg16[%swap3A_367, %swap3A_368], %mul3A_366 {strides = array<i32>} : memref<5376x128xbf16, #tpu.memory_space<vmem>>, vector<256x128xbf16>,
      %get3A_370 = arith.constant 6 : index
      %get3A_371 = arith.constant 0 : index
      %get3A_372 = vector.load %arg9[%get3A_370, %get3A_371] : memref<20x128xbf16, #tpu.memory_space<vmem>>, vector<1x128xbf16>
      %mul3A_373 = vector.broadcast %get3A_372 : vector<1x128xbf16> to vector<256x128xbf16>
      %mul3A_374 = arith.mulf %get3A_74, %mul3A_373 : vector<256x128xbf16>
      %swap3A_375 = arith.constant 1536 : index
      %swap3A_376 = arith.constant 0 : index
      %swap3A_377 = vector.load %arg17[%swap3A_375, %swap3A_376] : memref<5376x128xbf16, #tpu.memory_space<vmem>>, vector<256x128xbf16>
      tpu.vector_store %arg17[%swap3A_375, %swap3A_376], %mul3A_374 {strides = array<i32>} : memref<5376x128xbf16, #tpu.memory_space<vmem>>, vector<256x128xbf16>,
      %mul3A_378 = arith.mulf %mul3A_132, %sub3A_344 : vector<128x256xf32>
      %sub3A_379 = arith.subf %mul3A_378, %sub3A_309 : vector<128x256xf32>
      %convert_element_type3A_380 = arith.truncf %sub3A_379 : vector<128x256xf32> to vector<128x256xbf16>
      %mul3A_381 = arith.mulf %convert_element_type3A_380, %convert_element_type3A_119 : vector<128x256xbf16>
      %swap3A_382 = arith.constant 0 : index
      %swap3A_383 = arith.constant 1792 : index
      %swap3A_384 = vector.load %arg14[%swap3A_382, %swap3A_383] : memref<128x5376xbf16, #tpu.memory_space<vmem>>, vector<128x256xbf16>
      tpu.vector_store %arg14[%swap3A_382, %swap3A_383], %mul3A_381 {strides = array<i32>} : memref<128x5376xbf16, #tpu.memory_space<vmem>>, vector<128x256xbf16>,
      %mul3A_385 = arith.mulf %convert_element_type3A_380, %convert_element_type3A_121 : vector<128x256xbf16>
      %swap3A_386 = arith.constant 0 : index
      %swap3A_387 = arith.constant 1792 : index
      %swap3A_388 = vector.load %arg15[%swap3A_386, %swap3A_387] : memref<384x5376xbf16, #tpu.memory_space<vmem>>, vector<128x256xbf16>
      tpu.vector_store %arg15[%swap3A_386, %swap3A_387], %mul3A_385 {strides = array<i32>} : memref<384x5376xbf16, #tpu.memory_space<vmem>>, vector<128x256xbf16>,
      %mul3A_389 = arith.mulf %convert_element_type3A_380, %convert_element_type3A_123 : vector<128x256xbf16>
      %swap3A_390 = arith.constant 128 : index
      %swap3A_391 = arith.constant 1792 : index
      %swap3A_392 = vector.load %arg15[%swap3A_390, %swap3A_391] : memref<384x5376xbf16, #tpu.memory_space<vmem>>, vector<128x256xbf16>
      tpu.vector_store %arg15[%swap3A_390, %swap3A_391], %mul3A_389 {strides = array<i32>} : memref<384x5376xbf16, #tpu.memory_space<vmem>>, vector<128x256xbf16>,
      %mul3A_393 = arith.mulf %convert_element_type3A_380, %convert_element_type3A_125 : vector<128x256xbf16>
      %swap3A_394 = arith.constant 256 : index
      %swap3A_395 = arith.constant 1792 : index
      %swap3A_396 = vector.load %arg15[%swap3A_394, %swap3A_395] : memref<384x5376xbf16, #tpu.memory_space<vmem>>, vector<128x256xbf16>
      tpu.vector_store %arg15[%swap3A_394, %swap3A_395], %mul3A_393 {strides = array<i32>} : memref<384x5376xbf16, #tpu.memory_space<vmem>>, vector<128x256xbf16>,
      %get3A_397 = arith.constant 7 : index
      %get3A_398 = arith.constant 0 : index
      %get3A_399 = vector.load %arg8[%get3A_397, %get3A_398] : memref<20x128xbf16, #tpu.memory_space<vmem>>, vector<1x128xbf16>
      %mul3A_400 = vector.broadcast %get3A_399 : vector<1x128xbf16> to vector<256x128xbf16>
      %mul3A_401 = arith.mulf %get3A_71, %mul3A_400 : vector<256x128xbf16>
      %swap3A_402 = arith.constant 1792 : index
      %swap3A_403 = arith.constant 0 : index
      %swap3A_404 = vector.load %arg16[%swap3A_402, %swap3A_403] : memref<5376x128xbf16, #tpu.memory_space<vmem>>, vector<256x128xbf16>
      tpu.vector_store %arg16[%swap3A_402, %swap3A_403], %mul3A_401 {strides = array<i32>} : memref<5376x128xbf16, #tpu.memory_space<vmem>>, vector<256x128xbf16>,
      %get3A_405 = arith.constant 7 : index
      %get3A_406 = arith.constant 0 : index
      %get3A_407 = vector.load %arg9[%get3A_405, %get3A_406] : memref<20x128xbf16, #tpu.memory_space<vmem>>, vector<1x128xbf16>
      %mul3A_408 = vector.broadcast %get3A_407 : vector<1x128xbf16> to vector<256x128xbf16>
      %mul3A_409 = arith.mulf %get3A_74, %mul3A_408 : vector<256x128xbf16>
      %swap3A_410 = arith.constant 1792 : index
      %swap3A_411 = arith.constant 0 : index
      %swap3A_412 = vector.load %arg17[%swap3A_410, %swap3A_411] : memref<5376x128xbf16, #tpu.memory_space<vmem>>, vector<256x128xbf16>
      tpu.vector_store %arg17[%swap3A_410, %swap3A_411], %mul3A_409 {strides = array<i32>} : memref<5376x128xbf16, #tpu.memory_space<vmem>>, vector<256x128xbf16>,
      %mul3A_413 = arith.mulf %mul3A_132, %sub3A_379 : vector<128x256xf32>
      %sub3A_414 = arith.subf %mul3A_413, %sub3A_344 : vector<128x256xf32>
      %convert_element_type3A_415 = arith.truncf %sub3A_414 : vector<128x256xf32> to vector<128x256xbf16>
      %mul3A_416 = arith.mulf %convert_element_type3A_415, %convert_element_type3A_119 : vector<128x256xbf16>
      %swap3A_417 = arith.constant 0 : index
      %swap3A_418 = arith.constant 2048 : index
      %swap3A_419 = vector.load %arg14[%swap3A_417, %swap3A_418] : memref<128x5376xbf16, #tpu.memory_space<vmem>>, vector<128x256xbf16>
      tpu.vector_store %arg14[%swap3A_417, %swap3A_418], %mul3A_416 {strides = array<i32>} : memref<128x5376xbf16, #tpu.memory_space<vmem>>, vector<128x256xbf16>,
      %mul3A_420 = arith.mulf %convert_element_type3A_415, %convert_element_type3A_121 : vector<128x256xbf16>
      %swap3A_421 = arith.constant 0 : index
      %swap3A_422 = arith.constant 2048 : index
      %swap3A_423 = vector.load %arg15[%swap3A_421, %swap3A_422] : memref<384x5376xbf16, #tpu.memory_space<vmem>>, vector<128x256xbf16>
      tpu.vector_store %arg15[%swap3A_421, %swap3A_422], %mul3A_420 {strides = array<i32>} : memref<384x5376xbf16, #tpu.memory_space<vmem>>, vector<128x256xbf16>,
      %mul3A_424 = arith.mulf %convert_element_type3A_415, %convert_element_type3A_123 : vector<128x256xbf16>
      %swap3A_425 = arith.constant 128 : index
      %swap3A_426 = arith.constant 2048 : index
      %swap3A_427 = vector.load %arg15[%swap3A_425, %swap3A_426] : memref<384x5376xbf16, #tpu.memory_space<vmem>>, vector<128x256xbf16>
      tpu.vector_store %arg15[%swap3A_425, %swap3A_426], %mul3A_424 {strides = array<i32>} : memref<384x5376xbf16, #tpu.memory_space<vmem>>, vector<128x256xbf16>,
      %mul3A_428 = arith.mulf %convert_element_type3A_415, %convert_element_type3A_125 : vector<128x256xbf16>
      %swap3A_429 = arith.constant 256 : index
      %swap3A_430 = arith.constant 2048 : index
      %swap3A_431 = vector.load %arg15[%swap3A_429, %swap3A_430] : memref<384x5376xbf16, #tpu.memory_space<vmem>>, vector<128x256xbf16>
      tpu.vector_store %arg15[%swap3A_429, %swap3A_430], %mul3A_428 {strides = array<i32>} : memref<384x5376xbf16, #tpu.memory_space<vmem>>, vector<128x256xbf16>,
      %get3A_432 = arith.constant 8 : index
      %get3A_433 = arith.constant 0 : index
      %get3A_434 = vector.load %arg8[%get3A_432, %get3A_433] : memref<20x128xbf16, #tpu.memory_space<vmem>>, vector<1x128xbf16>
      %mul3A_435 = vector.broadcast %get3A_434 : vector<1x128xbf16> to vector<256x128xbf16>
      %mul3A_436 = arith.mulf %get3A_71, %mul3A_435 : vector<256x128xbf16>
      %swap3A_437 = arith.constant 2048 : index
      %swap3A_438 = arith.constant 0 : index
      %swap3A_439 = vector.load %arg16[%swap3A_437, %swap3A_438] : memref<5376x128xbf16, #tpu.memory_space<vmem>>, vector<256x128xbf16>
      tpu.vector_store %arg16[%swap3A_437, %swap3A_438], %mul3A_436 {strides = array<i32>} : memref<5376x128xbf16, #tpu.memory_space<vmem>>, vector<256x128xbf16>,
      %get3A_440 = arith.constant 8 : index
      %get3A_441 = arith.constant 0 : index
      %get3A_442 = vector.load %arg9[%get3A_440, %get3A_441] : memref<20x128xbf16, #tpu.memory_space<vmem>>, vector<1x128xbf16>
      %mul3A_443 = vector.broadcast %get3A_442 : vector<1x128xbf16> to vector<256x128xbf16>
      %mul3A_444 = arith.mulf %get3A_74, %mul3A_443 : vector<256x128xbf16>
      %swap3A_445 = arith.constant 2048 : index
      %swap3A_446 = arith.constant 0 : index
      %swap3A_447 = vector.load %arg17[%swap3A_445, %swap3A_446] : memref<5376x128xbf16, #tpu.memory_space<vmem>>, vector<256x128xbf16>
      tpu.vector_store %arg17[%swap3A_445, %swap3A_446], %mul3A_444 {strides = array<i32>} : memref<5376x128xbf16, #tpu.memory_space<vmem>>, vector<256x128xbf16>,
      %mul3A_448 = arith.mulf %mul3A_132, %sub3A_414 : vector<128x256xf32>
      %sub3A_449 = arith.subf %mul3A_448, %sub3A_379 : vector<128x256xf32>
      %convert_element_type3A_450 = arith.truncf %sub3A_449 : vector<128x256xf32> to vector<128x256xbf16>
      %mul3A_451 = arith.mulf %convert_element_type3A_450, %convert_element_type3A_119 : vector<128x256xbf16>
      %swap3A_452 = arith.constant 0 : index
      %swap3A_453 = arith.constant 2304 : index
      %swap3A_454 = vector.load %arg14[%swap3A_452, %swap3A_453] : memref<128x5376xbf16, #tpu.memory_space<vmem>>, vector<128x256xbf16>
      tpu.vector_store %arg14[%swap3A_452, %swap3A_453], %mul3A_451 {strides = array<i32>} : memref<128x5376xbf16, #tpu.memory_space<vmem>>, vector<128x256xbf16>,
      %mul3A_455 = arith.mulf %convert_element_type3A_450, %convert_element_type3A_121 : vector<128x256xbf16>
      %swap3A_456 = arith.constant 0 : index
      %swap3A_457 = arith.constant 2304 : index
      %swap3A_458 = vector.load %arg15[%swap3A_456, %swap3A_457] : memref<384x5376xbf16, #tpu.memory_space<vmem>>, vector<128x256xbf16>
      tpu.vector_store %arg15[%swap3A_456, %swap3A_457], %mul3A_455 {strides = array<i32>} : memref<384x5376xbf16, #tpu.memory_space<vmem>>, vector<128x256xbf16>,
      %mul3A_459 = arith.mulf %convert_element_type3A_450, %convert_element_type3A_123 : vector<128x256xbf16>
      %swap3A_460 = arith.constant 128 : index
      %swap3A_461 = arith.constant 2304 : index
      %swap3A_462 = vector.load %arg15[%swap3A_460, %swap3A_461] : memref<384x5376xbf16, #tpu.memory_space<vmem>>, vector<128x256xbf16>
      tpu.vector_store %arg15[%swap3A_460, %swap3A_461], %mul3A_459 {strides = array<i32>} : memref<384x5376xbf16, #tpu.memory_space<vmem>>, vector<128x256xbf16>,
      %mul3A_463 = arith.mulf %convert_element_type3A_450, %convert_element_type3A_125 : vector<128x256xbf16>
      %swap3A_464 = arith.constant 256 : index
      %swap3A_465 = arith.constant 2304 : index
      %swap3A_466 = vector.load %arg15[%swap3A_464, %swap3A_465] : memref<384x5376xbf16, #tpu.memory_space<vmem>>, vector<128x256xbf16>
      tpu.vector_store %arg15[%swap3A_464, %swap3A_465], %mul3A_463 {strides = array<i32>} : memref<384x5376xbf16, #tpu.memory_space<vmem>>, vector<128x256xbf16>,
      %get3A_467 = arith.constant 9 : index
      %get3A_468 = arith.constant 0 : index
      %get3A_469 = vector.load %arg8[%get3A_467, %get3A_468] : memref<20x128xbf16, #tpu.memory_space<vmem>>, vector<1x128xbf16>
      %mul3A_470 = vector.broadcast %get3A_469 : vector<1x128xbf16> to vector<256x128xbf16>
      %mul3A_471 = arith.mulf %get3A_71, %mul3A_470 : vector<256x128xbf16>
      %swap3A_472 = arith.constant 2304 : index
      %swap3A_473 = arith.constant 0 : index
      %swap3A_474 = vector.load %arg16[%swap3A_472, %swap3A_473] : memref<5376x128xbf16, #tpu.memory_space<vmem>>, vector<256x128xbf16>
      tpu.vector_store %arg16[%swap3A_472, %swap3A_473], %mul3A_471 {strides = array<i32>} : memref<5376x128xbf16, #tpu.memory_space<vmem>>, vector<256x128xbf16>,
      %get3A_475 = arith.constant 9 : index
      %get3A_476 = arith.constant 0 : index
      %get3A_477 = vector.load %arg9[%get3A_475, %get3A_476] : memref<20x128xbf16, #tpu.memory_space<vmem>>, vector<1x128xbf16>
      %mul3A_478 = vector.broadcast %get3A_477 : vector<1x128xbf16> to vector<256x128xbf16>
      %mul3A_479 = arith.mulf %get3A_74, %mul3A_478 : vector<256x128xbf16>
      %swap3A_480 = arith.constant 2304 : index
      %swap3A_481 = arith.constant 0 : index
      %swap3A_482 = vector.load %arg17[%swap3A_480, %swap3A_481] : memref<5376x128xbf16, #tpu.memory_space<vmem>>, vector<256x128xbf16>
      tpu.vector_store %arg17[%swap3A_480, %swap3A_481], %mul3A_479 {strides = array<i32>} : memref<5376x128xbf16, #tpu.memory_space<vmem>>, vector<256x128xbf16>,
      %mul3A_483 = arith.mulf %mul3A_132, %sub3A_449 : vector<128x256xf32>
      %sub3A_484 = arith.subf %mul3A_483, %sub3A_414 : vector<128x256xf32>
      %convert_element_type3A_485 = arith.truncf %sub3A_484 : vector<128x256xf32> to vector<128x256xbf16>
      %mul3A_486 = arith.mulf %convert_element_type3A_485, %convert_element_type3A_119 : vector<128x256xbf16>
      %swap3A_487 = arith.constant 0 : index
      %swap3A_488 = arith.constant 2560 : index
      %swap3A_489 = vector.load %arg14[%swap3A_487, %swap3A_488] : memref<128x5376xbf16, #tpu.memory_space<vmem>>, vector<128x256xbf16>
      tpu.vector_store %arg14[%swap3A_487, %swap3A_488], %mul3A_486 {strides = array<i32>} : memref<128x5376xbf16, #tpu.memory_space<vmem>>, vector<128x256xbf16>,
      %mul3A_490 = arith.mulf %convert_element_type3A_485, %convert_element_type3A_121 : vector<128x256xbf16>
      %swap3A_491 = arith.constant 0 : index
      %swap3A_492 = arith.constant 2560 : index
      %swap3A_493 = vector.load %arg15[%swap3A_491, %swap3A_492] : memref<384x5376xbf16, #tpu.memory_space<vmem>>, vector<128x256xbf16>
      tpu.vector_store %arg15[%swap3A_491, %swap3A_492], %mul3A_490 {strides = array<i32>} : memref<384x5376xbf16, #tpu.memory_space<vmem>>, vector<128x256xbf16>,
      %mul3A_494 = arith.mulf %convert_element_type3A_485, %convert_element_type3A_123 : vector<128x256xbf16>
      %swap3A_495 = arith.constant 128 : index
      %swap3A_496 = arith.constant 2560 : index
      %swap3A_497 = vector.load %arg15[%swap3A_495, %swap3A_496] : memref<384x5376xbf16, #tpu.memory_space<vmem>>, vector<128x256xbf16>
      tpu.vector_store %arg15[%swap3A_495, %swap3A_496], %mul3A_494 {strides = array<i32>} : memref<384x5376xbf16, #tpu.memory_space<vmem>>, vector<128x256xbf16>,
      %mul3A_498 = arith.mulf %convert_element_type3A_485, %convert_element_type3A_125 : vector<128x256xbf16>
      %swap3A_499 = arith.constant 256 : index
      %swap3A_500 = arith.constant 2560 : index
      %swap3A_501 = vector.load %arg15[%swap3A_499, %swap3A_500] : memref<384x5376xbf16, #tpu.memory_space<vmem>>, vector<128x256xbf16>
      tpu.vector_store %arg15[%swap3A_499, %swap3A_500], %mul3A_498 {strides = array<i32>} : memref<384x5376xbf16, #tpu.memory_space<vmem>>, vector<128x256xbf16>,
      %get3A_502 = arith.constant 10 : index
      %get3A_503 = arith.constant 0 : index
      %get3A_504 = vector.load %arg8[%get3A_502, %get3A_503] : memref<20x128xbf16, #tpu.memory_space<vmem>>, vector<1x128xbf16>
      %mul3A_505 = vector.broadcast %get3A_504 : vector<1x128xbf16> to vector<256x128xbf16>
      %mul3A_506 = arith.mulf %get3A_71, %mul3A_505 : vector<256x128xbf16>
      %swap3A_507 = arith.constant 2560 : index
      %swap3A_508 = arith.constant 0 : index
      %swap3A_509 = vector.load %arg16[%swap3A_507, %swap3A_508] : memref<5376x128xbf16, #tpu.memory_space<vmem>>, vector<256x128xbf16>
      tpu.vector_store %arg16[%swap3A_507, %swap3A_508], %mul3A_506 {strides = array<i32>} : memref<5376x128xbf16, #tpu.memory_space<vmem>>, vector<256x128xbf16>,
      %get3A_510 = arith.constant 10 : index
      %get3A_511 = arith.constant 0 : index
      %get3A_512 = vector.load %arg9[%get3A_510, %get3A_511] : memref<20x128xbf16, #tpu.memory_space<vmem>>, vector<1x128xbf16>
      %mul3A_513 = vector.broadcast %get3A_512 : vector<1x128xbf16> to vector<256x128xbf16>
      %mul3A_514 = arith.mulf %get3A_74, %mul3A_513 : vector<256x128xbf16>
      %swap3A_515 = arith.constant 2560 : index
      %swap3A_516 = arith.constant 0 : index
      %swap3A_517 = vector.load %arg17[%swap3A_515, %swap3A_516] : memref<5376x128xbf16, #tpu.memory_space<vmem>>, vector<256x128xbf16>
      tpu.vector_store %arg17[%swap3A_515, %swap3A_516], %mul3A_514 {strides = array<i32>} : memref<5376x128xbf16, #tpu.memory_space<vmem>>, vector<256x128xbf16>,
      %mul3A_518 = arith.mulf %mul3A_132, %sub3A_484 : vector<128x256xf32>
      %sub3A_519 = arith.subf %mul3A_518, %sub3A_449 : vector<128x256xf32>
      %convert_element_type3A_520 = arith.truncf %sub3A_519 : vector<128x256xf32> to vector<128x256xbf16>
      %mul3A_521 = arith.mulf %convert_element_type3A_520, %convert_element_type3A_119 : vector<128x256xbf16>
      %swap3A_522 = arith.constant 0 : index
      %swap3A_523 = arith.constant 2816 : index
      %swap3A_524 = vector.load %arg14[%swap3A_522, %swap3A_523] : memref<128x5376xbf16, #tpu.memory_space<vmem>>, vector<128x256xbf16>
      tpu.vector_store %arg14[%swap3A_522, %swap3A_523], %mul3A_521 {strides = array<i32>} : memref<128x5376xbf16, #tpu.memory_space<vmem>>, vector<128x256xbf16>,
      %mul3A_525 = arith.mulf %convert_element_type3A_520, %convert_element_type3A_121 : vector<128x256xbf16>
      %swap3A_526 = arith.constant 0 : index
      %swap3A_527 = arith.constant 2816 : index
      %swap3A_528 = vector.load %arg15[%swap3A_526, %swap3A_527] : memref<384x5376xbf16, #tpu.memory_space<vmem>>, vector<128x256xbf16>
      tpu.vector_store %arg15[%swap3A_526, %swap3A_527], %mul3A_525 {strides = array<i32>} : memref<384x5376xbf16, #tpu.memory_space<vmem>>, vector<128x256xbf16>,
      %mul3A_529 = arith.mulf %convert_element_type3A_520, %convert_element_type3A_123 : vector<128x256xbf16>
      %swap3A_530 = arith.constant 128 : index
      %swap3A_531 = arith.constant 2816 : index
      %swap3A_532 = vector.load %arg15[%swap3A_530, %swap3A_531] : memref<384x5376xbf16, #tpu.memory_space<vmem>>, vector<128x256xbf16>
      tpu.vector_store %arg15[%swap3A_530, %swap3A_531], %mul3A_529 {strides = array<i32>} : memref<384x5376xbf16, #tpu.memory_space<vmem>>, vector<128x256xbf16>,
      %mul3A_533 = arith.mulf %convert_element_type3A_520, %convert_element_type3A_125 : vector<128x256xbf16>
      %swap3A_534 = arith.constant 256 : index
      %swap3A_535 = arith.constant 2816 : index
      %swap3A_536 = vector.load %arg15[%swap3A_534, %swap3A_535] : memref<384x5376xbf16, #tpu.memory_space<vmem>>, vector<128x256xbf16>
      tpu.vector_store %arg15[%swap3A_534, %swap3A_535], %mul3A_533 {strides = array<i32>} : memref<384x5376xbf16, #tpu.memory_space<vmem>>, vector<128x256xbf16>,
      %get3A_537 = arith.constant 11 : index
      %get3A_538 = arith.constant 0 : index
      %get3A_539 = vector.load %arg8[%get3A_537, %get3A_538] : memref<20x128xbf16, #tpu.memory_space<vmem>>, vector<1x128xbf16>
      %mul3A_540 = vector.broadcast %get3A_539 : vector<1x128xbf16> to vector<256x128xbf16>
      %mul3A_541 = arith.mulf %get3A_71, %mul3A_540 : vector<256x128xbf16>
      %swap3A_542 = arith.constant 2816 : index
      %swap3A_543 = arith.constant 0 : index
      %swap3A_544 = vector.load %arg16[%swap3A_542, %swap3A_543] : memref<5376x128xbf16, #tpu.memory_space<vmem>>, vector<256x128xbf16>
      tpu.vector_store %arg16[%swap3A_542, %swap3A_543], %mul3A_541 {strides = array<i32>} : memref<5376x128xbf16, #tpu.memory_space<vmem>>, vector<256x128xbf16>,
      %get3A_545 = arith.constant 11 : index
      %get3A_546 = arith.constant 0 : index
      %get3A_547 = vector.load %arg9[%get3A_545, %get3A_546] : memref<20x128xbf16, #tpu.memory_space<vmem>>, vector<1x128xbf16>
      %mul3A_548 = vector.broadcast %get3A_547 : vector<1x128xbf16> to vector<256x128xbf16>
      %mul3A_549 = arith.mulf %get3A_74, %mul3A_548 : vector<256x128xbf16>
      %swap3A_550 = arith.constant 2816 : index
      %swap3A_551 = arith.constant 0 : index
      %swap3A_552 = vector.load %arg17[%swap3A_550, %swap3A_551] : memref<5376x128xbf16, #tpu.memory_space<vmem>>, vector<256x128xbf16>
      tpu.vector_store %arg17[%swap3A_550, %swap3A_551], %mul3A_549 {strides = array<i32>} : memref<5376x128xbf16, #tpu.memory_space<vmem>>, vector<256x128xbf16>,
      %mul3A_553 = arith.mulf %mul3A_132, %sub3A_519 : vector<128x256xf32>
      %sub3A_554 = arith.subf %mul3A_553, %sub3A_484 : vector<128x256xf32>
      %convert_element_type3A_555 = arith.truncf %sub3A_554 : vector<128x256xf32> to vector<128x256xbf16>
      %mul3A_556 = arith.mulf %convert_element_type3A_555, %convert_element_type3A_119 : vector<128x256xbf16>
      %swap3A_557 = arith.constant 0 : index
      %swap3A_558 = arith.constant 3072 : index
      %swap3A_559 = vector.load %arg14[%swap3A_557, %swap3A_558] : memref<128x5376xbf16, #tpu.memory_space<vmem>>, vector<128x256xbf16>
      tpu.vector_store %arg14[%swap3A_557, %swap3A_558], %mul3A_556 {strides = array<i32>} : memref<128x5376xbf16, #tpu.memory_space<vmem>>, vector<128x256xbf16>,
      %mul3A_560 = arith.mulf %convert_element_type3A_555, %convert_element_type3A_121 : vector<128x256xbf16>
      %swap3A_561 = arith.constant 0 : index
      %swap3A_562 = arith.constant 3072 : index
      %swap3A_563 = vector.load %arg15[%swap3A_561, %swap3A_562] : memref<384x5376xbf16, #tpu.memory_space<vmem>>, vector<128x256xbf16>
      tpu.vector_store %arg15[%swap3A_561, %swap3A_562], %mul3A_560 {strides = array<i32>} : memref<384x5376xbf16, #tpu.memory_space<vmem>>, vector<128x256xbf16>,
      %mul3A_564 = arith.mulf %convert_element_type3A_555, %convert_element_type3A_123 : vector<128x256xbf16>
      %swap3A_565 = arith.constant 128 : index
      %swap3A_566 = arith.constant 3072 : index
      %swap3A_567 = vector.load %arg15[%swap3A_565, %swap3A_566] : memref<384x5376xbf16, #tpu.memory_space<vmem>>, vector<128x256xbf16>
      tpu.vector_store %arg15[%swap3A_565, %swap3A_566], %mul3A_564 {strides = array<i32>} : memref<384x5376xbf16, #tpu.memory_space<vmem>>, vector<128x256xbf16>,
      %mul3A_568 = arith.mulf %convert_element_type3A_555, %convert_element_type3A_125 : vector<128x256xbf16>
      %swap3A_569 = arith.constant 256 : index
      %swap3A_570 = arith.constant 3072 : index
      %swap3A_571 = vector.load %arg15[%swap3A_569, %swap3A_570] : memref<384x5376xbf16, #tpu.memory_space<vmem>>, vector<128x256xbf16>
      tpu.vector_store %arg15[%swap3A_569, %swap3A_570], %mul3A_568 {strides = array<i32>} : memref<384x5376xbf16, #tpu.memory_space<vmem>>, vector<128x256xbf16>,
      %get3A_572 = arith.constant 12 : index
      %get3A_573 = arith.constant 0 : index
      %get3A_574 = vector.load %arg8[%get3A_572, %get3A_573] : memref<20x128xbf16, #tpu.memory_space<vmem>>, vector<1x128xbf16>
      %mul3A_575 = vector.broadcast %get3A_574 : vector<1x128xbf16> to vector<256x128xbf16>
      %mul3A_576 = arith.mulf %get3A_71, %mul3A_575 : vector<256x128xbf16>
      %swap3A_577 = arith.constant 3072 : index
      %swap3A_578 = arith.constant 0 : index
      %swap3A_579 = vector.load %arg16[%swap3A_577, %swap3A_578] : memref<5376x128xbf16, #tpu.memory_space<vmem>>, vector<256x128xbf16>
      tpu.vector_store %arg16[%swap3A_577, %swap3A_578], %mul3A_576 {strides = array<i32>} : memref<5376x128xbf16, #tpu.memory_space<vmem>>, vector<256x128xbf16>,
      %get3A_580 = arith.constant 12 : index
      %get3A_581 = arith.constant 0 : index
      %get3A_582 = vector.load %arg9[%get3A_580, %get3A_581] : memref<20x128xbf16, #tpu.memory_space<vmem>>, vector<1x128xbf16>
      %mul3A_583 = vector.broadcast %get3A_582 : vector<1x128xbf16> to vector<256x128xbf16>
      %mul3A_584 = arith.mulf %get3A_74, %mul3A_583 : vector<256x128xbf16>
      %swap3A_585 = arith.constant 3072 : index
      %swap3A_586 = arith.constant 0 : index
      %swap3A_587 = vector.load %arg17[%swap3A_585, %swap3A_586] : memref<5376x128xbf16, #tpu.memory_space<vmem>>, vector<256x128xbf16>
      tpu.vector_store %arg17[%swap3A_585, %swap3A_586], %mul3A_584 {strides = array<i32>} : memref<5376x128xbf16, #tpu.memory_space<vmem>>, vector<256x128xbf16>,
      %mul3A_588 = arith.mulf %mul3A_132, %sub3A_554 : vector<128x256xf32>
      %sub3A_589 = arith.subf %mul3A_588, %sub3A_519 : vector<128x256xf32>
      %convert_element_type3A_590 = arith.truncf %sub3A_589 : vector<128x256xf32> to vector<128x256xbf16>
      %mul3A_591 = arith.mulf %convert_element_type3A_590, %convert_element_type3A_119 : vector<128x256xbf16>
      %swap3A_592 = arith.constant 0 : index
      %swap3A_593 = arith.constant 3328 : index
      %swap3A_594 = vector.load %arg14[%swap3A_592, %swap3A_593] : memref<128x5376xbf16, #tpu.memory_space<vmem>>, vector<128x256xbf16>
      tpu.vector_store %arg14[%swap3A_592, %swap3A_593], %mul3A_591 {strides = array<i32>} : memref<128x5376xbf16, #tpu.memory_space<vmem>>, vector<128x256xbf16>,
      %mul3A_595 = arith.mulf %convert_element_type3A_590, %convert_element_type3A_121 : vector<128x256xbf16>
      %swap3A_596 = arith.constant 0 : index
      %swap3A_597 = arith.constant 3328 : index
      %swap3A_598 = vector.load %arg15[%swap3A_596, %swap3A_597] : memref<384x5376xbf16, #tpu.memory_space<vmem>>, vector<128x256xbf16>
      tpu.vector_store %arg15[%swap3A_596, %swap3A_597], %mul3A_595 {strides = array<i32>} : memref<384x5376xbf16, #tpu.memory_space<vmem>>, vector<128x256xbf16>,
      %mul3A_599 = arith.mulf %convert_element_type3A_590, %convert_element_type3A_123 : vector<128x256xbf16>
      %swap3A_600 = arith.constant 128 : index
      %swap3A_601 = arith.constant 3328 : index
      %swap3A_602 = vector.load %arg15[%swap3A_600, %swap3A_601] : memref<384x5376xbf16, #tpu.memory_space<vmem>>, vector<128x256xbf16>
      tpu.vector_store %arg15[%swap3A_600, %swap3A_601], %mul3A_599 {strides = array<i32>} : memref<384x5376xbf16, #tpu.memory_space<vmem>>, vector<128x256xbf16>,
      %mul3A_603 = arith.mulf %convert_element_type3A_590, %convert_element_type3A_125 : vector<128x256xbf16>
      %swap3A_604 = arith.constant 256 : index
      %swap3A_605 = arith.constant 3328 : index
      %swap3A_606 = vector.load %arg15[%swap3A_604, %swap3A_605] : memref<384x5376xbf16, #tpu.memory_space<vmem>>, vector<128x256xbf16>
      tpu.vector_store %arg15[%swap3A_604, %swap3A_605], %mul3A_603 {strides = array<i32>} : memref<384x5376xbf16, #tpu.memory_space<vmem>>, vector<128x256xbf16>,
      %get3A_607 = arith.constant 13 : index
      %get3A_608 = arith.constant 0 : index
      %get3A_609 = vector.load %arg8[%get3A_607, %get3A_608] : memref<20x128xbf16, #tpu.memory_space<vmem>>, vector<1x128xbf16>
      %mul3A_610 = vector.broadcast %get3A_609 : vector<1x128xbf16> to vector<256x128xbf16>
      %mul3A_611 = arith.mulf %get3A_71, %mul3A_610 : vector<256x128xbf16>
      %swap3A_612 = arith.constant 3328 : index
      %swap3A_613 = arith.constant 0 : index
      %swap3A_614 = vector.load %arg16[%swap3A_612, %swap3A_613] : memref<5376x128xbf16, #tpu.memory_space<vmem>>, vector<256x128xbf16>
      tpu.vector_store %arg16[%swap3A_612, %swap3A_613], %mul3A_611 {strides = array<i32>} : memref<5376x128xbf16, #tpu.memory_space<vmem>>, vector<256x128xbf16>,
      %get3A_615 = arith.constant 13 : index
      %get3A_616 = arith.constant 0 : index
      %get3A_617 = vector.load %arg9[%get3A_615, %get3A_616] : memref<20x128xbf16, #tpu.memory_space<vmem>>, vector<1x128xbf16>
      %mul3A_618 = vector.broadcast %get3A_617 : vector<1x128xbf16> to vector<256x128xbf16>
      %mul3A_619 = arith.mulf %get3A_74, %mul3A_618 : vector<256x128xbf16>
      %swap3A_620 = arith.constant 3328 : index
      %swap3A_621 = arith.constant 0 : index
      %swap3A_622 = vector.load %arg17[%swap3A_620, %swap3A_621] : memref<5376x128xbf16, #tpu.memory_space<vmem>>, vector<256x128xbf16>
      tpu.vector_store %arg17[%swap3A_620, %swap3A_621], %mul3A_619 {strides = array<i32>} : memref<5376x128xbf16, #tpu.memory_space<vmem>>, vector<256x128xbf16>,
      %mul3A_623 = arith.mulf %mul3A_132, %sub3A_589 : vector<128x256xf32>
      %sub3A_624 = arith.subf %mul3A_623, %sub3A_554 : vector<128x256xf32>
      %convert_element_type3A_625 = arith.truncf %sub3A_624 : vector<128x256xf32> to vector<128x256xbf16>
      %mul3A_626 = arith.mulf %convert_element_type3A_625, %convert_element_type3A_119 : vector<128x256xbf16>
      %swap3A_627 = arith.constant 0 : index
      %swap3A_628 = arith.constant 3584 : index
      %swap3A_629 = vector.load %arg14[%swap3A_627, %swap3A_628] : memref<128x5376xbf16, #tpu.memory_space<vmem>>, vector<128x256xbf16>
      tpu.vector_store %arg14[%swap3A_627, %swap3A_628], %mul3A_626 {strides = array<i32>} : memref<128x5376xbf16, #tpu.memory_space<vmem>>, vector<128x256xbf16>,
      %mul3A_630 = arith.mulf %convert_element_type3A_625, %convert_element_type3A_121 : vector<128x256xbf16>
      %swap3A_631 = arith.constant 0 : index
      %swap3A_632 = arith.constant 3584 : index
      %swap3A_633 = vector.load %arg15[%swap3A_631, %swap3A_632] : memref<384x5376xbf16, #tpu.memory_space<vmem>>, vector<128x256xbf16>
      tpu.vector_store %arg15[%swap3A_631, %swap3A_632], %mul3A_630 {strides = array<i32>} : memref<384x5376xbf16, #tpu.memory_space<vmem>>, vector<128x256xbf16>,
      %mul3A_634 = arith.mulf %convert_element_type3A_625, %convert_element_type3A_123 : vector<128x256xbf16>
      %swap3A_635 = arith.constant 128 : index
      %swap3A_636 = arith.constant 3584 : index
      %swap3A_637 = vector.load %arg15[%swap3A_635, %swap3A_636] : memref<384x5376xbf16, #tpu.memory_space<vmem>>, vector<128x256xbf16>
      tpu.vector_store %arg15[%swap3A_635, %swap3A_636], %mul3A_634 {strides = array<i32>} : memref<384x5376xbf16, #tpu.memory_space<vmem>>, vector<128x256xbf16>,
      %mul3A_638 = arith.mulf %convert_element_type3A_625, %convert_element_type3A_125 : vector<128x256xbf16>
      %swap3A_639 = arith.constant 256 : index
      %swap3A_640 = arith.constant 3584 : index
      %swap3A_641 = vector.load %arg15[%swap3A_639, %swap3A_640] : memref<384x5376xbf16, #tpu.memory_space<vmem>>, vector<128x256xbf16>
      tpu.vector_store %arg15[%swap3A_639, %swap3A_640], %mul3A_638 {strides = array<i32>} : memref<384x5376xbf16, #tpu.memory_space<vmem>>, vector<128x256xbf16>,
      %get3A_642 = arith.constant 14 : index
      %get3A_643 = arith.constant 0 : index
      %get3A_644 = vector.load %arg8[%get3A_642, %get3A_643] : memref<20x128xbf16, #tpu.memory_space<vmem>>, vector<1x128xbf16>
      %mul3A_645 = vector.broadcast %get3A_644 : vector<1x128xbf16> to vector<256x128xbf16>
      %mul3A_646 = arith.mulf %get3A_71, %mul3A_645 : vector<256x128xbf16>
      %swap3A_647 = arith.constant 3584 : index
      %swap3A_648 = arith.constant 0 : index
      %swap3A_649 = vector.load %arg16[%swap3A_647, %swap3A_648] : memref<5376x128xbf16, #tpu.memory_space<vmem>>, vector<256x128xbf16>
      tpu.vector_store %arg16[%swap3A_647, %swap3A_648], %mul3A_646 {strides = array<i32>} : memref<5376x128xbf16, #tpu.memory_space<vmem>>, vector<256x128xbf16>,
      %get3A_650 = arith.constant 14 : index
      %get3A_651 = arith.constant 0 : index
      %get3A_652 = vector.load %arg9[%get3A_650, %get3A_651] : memref<20x128xbf16, #tpu.memory_space<vmem>>, vector<1x128xbf16>
      %mul3A_653 = vector.broadcast %get3A_652 : vector<1x128xbf16> to vector<256x128xbf16>
      %mul3A_654 = arith.mulf %get3A_74, %mul3A_653 : vector<256x128xbf16>
      %swap3A_655 = arith.constant 3584 : index
      %swap3A_656 = arith.constant 0 : index
      %swap3A_657 = vector.load %arg17[%swap3A_655, %swap3A_656] : memref<5376x128xbf16, #tpu.memory_space<vmem>>, vector<256x128xbf16>
      tpu.vector_store %arg17[%swap3A_655, %swap3A_656], %mul3A_654 {strides = array<i32>} : memref<5376x128xbf16, #tpu.memory_space<vmem>>, vector<256x128xbf16>,
      %mul3A_658 = arith.mulf %mul3A_132, %sub3A_624 : vector<128x256xf32>
      %sub3A_659 = arith.subf %mul3A_658, %sub3A_589 : vector<128x256xf32>
      %convert_element_type3A_660 = arith.truncf %sub3A_659 : vector<128x256xf32> to vector<128x256xbf16>
      %mul3A_661 = arith.mulf %convert_element_type3A_660, %convert_element_type3A_119 : vector<128x256xbf16>
      %swap3A_662 = arith.constant 0 : index
      %swap3A_663 = arith.constant 3840 : index
      %swap3A_664 = vector.load %arg14[%swap3A_662, %swap3A_663] : memref<128x5376xbf16, #tpu.memory_space<vmem>>, vector<128x256xbf16>
      tpu.vector_store %arg14[%swap3A_662, %swap3A_663], %mul3A_661 {strides = array<i32>} : memref<128x5376xbf16, #tpu.memory_space<vmem>>, vector<128x256xbf16>,
      %mul3A_665 = arith.mulf %convert_element_type3A_660, %convert_element_type3A_121 : vector<128x256xbf16>
      %swap3A_666 = arith.constant 0 : index
      %swap3A_667 = arith.constant 3840 : index
      %swap3A_668 = vector.load %arg15[%swap3A_666, %swap3A_667] : memref<384x5376xbf16, #tpu.memory_space<vmem>>, vector<128x256xbf16>
      tpu.vector_store %arg15[%swap3A_666, %swap3A_667], %mul3A_665 {strides = array<i32>} : memref<384x5376xbf16, #tpu.memory_space<vmem>>, vector<128x256xbf16>,
      %mul3A_669 = arith.mulf %convert_element_type3A_660, %convert_element_type3A_123 : vector<128x256xbf16>
      %swap3A_670 = arith.constant 128 : index
      %swap3A_671 = arith.constant 3840 : index
      %swap3A_672 = vector.load %arg15[%swap3A_670, %swap3A_671] : memref<384x5376xbf16, #tpu.memory_space<vmem>>, vector<128x256xbf16>
      tpu.vector_store %arg15[%swap3A_670, %swap3A_671], %mul3A_669 {strides = array<i32>} : memref<384x5376xbf16, #tpu.memory_space<vmem>>, vector<128x256xbf16>,
      %mul3A_673 = arith.mulf %convert_element_type3A_660, %convert_element_type3A_125 : vector<128x256xbf16>
      %swap3A_674 = arith.constant 256 : index
      %swap3A_675 = arith.constant 3840 : index
      %swap3A_676 = vector.load %arg15[%swap3A_674, %swap3A_675] : memref<384x5376xbf16, #tpu.memory_space<vmem>>, vector<128x256xbf16>
      tpu.vector_store %arg15[%swap3A_674, %swap3A_675], %mul3A_673 {strides = array<i32>} : memref<384x5376xbf16, #tpu.memory_space<vmem>>, vector<128x256xbf16>,
      %get3A_677 = arith.constant 15 : index
      %get3A_678 = arith.constant 0 : index
      %get3A_679 = vector.load %arg8[%get3A_677, %get3A_678] : memref<20x128xbf16, #tpu.memory_space<vmem>>, vector<1x128xbf16>
      %mul3A_680 = vector.broadcast %get3A_679 : vector<1x128xbf16> to vector<256x128xbf16>
      %mul3A_681 = arith.mulf %get3A_71, %mul3A_680 : vector<256x128xbf16>
      %swap3A_682 = arith.constant 3840 : index
      %swap3A_683 = arith.constant 0 : index
      %swap3A_684 = vector.load %arg16[%swap3A_682, %swap3A_683] : memref<5376x128xbf16, #tpu.memory_space<vmem>>, vector<256x128xbf16>
      tpu.vector_store %arg16[%swap3A_682, %swap3A_683], %mul3A_681 {strides = array<i32>} : memref<5376x128xbf16, #tpu.memory_space<vmem>>, vector<256x128xbf16>,
      %get3A_685 = arith.constant 15 : index
      %get3A_686 = arith.constant 0 : index
      %get3A_687 = vector.load %arg9[%get3A_685, %get3A_686] : memref<20x128xbf16, #tpu.memory_space<vmem>>, vector<1x128xbf16>
      %mul3A_688 = vector.broadcast %get3A_687 : vector<1x128xbf16> to vector<256x128xbf16>
      %mul3A_689 = arith.mulf %get3A_74, %mul3A_688 : vector<256x128xbf16>
      %swap3A_690 = arith.constant 3840 : index
      %swap3A_691 = arith.constant 0 : index
      %swap3A_692 = vector.load %arg17[%swap3A_690, %swap3A_691] : memref<5376x128xbf16, #tpu.memory_space<vmem>>, vector<256x128xbf16>
      tpu.vector_store %arg17[%swap3A_690, %swap3A_691], %mul3A_689 {strides = array<i32>} : memref<5376x128xbf16, #tpu.memory_space<vmem>>, vector<256x128xbf16>,
      %mul3A_693 = arith.mulf %mul3A_132, %sub3A_659 : vector<128x256xf32>
      %sub3A_694 = arith.subf %mul3A_693, %sub3A_624 : vector<128x256xf32>
      %convert_element_type3A_695 = arith.truncf %sub3A_694 : vector<128x256xf32> to vector<128x256xbf16>
      %mul3A_696 = arith.mulf %convert_element_type3A_695, %convert_element_type3A_119 : vector<128x256xbf16>
      %swap3A_697 = arith.constant 0 : index
      %swap3A_698 = arith.constant 4096 : index
      %swap3A_699 = vector.load %arg14[%swap3A_697, %swap3A_698] : memref<128x5376xbf16, #tpu.memory_space<vmem>>, vector<128x256xbf16>
      tpu.vector_store %arg14[%swap3A_697, %swap3A_698], %mul3A_696 {strides = array<i32>} : memref<128x5376xbf16, #tpu.memory_space<vmem>>, vector<128x256xbf16>,
      %mul3A_700 = arith.mulf %convert_element_type3A_695, %convert_element_type3A_121 : vector<128x256xbf16>
      %swap3A_701 = arith.constant 0 : index
      %swap3A_702 = arith.constant 4096 : index
      %swap3A_703 = vector.load %arg15[%swap3A_701, %swap3A_702] : memref<384x5376xbf16, #tpu.memory_space<vmem>>, vector<128x256xbf16>
      tpu.vector_store %arg15[%swap3A_701, %swap3A_702], %mul3A_700 {strides = array<i32>} : memref<384x5376xbf16, #tpu.memory_space<vmem>>, vector<128x256xbf16>,
      %mul3A_704 = arith.mulf %convert_element_type3A_695, %convert_element_type3A_123 : vector<128x256xbf16>
      %swap3A_705 = arith.constant 128 : index
      %swap3A_706 = arith.constant 4096 : index
      %swap3A_707 = vector.load %arg15[%swap3A_705, %swap3A_706] : memref<384x5376xbf16, #tpu.memory_space<vmem>>, vector<128x256xbf16>
      tpu.vector_store %arg15[%swap3A_705, %swap3A_706], %mul3A_704 {strides = array<i32>} : memref<384x5376xbf16, #tpu.memory_space<vmem>>, vector<128x256xbf16>,
      %mul3A_708 = arith.mulf %convert_element_type3A_695, %convert_element_type3A_125 : vector<128x256xbf16>
      %swap3A_709 = arith.constant 256 : index
      %swap3A_710 = arith.constant 4096 : index
      %swap3A_711 = vector.load %arg15[%swap3A_709, %swap3A_710] : memref<384x5376xbf16, #tpu.memory_space<vmem>>, vector<128x256xbf16>
      tpu.vector_store %arg15[%swap3A_709, %swap3A_710], %mul3A_708 {strides = array<i32>} : memref<384x5376xbf16, #tpu.memory_space<vmem>>, vector<128x256xbf16>,
      %get3A_712 = arith.constant 16 : index
      %get3A_713 = arith.constant 0 : index
      %get3A_714 = vector.load %arg8[%get3A_712, %get3A_713] : memref<20x128xbf16, #tpu.memory_space<vmem>>, vector<1x128xbf16>
      %mul3A_715 = vector.broadcast %get3A_714 : vector<1x128xbf16> to vector<256x128xbf16>
      %mul3A_716 = arith.mulf %get3A_71, %mul3A_715 : vector<256x128xbf16>
      %swap3A_717 = arith.constant 4096 : index
      %swap3A_718 = arith.constant 0 : index
      %swap3A_719 = vector.load %arg16[%swap3A_717, %swap3A_718] : memref<5376x128xbf16, #tpu.memory_space<vmem>>, vector<256x128xbf16>
      tpu.vector_store %arg16[%swap3A_717, %swap3A_718], %mul3A_716 {strides = array<i32>} : memref<5376x128xbf16, #tpu.memory_space<vmem>>, vector<256x128xbf16>,
      %get3A_720 = arith.constant 16 : index
      %get3A_721 = arith.constant 0 : index
      %get3A_722 = vector.load %arg9[%get3A_720, %get3A_721] : memref<20x128xbf16, #tpu.memory_space<vmem>>, vector<1x128xbf16>
      %mul3A_723 = vector.broadcast %get3A_722 : vector<1x128xbf16> to vector<256x128xbf16>
      %mul3A_724 = arith.mulf %get3A_74, %mul3A_723 : vector<256x128xbf16>
      %swap3A_725 = arith.constant 4096 : index
      %swap3A_726 = arith.constant 0 : index
      %swap3A_727 = vector.load %arg17[%swap3A_725, %swap3A_726] : memref<5376x128xbf16, #tpu.memory_space<vmem>>, vector<256x128xbf16>
      tpu.vector_store %arg17[%swap3A_725, %swap3A_726], %mul3A_724 {strides = array<i32>} : memref<5376x128xbf16, #tpu.memory_space<vmem>>, vector<256x128xbf16>,
      %mul3A_728 = arith.mulf %mul3A_132, %sub3A_694 : vector<128x256xf32>
      %sub3A_729 = arith.subf %mul3A_728, %sub3A_659 : vector<128x256xf32>
      %convert_element_type3A_730 = arith.truncf %sub3A_729 : vector<128x256xf32> to vector<128x256xbf16>
      %mul3A_731 = arith.mulf %convert_element_type3A_730, %convert_element_type3A_119 : vector<128x256xbf16>
      %swap3A_732 = arith.constant 0 : index
      %swap3A_733 = arith.constant 4352 : index
      %swap3A_734 = vector.load %arg14[%swap3A_732, %swap3A_733] : memref<128x5376xbf16, #tpu.memory_space<vmem>>, vector<128x256xbf16>
      tpu.vector_store %arg14[%swap3A_732, %swap3A_733], %mul3A_731 {strides = array<i32>} : memref<128x5376xbf16, #tpu.memory_space<vmem>>, vector<128x256xbf16>,
      %mul3A_735 = arith.mulf %convert_element_type3A_730, %convert_element_type3A_121 : vector<128x256xbf16>
      %swap3A_736 = arith.constant 0 : index
      %swap3A_737 = arith.constant 4352 : index
      %swap3A_738 = vector.load %arg15[%swap3A_736, %swap3A_737] : memref<384x5376xbf16, #tpu.memory_space<vmem>>, vector<128x256xbf16>
      tpu.vector_store %arg15[%swap3A_736, %swap3A_737], %mul3A_735 {strides = array<i32>} : memref<384x5376xbf16, #tpu.memory_space<vmem>>, vector<128x256xbf16>,
      %mul3A_739 = arith.mulf %convert_element_type3A_730, %convert_element_type3A_123 : vector<128x256xbf16>
      %swap3A_740 = arith.constant 128 : index
      %swap3A_741 = arith.constant 4352 : index
      %swap3A_742 = vector.load %arg15[%swap3A_740, %swap3A_741] : memref<384x5376xbf16, #tpu.memory_space<vmem>>, vector<128x256xbf16>
      tpu.vector_store %arg15[%swap3A_740, %swap3A_741], %mul3A_739 {strides = array<i32>} : memref<384x5376xbf16, #tpu.memory_space<vmem>>, vector<128x256xbf16>,
      %mul3A_743 = arith.mulf %convert_element_type3A_730, %convert_element_type3A_125 : vector<128x256xbf16>
      %swap3A_744 = arith.constant 256 : index
      %swap3A_745 = arith.constant 4352 : index
      %swap3A_746 = vector.load %arg15[%swap3A_744, %swap3A_745] : memref<384x5376xbf16, #tpu.memory_space<vmem>>, vector<128x256xbf16>
      tpu.vector_store %arg15[%swap3A_744, %swap3A_745], %mul3A_743 {strides = array<i32>} : memref<384x5376xbf16, #tpu.memory_space<vmem>>, vector<128x256xbf16>,
      %get3A_747 = arith.constant 17 : index
      %get3A_748 = arith.constant 0 : index
      %get3A_749 = vector.load %arg8[%get3A_747, %get3A_748] : memref<20x128xbf16, #tpu.memory_space<vmem>>, vector<1x128xbf16>
      %mul3A_750 = vector.broadcast %get3A_749 : vector<1x128xbf16> to vector<256x128xbf16>
      %mul3A_751 = arith.mulf %get3A_71, %mul3A_750 : vector<256x128xbf16>
      %swap3A_752 = arith.constant 4352 : index
      %swap3A_753 = arith.constant 0 : index
      %swap3A_754 = vector.load %arg16[%swap3A_752, %swap3A_753] : memref<5376x128xbf16, #tpu.memory_space<vmem>>, vector<256x128xbf16>
      tpu.vector_store %arg16[%swap3A_752, %swap3A_753], %mul3A_751 {strides = array<i32>} : memref<5376x128xbf16, #tpu.memory_space<vmem>>, vector<256x128xbf16>,
      %get3A_755 = arith.constant 17 : index
      %get3A_756 = arith.constant 0 : index
      %get3A_757 = vector.load %arg9[%get3A_755, %get3A_756] : memref<20x128xbf16, #tpu.memory_space<vmem>>, vector<1x128xbf16>
      %mul3A_758 = vector.broadcast %get3A_757 : vector<1x128xbf16> to vector<256x128xbf16>
      %mul3A_759 = arith.mulf %get3A_74, %mul3A_758 : vector<256x128xbf16>
      %swap3A_760 = arith.constant 4352 : index
      %swap3A_761 = arith.constant 0 : index
      %swap3A_762 = vector.load %arg17[%swap3A_760, %swap3A_761] : memref<5376x128xbf16, #tpu.memory_space<vmem>>, vector<256x128xbf16>
      tpu.vector_store %arg17[%swap3A_760, %swap3A_761], %mul3A_759 {strides = array<i32>} : memref<5376x128xbf16, #tpu.memory_space<vmem>>, vector<256x128xbf16>,
      %mul3A_763 = arith.mulf %mul3A_132, %sub3A_729 : vector<128x256xf32>
      %sub3A_764 = arith.subf %mul3A_763, %sub3A_694 : vector<128x256xf32>
      %convert_element_type3A_765 = arith.truncf %sub3A_764 : vector<128x256xf32> to vector<128x256xbf16>
      %mul3A_766 = arith.mulf %convert_element_type3A_765, %convert_element_type3A_119 : vector<128x256xbf16>
      %swap3A_767 = arith.constant 0 : index
      %swap3A_768 = arith.constant 4608 : index
      %swap3A_769 = vector.load %arg14[%swap3A_767, %swap3A_768] : memref<128x5376xbf16, #tpu.memory_space<vmem>>, vector<128x256xbf16>
      tpu.vector_store %arg14[%swap3A_767, %swap3A_768], %mul3A_766 {strides = array<i32>} : memref<128x5376xbf16, #tpu.memory_space<vmem>>, vector<128x256xbf16>,
      %mul3A_770 = arith.mulf %convert_element_type3A_765, %convert_element_type3A_121 : vector<128x256xbf16>
      %swap3A_771 = arith.constant 0 : index
      %swap3A_772 = arith.constant 4608 : index
      %swap3A_773 = vector.load %arg15[%swap3A_771, %swap3A_772] : memref<384x5376xbf16, #tpu.memory_space<vmem>>, vector<128x256xbf16>
      tpu.vector_store %arg15[%swap3A_771, %swap3A_772], %mul3A_770 {strides = array<i32>} : memref<384x5376xbf16, #tpu.memory_space<vmem>>, vector<128x256xbf16>,
      %mul3A_774 = arith.mulf %convert_element_type3A_765, %convert_element_type3A_123 : vector<128x256xbf16>
      %swap3A_775 = arith.constant 128 : index
      %swap3A_776 = arith.constant 4608 : index
      %swap3A_777 = vector.load %arg15[%swap3A_775, %swap3A_776] : memref<384x5376xbf16, #tpu.memory_space<vmem>>, vector<128x256xbf16>
      tpu.vector_store %arg15[%swap3A_775, %swap3A_776], %mul3A_774 {strides = array<i32>} : memref<384x5376xbf16, #tpu.memory_space<vmem>>, vector<128x256xbf16>,
      %mul3A_778 = arith.mulf %convert_element_type3A_765, %convert_element_type3A_125 : vector<128x256xbf16>
      %swap3A_779 = arith.constant 256 : index
      %swap3A_780 = arith.constant 4608 : index
      %swap3A_781 = vector.load %arg15[%swap3A_779, %swap3A_780] : memref<384x5376xbf16, #tpu.memory_space<vmem>>, vector<128x256xbf16>
      tpu.vector_store %arg15[%swap3A_779, %swap3A_780], %mul3A_778 {strides = array<i32>} : memref<384x5376xbf16, #tpu.memory_space<vmem>>, vector<128x256xbf16>,
      %get3A_782 = arith.constant 18 : index
      %get3A_783 = arith.constant 0 : index
      %get3A_784 = vector.load %arg8[%get3A_782, %get3A_783] : memref<20x128xbf16, #tpu.memory_space<vmem>>, vector<1x128xbf16>
      %mul3A_785 = vector.broadcast %get3A_784 : vector<1x128xbf16> to vector<256x128xbf16>
      %mul3A_786 = arith.mulf %get3A_71, %mul3A_785 : vector<256x128xbf16>
      %swap3A_787 = arith.constant 4608 : index
      %swap3A_788 = arith.constant 0 : index
      %swap3A_789 = vector.load %arg16[%swap3A_787, %swap3A_788] : memref<5376x128xbf16, #tpu.memory_space<vmem>>, vector<256x128xbf16>
      tpu.vector_store %arg16[%swap3A_787, %swap3A_788], %mul3A_786 {strides = array<i32>} : memref<5376x128xbf16, #tpu.memory_space<vmem>>, vector<256x128xbf16>,
      %get3A_790 = arith.constant 18 : index
      %get3A_791 = arith.constant 0 : index
      %get3A_792 = vector.load %arg9[%get3A_790, %get3A_791] : memref<20x128xbf16, #tpu.memory_space<vmem>>, vector<1x128xbf16>
      %mul3A_793 = vector.broadcast %get3A_792 : vector<1x128xbf16> to vector<256x128xbf16>
      %mul3A_794 = arith.mulf %get3A_74, %mul3A_793 : vector<256x128xbf16>
      %swap3A_795 = arith.constant 4608 : index
      %swap3A_796 = arith.constant 0 : index
      %swap3A_797 = vector.load %arg17[%swap3A_795, %swap3A_796] : memref<5376x128xbf16, #tpu.memory_space<vmem>>, vector<256x128xbf16>
      tpu.vector_store %arg17[%swap3A_795, %swap3A_796], %mul3A_794 {strides = array<i32>} : memref<5376x128xbf16, #tpu.memory_space<vmem>>, vector<256x128xbf16>,
      %mul3A_798 = arith.mulf %mul3A_132, %sub3A_764 : vector<128x256xf32>
      %sub3A_799 = arith.subf %mul3A_798, %sub3A_729 : vector<128x256xf32>
      %convert_element_type3A_800 = arith.truncf %sub3A_799 : vector<128x256xf32> to vector<128x256xbf16>
      %mul3A_801 = arith.mulf %convert_element_type3A_800, %convert_element_type3A_119 : vector<128x256xbf16>
      %swap3A_802 = arith.constant 0 : index
      %swap3A_803 = arith.constant 4864 : index
      %swap3A_804 = vector.load %arg14[%swap3A_802, %swap3A_803] : memref<128x5376xbf16, #tpu.memory_space<vmem>>, vector<128x256xbf16>
      tpu.vector_store %arg14[%swap3A_802, %swap3A_803], %mul3A_801 {strides = array<i32>} : memref<128x5376xbf16, #tpu.memory_space<vmem>>, vector<128x256xbf16>,
      %mul3A_805 = arith.mulf %convert_element_type3A_800, %convert_element_type3A_121 : vector<128x256xbf16>
      %swap3A_806 = arith.constant 0 : index
      %swap3A_807 = arith.constant 4864 : index
      %swap3A_808 = vector.load %arg15[%swap3A_806, %swap3A_807] : memref<384x5376xbf16, #tpu.memory_space<vmem>>, vector<128x256xbf16>
      tpu.vector_store %arg15[%swap3A_806, %swap3A_807], %mul3A_805 {strides = array<i32>} : memref<384x5376xbf16, #tpu.memory_space<vmem>>, vector<128x256xbf16>,
      %mul3A_809 = arith.mulf %convert_element_type3A_800, %convert_element_type3A_123 : vector<128x256xbf16>
      %swap3A_810 = arith.constant 128 : index
      %swap3A_811 = arith.constant 4864 : index
      %swap3A_812 = vector.load %arg15[%swap3A_810, %swap3A_811] : memref<384x5376xbf16, #tpu.memory_space<vmem>>, vector<128x256xbf16>
      tpu.vector_store %arg15[%swap3A_810, %swap3A_811], %mul3A_809 {strides = array<i32>} : memref<384x5376xbf16, #tpu.memory_space<vmem>>, vector<128x256xbf16>,
      %mul3A_813 = arith.mulf %convert_element_type3A_800, %convert_element_type3A_125 : vector<128x256xbf16>
      %swap3A_814 = arith.constant 256 : index
      %swap3A_815 = arith.constant 4864 : index
      %swap3A_816 = vector.load %arg15[%swap3A_814, %swap3A_815] : memref<384x5376xbf16, #tpu.memory_space<vmem>>, vector<128x256xbf16>
      tpu.vector_store %arg15[%swap3A_814, %swap3A_815], %mul3A_813 {strides = array<i32>} : memref<384x5376xbf16, #tpu.memory_space<vmem>>, vector<128x256xbf16>,
      %get3A_817 = arith.constant 19 : index
      %get3A_818 = arith.constant 0 : index
      %get3A_819 = vector.load %arg8[%get3A_817, %get3A_818] : memref<20x128xbf16, #tpu.memory_space<vmem>>, vector<1x128xbf16>
      %mul3A_820 = vector.broadcast %get3A_819 : vector<1x128xbf16> to vector<256x128xbf16>
      %mul3A_821 = arith.mulf %get3A_71, %mul3A_820 : vector<256x128xbf16>
      %swap3A_822 = arith.constant 4864 : index
      %swap3A_823 = arith.constant 0 : index
      %swap3A_824 = vector.load %arg16[%swap3A_822, %swap3A_823] : memref<5376x128xbf16, #tpu.memory_space<vmem>>, vector<256x128xbf16>
      tpu.vector_store %arg16[%swap3A_822, %swap3A_823], %mul3A_821 {strides = array<i32>} : memref<5376x128xbf16, #tpu.memory_space<vmem>>, vector<256x128xbf16>,
      %get3A_825 = arith.constant 19 : index
      %get3A_826 = arith.constant 0 : index
      %get3A_827 = vector.load %arg9[%get3A_825, %get3A_826] : memref<20x128xbf16, #tpu.memory_space<vmem>>, vector<1x128xbf16>
      %mul3A_828 = vector.broadcast %get3A_827 : vector<1x128xbf16> to vector<256x128xbf16>
      %mul3A_829 = arith.mulf %get3A_74, %mul3A_828 : vector<256x128xbf16>
      %swap3A_830 = arith.constant 4864 : index
      %swap3A_831 = arith.constant 0 : index
      %swap3A_832 = vector.load %arg17[%swap3A_830, %swap3A_831] : memref<5376x128xbf16, #tpu.memory_space<vmem>>, vector<256x128xbf16>
      tpu.vector_store %arg17[%swap3A_830, %swap3A_831], %mul3A_829 {strides = array<i32>} : memref<5376x128xbf16, #tpu.memory_space<vmem>>, vector<256x128xbf16>,
      %mul3A_833 = arith.mulf %mul3A_132, %sub3A_799 : vector<128x256xf32>
      %sub3A_834 = arith.subf %mul3A_833, %sub3A_764 : vector<128x256xf32>
      %convert_element_type3A_835 = arith.truncf %convert_element_type3A_96 : vector<128x256xf32> to vector<128x256xbf16>
      %swap3A_836 = arith.constant 0 : index
      %swap3A_837 = arith.constant 5120 : index
      %swap3A_838 = vector.load %arg14[%swap3A_836, %swap3A_837] : memref<128x5376xbf16, #tpu.memory_space<vmem>>, vector<128x256xbf16>
      tpu.vector_store %arg14[%swap3A_836, %swap3A_837], %convert_element_type3A_835 {strides = array<i32>} : memref<128x5376xbf16, #tpu.memory_space<vmem>>, vector<128x256xbf16>,
      %mul3A_839 = arith.mulf %convert_element_type3A_126, %convert_element_type3A_121 : vector<128x256xbf16>
      %swap3A_840 = arith.constant 0 : index
      %swap3A_841 = arith.constant 5120 : index
      %swap3A_842 = vector.load %arg15[%swap3A_840, %swap3A_841] : memref<384x5376xbf16, #tpu.memory_space<vmem>>, vector<128x256xbf16>
      tpu.vector_store %arg15[%swap3A_840, %swap3A_841], %mul3A_839 {strides = array<i32>} : memref<384x5376xbf16, #tpu.memory_space<vmem>>, vector<128x256xbf16>,
      %mul3A_843 = arith.mulf %convert_element_type3A_126, %convert_element_type3A_123 : vector<128x256xbf16>
      %swap3A_844 = arith.constant 128 : index
      %swap3A_845 = arith.constant 5120 : index
      %swap3A_846 = vector.load %arg15[%swap3A_844, %swap3A_845] : memref<384x5376xbf16, #tpu.memory_space<vmem>>, vector<128x256xbf16>
      tpu.vector_store %arg15[%swap3A_844, %swap3A_845], %mul3A_843 {strides = array<i32>} : memref<384x5376xbf16, #tpu.memory_space<vmem>>, vector<128x256xbf16>,
      %mul3A_847 = arith.mulf %convert_element_type3A_126, %convert_element_type3A_125 : vector<128x256xbf16>
      %swap3A_848 = arith.constant 256 : index
      %swap3A_849 = arith.constant 5120 : index
      %swap3A_850 = vector.load %arg15[%swap3A_848, %swap3A_849] : memref<384x5376xbf16, #tpu.memory_space<vmem>>, vector<128x256xbf16>
      tpu.vector_store %arg15[%swap3A_848, %swap3A_849], %mul3A_847 {strides = array<i32>} : memref<384x5376xbf16, #tpu.memory_space<vmem>>, vector<128x256xbf16>,
      %mul3A_851 = vector.broadcast %get3A_17 : vector<1x128xbf16> to vector<256x128xbf16>
      %mul3A_852 = arith.mulf %get3A_71, %mul3A_851 : vector<256x128xbf16>
      %swap3A_853 = arith.constant 5120 : index
      %swap3A_854 = arith.constant 0 : index
      %swap3A_855 = vector.load %arg16[%swap3A_853, %swap3A_854] : memref<5376x128xbf16, #tpu.memory_space<vmem>>, vector<256x128xbf16>
      tpu.vector_store %arg16[%swap3A_853, %swap3A_854], %mul3A_852 {strides = array<i32>} : memref<5376x128xbf16, #tpu.memory_space<vmem>>, vector<256x128xbf16>,
      %mul3A_856 = vector.broadcast %get3A_20 : vector<1x128xbf16> to vector<256x128xbf16>
      %mul3A_857 = arith.mulf %get3A_74, %mul3A_856 : vector<256x128xbf16>
      %swap3A_858 = arith.constant 5120 : index
      %swap3A_859 = arith.constant 0 : index
      %swap3A_860 = vector.load %arg17[%swap3A_858, %swap3A_859] : memref<5376x128xbf16, #tpu.memory_space<vmem>>, vector<256x128xbf16>
      tpu.vector_store %arg17[%swap3A_858, %swap3A_859], %mul3A_857 {strides = array<i32>} : memref<5376x128xbf16, #tpu.memory_space<vmem>>, vector<256x128xbf16>,
      %get3A_861 = arith.constant 0 : index
      %get3A_862 = arith.constant 0 : index
      %get3A_863 = vector.load %arg14[%get3A_861, %get3A_862] : memref<128x5376xbf16, #tpu.memory_space<vmem>>, vector<128x5376xbf16>
      %get3A_864 = arith.constant 0 : index
      %get3A_865 = arith.constant 0 : index
      %get3A_866 = vector.load %arg16[%get3A_864, %get3A_865] : memref<5376x128xbf16, #tpu.memory_space<vmem>>, vector<5376x128xbf16>
      %dot_general3A_867 = arith.constant dense<0.000000e+00> : vector<128x128xf32>
      %dot_general3A_868 = tpu.matmul %get3A_863, %get3A_866, %dot_general3A_867 {dimension_numbers = #tpu.dot_dimension_numbers<[1], [0], [0], [1], [0, 0, 1, 1], [], []>, transpose_lhs_hint = false} : vector<128x5376xbf16>, vector<5376x128xbf16>, vector<128x128xf32> -> vector<128x128xf32>
      %add3A_869 = arith.addf %while3A_58, %dot_general3A_868 : vector<128x128xf32>
      %get3A_870 = arith.constant 0 : index
      %get3A_871 = arith.constant 0 : index
      %get3A_872 = vector.load %arg15[%get3A_870, %get3A_871] : memref<384x5376xbf16, #tpu.memory_space<vmem>>, vector<384x5376xbf16>
      %get3A_873 = arith.constant 0 : index
      %get3A_874 = arith.constant 0 : index
      %get3A_875 = vector.load %arg17[%get3A_873, %get3A_874] : memref<5376x128xbf16, #tpu.memory_space<vmem>>, vector<5376x128xbf16>
      %dot_general3A_876 = arith.constant dense<0.000000e+00> : vector<384x128xf32>
      %dot_general3A_877 = tpu.matmul %get3A_872, %get3A_875, %dot_general3A_876 {dimension_numbers = #tpu.dot_dimension_numbers<[1], [0], [0], [1], [0, 0, 1, 1], [], []>, transpose_lhs_hint = false} : vector<384x5376xbf16>, vector<5376x128xbf16>, vector<384x128xf32> -> vector<384x128xf32>
      %add3A_878 = arith.addf %while3A_59, %dot_general3A_877 : vector<384x128xf32>
      scf.yield %add3A_869, %add3A_878 : vector<128x128xf32>, vector<384x128xf32>
    }
    %swap3A = arith.constant 0 : index
    %swap3A_35 = arith.constant 0 : index
    %swap3A_36 = vector.load %arg12[%swap3A, %swap3A_35] : memref<128x128xf32, #tpu.memory_space<vmem>>, vector<128x128xf32>
    tpu.vector_store %arg12[%swap3A, %swap3A_35], %while3A_34#0 {strides = array<i32>} : memref<128x128xf32, #tpu.memory_space<vmem>>, vector<128x128xf32>,
    %slice3A = vector.extract_strided_slice %while3A_34#1 {offsets = [0, 0], sizes = [128, 128], strides = [1, 1]} : vector<384x128xf32> to vector<128x128xf32>
    %swap3A_37 = arith.constant 0 : index
    %swap3A_38 = arith.constant 0 : index
    %swap3A_39 = arith.constant 0 : index
    %swap3A_40 = vector.load %arg13[%swap3A_37, %swap3A_38, %swap3A_39] : memref<3x128x128xf32, #tpu.memory_space<vmem>>, vector<1x128x128xf32>
    %swap3A_41 = vector.shape_cast %swap3A_40 : vector<1x128x128xf32> to vector<128x128xf32>
    %swap3A_42 = vector.shape_cast %slice3A : vector<128x128xf32> to vector<1x128x128xf32>
    tpu.vector_store %arg13[%swap3A_37, %swap3A_38, %swap3A_39], %swap3A_42 {strides = array<i32>} : memref<3x128x128xf32, #tpu.memory_space<vmem>>, vector<1x128x128xf32>,
    %slice3A_43 = vector.extract_strided_slice %while3A_34#1 {offsets = [128, 0], sizes = [128, 128], strides = [1, 1]} : vector<384x128xf32> to vector<128x128xf32>
    %swap3A_44 = arith.constant 1 : index
    %swap3A_45 = arith.constant 0 : index
    %swap3A_46 = arith.constant 0 : index
    %swap3A_47 = vector.load %arg13[%swap3A_44, %swap3A_45, %swap3A_46] : memref<3x128x128xf32, #tpu.memory_space<vmem>>, vector<1x128x128xf32>
    %swap3A_48 = vector.shape_cast %swap3A_47 : vector<1x128x128xf32> to vector<128x128xf32>
    %swap3A_49 = vector.shape_cast %slice3A_43 : vector<128x128xf32> to vector<1x128x128xf32>
    tpu.vector_store %arg13[%swap3A_44, %swap3A_45, %swap3A_46], %swap3A_49 {strides = array<i32>} : memref<3x128x128xf32, #tpu.memory_space<vmem>>, vector<1x128x128xf32>,
    %slice3A_50 = vector.extract_strided_slice %while3A_34#1 {offsets = [256, 0], sizes = [128, 128], strides = [1, 1]} : vector<384x128xf32> to vector<128x128xf32>
    %swap3A_51 = arith.constant 2 : index
    %swap3A_52 = arith.constant 0 : index
    %swap3A_53 = arith.constant 0 : index
    %swap3A_54 = vector.load %arg13[%swap3A_51, %swap3A_52, %swap3A_53] : memref<3x128x128xf32, #tpu.memory_space<vmem>>, vector<1x128x128xf32>
    %swap3A_55 = vector.shape_cast %swap3A_54 : vector<1x128x128xf32> to vector<128x128xf32>
    %swap3A_56 = vector.shape_cast %slice3A_50 : vector<128x128xf32> to vector<1x128x128xf32>
    tpu.vector_store %arg13[%swap3A_51, %swap3A_52, %swap3A_53], %swap3A_56 {strides = array<i32>} : memref<3x128x128xf32, #tpu.memory_space<vmem>>, vector<1x128x128xf32>,
    return
  }
  func.func @transform_0(%arg0: i32, %arg1: memref<2x32xi32, #tpu.memory_space<smem>>) -> (i32, i32) {
    %c0_i32 = arith.constant 0 : i32
    %c0_i32_0 = arith.constant 0 : i32
    return %arg0, %c0_i32 : i32, i32
  }
  func.func @transform_1(%arg0: i32, %arg1: memref<2x32xi32, #tpu.memory_space<smem>>) -> (i32, i32) {
    %c0_i32 = arith.constant 0 : i32
    %c0_i32_0 = arith.constant 0 : i32
    return %arg0, %c0_i32 : i32, i32
  }
  func.func @transform_2(%arg0: i32, %arg1: memref<2x32xi32, #tpu.memory_space<smem>>) -> (i32, i32) {
    %c0_i32 = arith.constant 0 : i32
    %c0_i32_0 = arith.constant 0 : i32
    %c0_i32_1 = arith.constant 0 : i32
    return %c0_i32, %c0_i32_0 : i32, i32
  }
  func.func @transform_3(%arg0: i32, %arg1: memref<2x32xi32, #tpu.memory_space<smem>>) -> (i32, i32) {
    %c0_i32 = arith.constant 0 : i32
    %c0_i32_0 = arith.constant 0 : i32
    %c0_i32_1 = arith.constant 0 : i32
    return %c0_i32, %c0_i32_0 : i32, i32
  }
  func.func @transform_4(%arg0: i32, %arg1: memref<2x32xi32, #tpu.memory_space<smem>>) -> (i32, i32) {
    %c0_i32 = arith.constant 0 : i32
    %c0_i32_0 = arith.constant 0 : i32
    %c0_i32_1 = arith.constant 0 : i32
    return %c0_i32, %c0_i32_0 : i32, i32
  }
  func.func @transform_5(%arg0: i32, %arg1: memref<2x32xi32, #tpu.memory_space<smem>>) -> (i32, i32) {
    %c0_i32 = arith.constant 0 : i32
    %c0_i32_0 = arith.constant 0 : i32
    %c0_i32_1 = arith.constant 0 : i32
    return %c0_i32, %c0_i32_0 : i32, i32
  }
  func.func @transform_6(%arg0: i32, %arg1: memref<2x32xi32, #tpu.memory_space<smem>>) -> (i32, i32) {
    %c0_i32 = arith.constant 0 : i32
    %c0_i32_0 = arith.constant 0 : i32
    %c0_i32_1 = arith.constant 0 : i32
    return %c0_i32, %c0_i32_0 : i32, i32
  }
  func.func @transform_7(%arg0: i32, %arg1: memref<2x32xi32, #tpu.memory_space<smem>>) -> (i32, i32) {
    %c0_i32 = arith.constant 0 : i32
    %c0_i32_0 = arith.constant 0 : i32
    %c0_i32_1 = arith.constant 0 : i32
    return %c0_i32, %c0_i32_0 : i32, i32
  }
  func.func @transform_8(%arg0: i32, %arg1: memref<2x32xi32, #tpu.memory_space<smem>>) -> (i32, i32) {
    %c0_i32 = arith.constant 0 : i32
    %c0_i32_0 = arith.constant 0 : i32
    %c0_i32_1 = arith.constant 0 : i32
    return %c0_i32, %c0_i32_0 : i32, i32
  }
  func.func @transform_9(%arg0: i32, %arg1: memref<2x32xi32, #tpu.memory_space<smem>>) -> (i32, i32) {
    %c0_i32 = arith.constant 0 : i32
    %c0_i32_0 = arith.constant 0 : i32
    %c0_i32_1 = arith.constant 0 : i32
    return %c0_i32, %c0_i32_0 : i32, i32
  }
  func.func @transform_10(%arg0: i32, %arg1: memref<2x32xi32, #tpu.memory_space<smem>>) -> (i32, i32) {
    %c0_i32 = arith.constant 0 : i32
    %c0_i32_0 = arith.constant 0 : i32
    return %arg0, %c0_i32 : i32, i32
  }
  func.func @transform_11(%arg0: i32, %arg1: memref<2x32xi32, #tpu.memory_space<smem>>) -> (i32, i32, i32) {
    %c0_i32 = arith.constant 0 : i32
    %c0_i32_0 = arith.constant 0 : i32
    %c0_i32_1 = arith.constant 0 : i32
    return %c0_i32, %arg0, %c0_i32_0 : i32, i32, i32
  }
}

</mosaic_0001>

<sc_bundles>
// kernel: kernel.5.cloned.1.call-start
scs
__scs_entry_jumppad:
0x0: {  	(pc) =	sbr.rel $0x88, $3  }
0x1: {  	(tag) =	ssettag $0x0;
	lr =	simm.s32 $0x1  }
0x2: {  	[smem:$0x3F97] =	sst lr;
	_ =	strace $0xD0000000  }
0x3: {  	_ = 	snop  }
0x4: {  	_ = 	snop  }
0x5: {  	_ = 	snop  }
0x6: {  	_ = 	snop  }
0x7: {  	_ = 	snop  }
__scs_overlays_trampoline_lowered:
0x8: {  	[smem:$0x3FA6] =	sst s0  }
0x9: {  	[smem:$0x3FA7] =	sst s1  }
0xa: {  	[smem:$0x3FA8] =	sst s2  }
0xb: {  	[smem:$0x3FA9] =	sst s3  }
0xc: {  	[smem:$0x3FAA] =	sst s4  }
0xd: {  	[smem:$0x3FAB] =	sst s5  }
0xe: {  	[smem:$0x3FAC] =	sst s6  }
0xf: {  	[smem:$0x3FAD] =	sst s7  }
0x10: {  	[smem:$0x3FAE] =	sst s8  }
0x11: {  	[smem:$0x3FAF] =	sst s9;
	s0 =	simm.s32 @!p0 $0x0  }
0x12: {  	s1 =	sld [smem:$0x3F95];
	s0 =	simm.s32 @p0 $0x1  }
0x13: {  	[smem:$0x3FB0] =	sst s0;
	s0 =	simm.s32 @!p1 $0x0  }
0x14: {  	s2 =	sld [smem:$0x3F94];
	s0 =	simm.s32 @p1 $0x1  }
0x15: {  	[smem:$0x3FB1] =	sst s0;
	s0 =	simm.s32 @!p2 $0x0  }
0x16: {  	s3 =	sld [smem:$0x3FDB];
	s0 =	simm.s32 @p2 $0x1  }
0x17: {  	s4 =	simm.s32 $0x1BF5;
	[smem:$0x3FB3] =	sst s0  }
0x18: {  	s0 =	sld [smem:$0x3F96];
	_ =	swait.ge [sflag:s4], $0x0  }
0x19: {  	s7 =	sld [smem:$0x3F97]  }
0x1a: {  	s8 =	sadd.s32 $0xFFFFE003, lr  }
0x1b: {  	s9 =	sadd.s32 $0xFFFFFEF7, lr;
	s5 =	simm.s32 $0xFFFFFFFF;
	p2 =	slt.u32 s8, $0xFFFFF086  }
0x1c: {  	p1 =	slt.u32 s9, $0xF7A;
	s5 =	simm.s32 @!p2 $0x0  }
0x1d: {  	s5 =	simm.s32 @p1 $0x1;
	p0 =	seq.s32 s7, s2  }
0x1e: {  	s7 =	smul.u32 @!p0 $0xF7A, s2;
	p2 =	seq.s32 @!p0 s5, $0x0  }
0x1f: {  	s9 =	smul.u32 $0xF7A, s1;
	s8 =	simm.s32 @!p0 $0x1BF5;
	p2 =	por !p2, p0  }
0x20: {  	[sflag:s8] =	ssyncset.s32 @!p0 $0xFFFFF086;
	s6 =	sadd.s32 @!p0 s3, s7;
	s7 =	simm.s32 @!p0 $0x108  }
0x21: {  	s3 =	sadd.s32 s3, s9;
	s6 =	sadd.s32 @!p0 $0x88, s6;
	s7 =	simm.s32 @p2 $0x1082  }
0x22: {  	[simem:s7], [sflag:s8] =	dma.local @!p0 [hbm:s6], $0xF7A  }
0x23: {  	s9 =	sor.u32 $0xD0000000, s2;
	s6 =	simm.s32 $0x108;
	_ =	swait.ge @!p0 [sflag:s8], $0x0  }
0x24: {  	s3 =	sadd.s32 $0x88, s3;
	s6 =	simm.s32 @!p1 $0x1082;
	[sflag:s4] =	ssyncset.s32 $0xFFFFF086  }
0x25: {  	[simem:s6], [sflag:s4] =	dma.local [hbm:s3], $0xF7A  }
0x26: {  	[smem:$0x3F97] =	sst s1;
	(tag) =	ssettag s2;
	_ =	strace s9  }
0x27: {  	s1 =	sld [smem:$0x3FA7]  }
0x28: {  	s2 =	sld [smem:$0x3FA8]  }
0x29: {  	s4 =	sld [smem:$0x3FAA]  }
0x2a: {  	p0 =	seq.s32 s5, $0x0;
	s5 =	sld [smem:$0x3FAB]  }
0x2b: {  	s6 =	sld [smem:$0x3FAC]  }
0x2c: {  	s7 =	sld [smem:$0x3FAD]  }
0x2d: {  	s3 =	simm.s32 $0x108;
	s8 =	sld [smem:$0x3FAE]  }
0x2e: {  	s3 =	simm.s32 @!p0 $0x1082;
	s9 =	sld [smem:$0x3FAF]  }
0x2f: {  	lr =	sadd.s32 s0, s3;
	s0 =	sld [smem:$0x3FA6]  }
0x30: {  	s3 =	sld [smem:$0x3FA9]  }
0x31: {  	[smem:$0x3FB2] =	sst s10  }
0x32: {  	s10 =	sld [smem:$0x3FB0];
	_ =	sdelay $0x3  }
0x33: {  	p0 =	seq.s32 s10, $0x1;
	s10 =	sld [smem:$0x3FB2];
	_ =	sdelay $0x3  }
0x34: {  	[smem:$0x3FB2] =	sst s10  }
0x35: {  	s10 =	sld [smem:$0x3FB1];
	_ =	sdelay $0x3  }
0x36: {  	p1 =	seq.s32 s10, $0x1;
	s10 =	sld [smem:$0x3FB2];
	_ =	sdelay $0x3  }
0x37: {  	[smem:$0x3FB2] =	sst s10  }
0x38: {  	s10 =	sld [smem:$0x3FB3]  }
0x39: {  	_ = 	snop;
	(pc) =	sbr.ind lr, $3  }
0x3a: {  	_ = 	snop  }
0x3b: {  	_ = 	snop  }
0x3c: {  	p2 =	seq.s32 s10, $0x1;
	s10 =	sld [smem:$0x3FB2]  }
0x3d: {  	_ =	shalt  }
0x3e: {  	_ =	shalt  }
0x3f: {  	_ =	shalt  }
0x40: {  	_ =	shalt  }
0x41: {  	_ =	shalt  }
0x42: {  	_ =	shalt  }
0x43: {  	_ =	shalt  }
0x44: {  	_ =	shalt  }
0x45: {  	_ =	shalt  }
0x46: {  	_ =	shalt  }
0x47: {  	_ =	shalt  }
0x48: {  	_ =	shalt  }
0x49: {  	_ =	shalt  }
0x4a: {  	_ =	shalt  }
0x4b: {  	_ =	shalt  }
0x4c: {  	_ =	shalt  }
0x4d: {  	_ =	shalt  }
0x4e: {  	_ =	shalt  }
0x4f: {  	_ =	shalt  }
0x50: {  	_ =	shalt  }
0x51: {  	_ =	shalt  }
0x52: {  	_ =	shalt  }
0x53: {  	_ =	shalt  }
0x54: {  	_ =	shalt  }
0x55: {  	_ =	shalt  }
0x56: {  	_ =	shalt  }
0x57: {  	_ =	shalt  }
0x58: {  	_ =	shalt  }
0x59: {  	_ =	shalt  }
0x5a: {  	_ =	shalt  }
0x5b: {  	_ =	shalt  }
0x5c: {  	_ =	shalt  }
0x5d: {  	_ =	shalt  }
0x5e: {  	_ =	shalt  }
0x5f: {  	_ =	shalt  }
0x60: {  	_ =	shalt  }
0x61: {  	_ =	shalt  }
0x62: {  	_ =	shalt  }
0x63: {  	_ =	shalt  }
0x64: {  	_ =	shalt  }
0x65: {  	_ =	shalt  }
0x66: {  	_ =	shalt  }
0x67: {  	_ =	shalt  }
0x68: {  	_ =	shalt  }
0x69: {  	_ =	shalt  }
0x6a: {  	_ =	shalt  }
0x6b: {  	_ =	shalt  }
0x6c: {  	_ =	shalt  }
0x6d: {  	_ =	shalt  }
0x6e: {  	_ =	shalt  }
0x6f: {  	_ =	shalt  }
0x70: {  	_ =	shalt  }
0x71: {  	_ =	shalt  }
0x72: {  	_ =	shalt  }
0x73: {  	_ =	shalt  }
0x74: {  	_ =	shalt  }
0x75: {  	_ =	shalt  }
0x76: {  	_ =	shalt  }
0x77: {  	_ =	shalt  }
0x78: {  	_ =	shalt  }
0x79: {  	_ =	shalt  }
0x7a: {  	_ =	shalt  }
0x7b: {  	_ =	shalt  }
0x7c: {  	_ =	shalt  }
0x7d: {  	_ =	shalt  }
0x7e: {  	_ =	shalt  }
0x7f: {  	_ =	shalt  }
0x80: {  	_ =	shalt  }
0x81: {  	_ =	shalt  }
0x82: {  	_ =	shalt  }
0x83: {  	_ =	shalt  }
0x84: {  	_ =	shalt  }
0x85: {  	_ =	shalt  }
0x86: {  	_ =	shalt  }
0x87: {  	_ =	shalt  }
.Lfunc_end0:
.L_simem_size_0:
called_computation_lowered:
.L_overlay_start_0:
0x88: {  	s2 =	sld [smem:$0x3FD9]  }
0x89: {  	s3 =	sld [smem:$0x3FFE];
	_ =	sdelay $0x1  }
0x8a: {  	s1 =	srdreg.scid  }
0x8b: {  	s0 =	sand.u32 $0x1, s1  }
0x8c: {  	s15 =	sshll.u32 s0, $0xA;
	s2 =	sadd.s32 s3, s2  }
0x8d: {  	s2 =	sadd.s32 s2, s15  }
0x8e: {  	[smem:$0x3FBE] =	sst s2  }
0x8f: {  	_ = 	snop  }
0x90: {  	s2 =	sld [smem:$0x3FD0];
	_ =	sdelay $0x1  }
0x91: {  	s16 =	sld [smem:$0x3FC9]  }
0x92: {  	s5 =	simm.s32 $0xA;
	s6 =	simm.s32 $0x10;
	s4 =	sld [smem:$0x3FC6]  }
0x93: {  	[smem:s6], [sflag:s5] =	dma.local [hbm:s2], $0x1  }
0x94: {  	_ =	swait.eq [sflag:s5], $0x1  }
0x95: {  	[sflag:s5] =	ssyncset.done $0x0  }
0x96: {  	[sflag:s5] =	ssyncadd.s32 $0xFFFFFFFF  }
0x97: {  	s17 =	sld [smem:$0x10];
	(tm) =	ssettm $0x1  }
0x98: {  	s18 =	sld [smem:$0x3FFB];
	_ =	sdelay $0x3  }
0x99: {  	_ =	strace s18  }
0x9a: {  	s5 =	sld [smem:$0x3FFC];
	_ =	sdelay $0x3  }
0x9b: {  	_ =	strace s5  }
0x9c: {  	s5 =	sld [smem:$0x3FFD];
	_ =	sdelay $0x3  }
0x9d: {  	_ =	strace s5  }
0x9e: {  	_ =	strace $0x8FFFFFFF  }
0x9f: {  	s19 =	sld [smem:$0x3FDB];
	_ =	sdelay $0x1  }
0xa0: {  	s20 =	simm.s32 $_scs_section_size  }
0xa1: {  	s7 =	simm.s32 $_size__tile_overlayer_lowered;
	s8 =	simm.s32 $_tile_overlayer_lowered  }
0xa2: {  	s23 =	simm.s32 $0x1BFF;
	s22 =	sshll.u32 s8, $0x1;
	s5 =	sadd.s32 s20, s19  }
0xa3: {  	s9 =	simm.s32 $0x0;
	s21 =	sshll.u32 s7, $0x1;
	s7 =	sadd.s32 s22, s5  }
0xa4: {  	[timem:s9], [sflag:s23] =	dma.local [hbm:s7], s21  }
0xa5: {  	_ =	swait.ge [sflag:s23], s21  }
0xa6: {  	s6 =	ssub.s32 $0x0, s21;
	[sflag:s23] =	ssyncset.done $0x0  }
0xa7: {  	[sflag:s23] =	ssyncadd.s32 s6;
	_ =	sdelay $0x1  }
0xa8: {  	s24 =	simm.s32 $0x1B8B  }
0xa9: {  	_ =	swait.ge [sflag:s24], $0x1  }
0xaa: {  	[sflag:s24] =	ssyncset.done $0x0  }
0xab: {  	s25 =	simm.s32 $0x1B8E;
	[sflag:s24] =	ssyncadd.s32 $0xFFFFFFFF  }
0xac: {  	s26 =	simm.s32 $execute0_lowered;
	[smem:$0x3FD2] =	sst s25  }
0xad: {  	s6 =	sshll.u32 s26, $0x1;
	_ =	strace $0x80000046;
	[dreg:$0x1] =	wrdreg $0xFFFFFFFF  }
0xae: {  	s28 =	simm.s32 $_size_execute0_lowered;
	s5 =	sadd.s32 s5, s6;
	[dreg:$0x0] =	wrdreg $0x0  }
0xaf: {  	s6 =	sshll.u32 s28, $0x1;
	[dreg:$0x2] =	wrdreg s5  }
0xb0: {  	[dreg:$0x3] =	wrdreg s6  }
0xb1: {  	[dreg:$0x4] =	wrdreg $0xC0  }
0xb2: {  	_ =	task [dreg:s9], $0x5FFFF  }
0xb3: {  	[dreg:$0x1] =	wrdreg $0xFFFFFFFF  }
0xb4: {  	[dreg:$0x0] =	wrdreg $0x60  }
0xb5: {  	[dreg:$0x2] =	wrdreg s4  }
0xb6: {  	[dreg:$0x3] =	wrdreg s16  }
0xb7: {  	[dreg:$0x4] =	wrdreg s17  }
0xb8: {  	[dreg:$0x5] =	wrdreg $0x9  }
0xb9: {  	_ =	task.clear_ibuf [dreg:s9], $0x6FFFF;
	_ =	strace $0x90000046  }
0xba: {  	s29 =	simm.s32 $0x9;
	_ =	strace $0x80000048  }
0xbb: {  	_ =	swait.ge [sflag:s29], $0x1  }
0xbc: {  	[sflag:s29] =	ssyncadd.s32 $0xFFFFFFFF  }
0xbd: {  	_ =	strace $0x90000048  }
0xbe: {  	_ =	sfence  }
0xbf: {  	s30 =	sld [smem:$0x0];
	_ =	sdelay $0x2  }
0xc0: {  	s31 =	sshll.u32 s1, $0xD;
	s1 =	sshrl.u32 s1, $0x2  }
0xc1: {  	s3 =	sand.u32 $0x4000, s31;
	s1 =	sadd.s32 s1, s30  }
0xc2: {  	s0 =	sor.u32 s3, s0;
	s1 =	sshll.u32 s1, $0x11  }
0xc3: {  	s0 =	sor.u32 s1, s0  }
0xc4: {  	s0 =	sadd.s32 $0x8F2B, s0  }
0xc5: {  	[sflag:s0] =	ssyncadd.remote.s32 $0x1  }
0xc6: {  	_ =	sfence.sel $0xFFFF  }
0xc7: {  	[dreg:$0x0] =	wrdreg $0xFFFFFFFF;
	(pc) =	sbr.abs _section_cstart, $3  }
0xc8: {  	[dreg:$0x1] =	wrdreg $0xFFFFFFFF  }
0xc9: {  	_ =	task.clear_ibuf [dreg:s9], $0x2FFFF;
	_ =	strace $0x9FFFFFFF  }
0xca: {  	(tm) =	ssettm $0x7FFFFFFF  }
0xcb: {  	_ =	shalt  }
tec
execute0_lowered:
.L_overlay_start_1:
0x0: {  	(tag) =	ssettag $0x1  }
0x1: {  	s1 =	rddreg [dreg:$0x0]  }
0x2: {  	s2 =	srdreg.scid;
	s4 =	rddreg [dreg:$0x1]  }
0x3: {  	s0 =	stileid.u32;
	s8 =	rddreg [dreg:$0x2];
	s6 =	sand.u32 $0x1, s2  }
0x4: {  	s3 =	simm.s32 $0x0;
	s5 =	sshll.u32 s0, $0x8;
	s7 =	sshll.u32 s6, $0x7  }
0x5: {  	[smem:$0x7FF] =	sst s3;
	s9 =	sor.u32 s7, s5  }
0x6: {  	s2 =	rddreg [dreg:$0x3];
	_ =	strace $0x80000047;
	s5 =	sshrl.u32 s9, $0x3  }
0x7: {  	s10 =	ssub.s32 $0x2, s6;
	s5 =	sadd.s32 s4, s5;
	s4 =	simm.s32 $0x2  }
0x8: {  	[tilespmem:s3], [sflag:$0x2] =	stream.linear.gather [hbm4b:s5+s3], $0x80, $0x38;
	[tilespmem:$0x4080] =	vst v63  }
0x9: {  	s11 =	sshrl.u32 s10, $0x1;
	_ =	swait.ge [sflag:s4], $0x80  }
0xa: {  	s6 =	simm.s32 $0x80;
	s10 =	ssub.s32 s10, s11;
	[sflag:s4] =	ssyncset.done $0x0  }
0xb: {  	s7 =	simm.s32 $0x1;
	s31 =	smax.u32 s10, $0x1;
	[sflag:s4] =	ssyncadd.s32 $0xFFFFFF80  }
0xc: {  	[tilespmem:s6], [sflag:$0x1] =	stream.indirect.gather [hbm4b:s1+s6], $0x80, s3, s6, $0xb8;
	[tilespmem:$0x4080] =	vst v63  }
0xd: {  	p0 =	sne.s32 s31, $0x1;
	_ =	swait.ge [sflag:s7], $0x4000  }
.Ltmp0:
0xe: {  	s9 =	sshll.u32 s9, $0x4;
	[sflag:s7] =	ssyncset.done $0x0;
	(pc) =	sbr.rel @!p0 .LBB2_2-.Ltmp0, $4  }
0xf: {  	s8 =	sadd.s32 s8, s9;
	[sflag:s7] =	ssyncadd.s32 $0xFFFFC000  }
0x10: {  	[hbm4b:s8+s3] =	stream.linear.scatter [tilespmem:s6], [sflag:$0x2], $0x4000, $0x38;
	[tilespmem:$0x4080] =	vst v63  }
0x11: {  	_ =	swait.ge [sflag:s4], $0x4000  }
0x12: {  	s9 =	sadd.s32 $0xFFFFFFFF, s31;
	[sflag:s4] =	ssyncset.done $0x0  }
.LBB2_1:
0x13: {  	p0 =	sne.s32 s9, $0x1;
	s9 =	sadd.s32 $0xFFFFFFFF, s9;
	[sflag:s4] =	ssyncadd.s32 $0xFFFFC000  }
0x14: {  	[tilespmem:s3], [sflag:$0x2] =	stream.linear.gather [hbm4b:s5+s3], $0x80, $0x38;
	[tilespmem:$0x4080] =	vst v63  }
0x15: {  	_ =	swait.ge [sflag:s4], $0x80  }
0x16: {  	[sflag:s4] =	ssyncset.done $0x0  }
0x17: {  	[sflag:s4] =	ssyncadd.s32 $0xFFFFFF80  }
0x18: {  	[tilespmem:s6], [sflag:$0x1] =	stream.indirect.gather [hbm4b:s1+s6], $0x80, s3, s6, $0xb8;
	[tilespmem:$0x4080] =	vst v63  }
0x19: {  	_ =	swait.ge [sflag:s7], $0x4000  }
.Ltmp1:
0x1a: {  	[sflag:s7] =	ssyncset.done $0x0;
	(pc) =	sbr.rel @p0 .LBB2_1-.Ltmp1, $4  }
0x1b: {  	[sflag:s7] =	ssyncadd.s32 $0xFFFFC000  }
0x1c: {  	[hbm4b:s8+s3] =	stream.linear.scatter [tilespmem:s6], [sflag:$0x2], $0x4000, $0x38;
	[tilespmem:$0x4080] =	vst v63  }
0x1d: {  	_ =	swait.ge [sflag:s4], $0x4000  }
0x1e: {  	[sflag:s4] =	ssyncset.done $0x0  }
.LBB2_2:
0x1f: {  	[sflag:s4] =	ssyncadd.s32 $0xFFFFC000  }
0x20: {  	_ =	sfence.sel $0x180000  }
0x21: {  	[bflag:$0x0] =	sbarrier.arrive $0xFFFF  }
0x22: {  	p0 =	sne.s32 s0, $0x0;
	_ =	strace $0x90000047  }
0x23: {  	s0 =	sadd.s32 @!p0 $0x100000, s2;
	[bflag:$0x2] =	sbarrier.arrive $0xFFFF  }
0x24: {  	[sflag:s0] =	ssyncadd.tile.s32 @!p0 $0x1;
	_ =	shalt  }
.Lfunc_end2:
_tile_overlayer_lowered:
.L_overlay_start_2:
0x25: {  	(tag) =	ssettag $0x2  }
0x26: {  	s0 =	rddreg [dreg:$0x0];
	s2 =	stileid.u32  }
0x27: {  	s1 =	rddreg [dreg:$0x1];
	p0 =	sne.s32 s2, $0x0  }
0x28: {  	s3 =	rddreg [dreg:$0x2];
	[bflag:$0x3] =	sbarrier.arrive $0xFFFF;
	s2 =	simm.s32 @!p0 $0x1C02  }
0x29: {  	[timem:s3], [sflag:s2] =	dma.local @!p0 [hbm:s0], s1  }
0x2a: {  	s0 =	simm.s32 @!p0 $0x2  }
0x2b: {  	_ =	swait.ge @!p0 [sflag:s0], s1  }
0x2c: {  	s1 =	ssub.s32 @!p0 $0x0, s1;
	[sflag:s0] =	ssyncset.done @!p0 $0x0  }
0x2d: {  	[sflag:s0] =	ssyncadd.s32 @!p0 s1  }
0x2e: {  	[bflag:$0x3] =	sbarrier.arrive $0xFFFF  }
0x2f: {  	_ =	shalt  }

</sc_bundles>
